<compile_context>
chip_gen: v7x
topology: tpu7x:2x2x1
jax: 0.10.2.dev20260603
libtpu: 0.0.44.dev20260713+nightly
codegen_flags: <defaults>
</compile_context>

<pallas_src>
import functools

import jax
import jax.numpy as jnp
from jax import lax
from jax.experimental import pallas as pl
from jax.experimental.pallas import tpu as pltpu
from jax.experimental.pallas import tpu_sc as plsc

F32 = jnp.float32

_NC, _NS = 2, 16
_NW = _NC * _NS
_CH = 128


@functools.lru_cache(maxsize=None)
def _make_sc(N, NP, NCH, with_deg):
    mesh = plsc.VectorSubcoreMesh(core_axis_name="c", subcore_axis_name="s")
    rpt = NP // _NS
    cpt = rpt // _CH
    UN = 2

    out_type = [jax.ShapeDtypeStruct((_NC, NP, 128), F32)]
    scratch = [
        pltpu.VMEM_SHARED((NP, 128), F32),
        pltpu.VMEM((2, _CH), jnp.int32),
        pltpu.VMEM((2, _CH), jnp.int32),
        pltpu.VMEM((UN, _CH, 128), F32),
    ] + [pltpu.SemaphoreType.DMA] * (2 * UN)
    if with_deg:
        out_type.append(jax.ShapeDtypeStruct((_NC, NP), F32))
        scratch += [
            pltpu.VMEM_SHARED((NP,), F32),
            pltpu.VMEM((_CH,), F32),
            pltpu.VMEM((rpt,), F32),
        ]

    def inner(p_hbm, srcw, dstw, z_hbm, zd_hbm, o_hbm, sout, dout,
              acc, srcb, dstb, rows, sems, degacc, onesb, degb):
        cid = lax.axis_index("c")
        sid = lax.axis_index("s")
        wid = cid * _NS + sid

        gsems, ssems = sems[:UN], sems[UN:]

        pltpu.sync_copy(z_hbm, rows.at[0])
        zh = [pltpu.async_copy(rows.at[0],
                               acc.at[pl.ds(sid * rpt + j * _CH, _CH)],
                               ssems[j % UN])
              for j in range(cpt)]
        if with_deg:
            pltpu.sync_copy(zd_hbm, degb)
            pltpu.sync_copy(degb, degacc.at[pl.ds(sid * rpt, rpt)])
            pltpu.sync_copy(o_hbm, onesb)
        for h in zh:
            h.wait()
        plsc.subcore_barrier()

        def loop_body(c, _):
            for b in (0, 1):
                pltpu.sync_copy(srcw.at[wid, 2 * c + b], srcb.at[b])
                pltpu.sync_copy(dstw.at[wid, 2 * c + b], dstb.at[b])
            g = [pltpu.async_copy(p_hbm.at[srcb.at[b]], rows.at[b],
                                  gsems[b]) for b in (0, 1)]
            for b in (0, 1):
                g[b].wait()
                pltpu.sync_copy(rows.at[b], acc.at[dstb.at[b]], add=True)
                if with_deg:
                    pltpu.sync_copy(onesb, degacc.at[dstb.at[b]], add=True)
            return 0

        lax.fori_loop(0, NCH // 2, loop_body, 0)
        plsc.subcore_barrier()

        h = [None] * cpt
        for j in range(cpt):
            b = j % UN
            if j >= UN:
                h[j - UN].wait()
            pltpu.sync_copy(acc.at[pl.ds(sid * rpt + j * _CH, _CH)],
                            rows.at[b])
            h[j] = pltpu.async_copy(
                rows.at[b],
                sout.at[cid, pl.ds(sid * rpt + j * _CH, _CH)], gsems[b])
        for j in range(max(cpt - UN, 0), cpt):
            h[j].wait()
        if with_deg:
            pltpu.sync_copy(degacc.at[pl.ds(sid * rpt, rpt)], degb)
            pltpu.sync_copy(degb, dout.at[cid, pl.ds(sid * rpt, rpt)])

    if with_deg:
        @functools.partial(pl.kernel, mesh=mesh, out_type=out_type,
                           scratch_types=scratch)
        def k(p_hbm, srcw, dstw, z_hbm, zd_hbm, o_hbm, sout, dout,
              acc, srcb, dstb, rows, *rest):
            ns = 2 * UN
            inner(p_hbm, srcw, dstw, z_hbm, zd_hbm, o_hbm, sout, dout,
                  acc, srcb, dstb, rows, rest[:ns], rest[ns], rest[ns + 1],
                  rest[ns + 2])
    else:
        @functools.partial(pl.kernel, mesh=mesh, out_type=out_type,
                           scratch_types=scratch)
        def k(p_hbm, srcw, dstw, z_hbm, sout,
              acc, srcb, dstb, rows, *rest):
            inner(p_hbm, srcw, dstw, z_hbm, None, None, sout, None,
                  acc, srcb, dstb, rows, rest[:2 * UN], None, None, None)
    return k


def _mm(a, w):
    return lax.dot_general(a, w, (((1,), (1,)), ((), ())),
                           preferred_element_type=F32,
                           precision=lax.Precision.HIGHEST)


def _tc1_body(x_ref, wl_ref, wr_ref, bl_ref, p_ref, r_ref):
    xb = x_ref[...]
    p_ref[...] = _mm(xb, wl_ref[...])
    r_ref[...] = _mm(xb, wr_ref[...]) + bl_ref[...]


def _combine(s_ref, degT_ref, r_ref):
    deg = degT_ref[:, 0] + degT_ref[:, 1]
    rdeg = 1.0 / jnp.maximum(deg, 1.0)
    return jnp.maximum((s_ref[0] + s_ref[1]) * rdeg[:, None] + r_ref[...], 0.0)


def _tc2_body(s_ref, degT_ref, r_ref, wl_ref, wr_ref, bl_ref, p2_ref, r2_ref):
    h = _combine(s_ref, degT_ref, r_ref)
    p2_ref[...] = _mm(h, wl_ref[...])
    r2_ref[...] = _mm(h, wr_ref[...]) + bl_ref[...]


def _tc3_body(s_ref, degT_ref, r_ref, wo_ref, bo_ref, o_ref):
    h = _combine(s_ref, degT_ref, r_ref)
    z = _mm(h, wo_ref[...]) + bo_ref[...]
    o_ref[...] = 1.0 / (1.0 + jnp.exp(-z))


def _row_spec(R, D):
    return pl.BlockSpec((R, D), lambda i: (i, 0))


def _const_spec(shape):
    nd = len(shape)
    return pl.BlockSpec(shape, lambda i: (0,) * nd)


def _tc_kernels(N, NP, H, O, R, interpret=False):
    grid = (N // R,)
    w = _const_spec((H, H))
    tc1 = pl.pallas_call(
        _tc1_body, grid=grid,
        in_specs=[_row_spec(R, H), w, w, _const_spec((1, H))],
        out_specs=[_row_spec(R, H)] * 2,
        out_shape=[jax.ShapeDtypeStruct((N, H), F32)] * 2,
        interpret=interpret)
    s_spec = pl.BlockSpec((_NC, R, H), lambda i: (0, i, 0))
    degT_spec = pl.BlockSpec((R, _NC), lambda i: (i, 0))
    tc2 = pl.pallas_call(
        _tc2_body, grid=grid,
        in_specs=[s_spec, degT_spec, _row_spec(R, H), w, w, _const_spec((1, H))],
        out_specs=[_row_spec(R, H)] * 2,
        out_shape=[jax.ShapeDtypeStruct((N, H), F32)] * 2,
        interpret=interpret)
    tc3 = pl.pallas_call(
        _tc3_body, grid=grid,
        in_specs=[s_spec, degT_spec, _row_spec(R, H), _const_spec((O, H)),
                  _const_spec((1, O))],
        out_specs=_row_spec(R, O),
        out_shape=jax.ShapeDtypeStruct((N, O), F32),
        interpret=interpret)
    return tc1, tc2, tc3


def kernel(x, edge_index, W1l, b1l, W1r, W2l, b2l, W2r, Wout, bout):
    N, D = x.shape
    E = edge_index.shape[1]
    H = W1l.shape[0]
    O = Wout.shape[0]
    NCH = -(-E // (_NW * _CH))
    NCH = ((NCH + 7) // 8) * 8
    EPW = NCH * _CH
    padn = _NW * EPW - E
    NP = ((N + 1 + 2047) // 2048) * 2048
    R = 2000

    src = edge_index[0]
    dst = edge_index[1]
    srcw = jnp.concatenate([src, jnp.zeros((padn,), jnp.int32)]).reshape(
        _NW, NCH, _CH)
    dstw = jnp.concatenate([dst, jnp.full((padn,), N, jnp.int32)]).reshape(
        _NW, NCH, _CH)
    z = jnp.zeros((_CH, 128), F32)
    zd = jnp.zeros((NP // _NS,), F32)
    ones_c = jnp.ones((_CH,), F32)

    tc1, tc2, tc3 = _tc_kernels(N, NP, H, O, R)
    sc_deg = _make_sc(N, NP, NCH, True)
    sc_nodeg = _make_sc(N, NP, NCH, False)

    p1, r1 = tc1(x, W1l, W1r, b1l.reshape(1, H))
    s1, deg = sc_deg(p1, srcw, dstw, z, zd, ones_c)
    degT = deg.T
    p2, r2 = tc2(s1, degT, r1, W2l, W2r, b2l.reshape(1, H))
    s2 = sc_nodeg(p2, srcw, dstw, z)
    if isinstance(s2, (list, tuple)):
        s2 = s2[0]
    out = tc3(s2, degT, r2, Wout, bout.reshape(1, O))
    return out

# --- scband reference (transcript-rebuilt; emitter-appended) ---
"""Pipeline reference for scband-graph-sage-34248069219261 (READ-ONLY COPY).

The authoritative reference and input builder live on the scoring server;
editing this copy changes nothing except your own understanding.
"""

import jax, jax.numpy as jnp
import numpy as np

N = 10000
E = 320000
D = 128
H = 128
O = 128


def setup_inputs(seed: int = 0) -> dict:
    key = jax.random.key(seed)
    ks = jax.random.split(key, 12)
    x = jax.random.normal(ks[0], (N, D), dtype=jnp.float32)
    edge_index = jax.random.randint(ks[1], (2, E), 0, N, dtype=jnp.int32)
    # SAGEConv layer 1: lin_l (applied to aggregated neighbors, with bias), lin_r (root, no bias)
    W1l = jax.random.normal(ks[2], (H, D), dtype=jnp.float32) * (1.0 / np.sqrt(D))
    b1l = jnp.zeros((H,), dtype=jnp.float32)
    W1r = jax.random.normal(ks[3], (H, D), dtype=jnp.float32) * (1.0 / np.sqrt(D))
    # SAGEConv layer 2
    W2l = jax.random.normal(ks[4], (H, H), dtype=jnp.float32) * (1.0 / np.sqrt(H))
    b2l = jnp.zeros((H,), dtype=jnp.float32)
    W2r = jax.random.normal(ks[5], (H, H), dtype=jnp.float32) * (1.0 / np.sqrt(H))
    # Output projection
    Wout = jax.random.normal(ks[6], (O, H), dtype=jnp.float32) * (1.0 / np.sqrt(H))
    bout = jnp.zeros((O,), dtype=jnp.float32)
    return {"x": x, "edge_index": edge_index, "W1l": W1l, "b1l": b1l, "W1r": W1r,
            "W2l": W2l, "b2l": b2l, "W2r": W2r, "Wout": Wout, "bout": bout}


def _sage_conv(h, src, dst, Wl, bl, Wr):
    # mean aggregation of neighbor messages (src -> dst)
    msgs = jnp.take(h, src, axis=0)
    summed = jax.ops.segment_sum(msgs, dst, num_segments=N)
    deg = jax.ops.segment_sum(jnp.ones((src.shape[0],), dtype=h.dtype), dst, num_segments=N)
    agg = summed / jnp.maximum(deg, 1.0)[:, None]
    return agg @ Wl.T + bl + h @ Wr.T


def reference(x, edge_index, W1l, b1l, W1r, W2l, b2l, W2r, Wout, bout):
    src = edge_index[0]
    dst = edge_index[1]
    h = _sage_conv(x, src, dst, W1l, b1l, W1r)
    h = jax.nn.relu(h)
    # dropout p=0.0 -> identity
    h = _sage_conv(h, src, dst, W2l, b2l, W2r)
    h = jax.nn.relu(h)
    out = h @ Wout.T + bout
    return jax.nn.sigmoid(out)

if __name__ == "__main__":
    import jax
    _d = setup_inputs()
    print(jax.jit(kernel)(*tuple(_d.values())))

</pallas_src>

<mosaic_0001>
#map = affine_map<(d0, d1) -> (0, 0)>
#map1 = affine_map<(d0, d1) -> (0, 0, 0)>
module attributes {stable_mosaic.version = 14 : i64} {
  func.func @k(%arg0: i32, %arg1: i32, %arg2: memref<10000x128xf32, #tpu.memory_space<hbm>>, %arg3: memref<32x80x128xi32, #tpu.memory_space<hbm>>, %arg4: memref<32x80x128xi32, #tpu.memory_space<hbm>>, %arg5: memref<128x128xf32, #tpu.memory_space<hbm>>, %arg6: memref<2x10240x128xf32, #tpu.memory_space<hbm>>, %arg7: memref<10240x128xf32, #tpu.memory_space<vmem_shared>>, %arg8: memref<2x128xi32, #tpu.memory_space<vmem>>, %arg9: memref<2x128xi32, #tpu.memory_space<vmem>>, %arg10: memref<2x128x128xf32, #tpu.memory_space<vmem>>, %arg11: memref<!tpu.dma_semaphore, #tpu.memory_space<semaphore_mem>>, %arg12: memref<!tpu.dma_semaphore, #tpu.memory_space<semaphore_mem>>, %arg13: memref<!tpu.dma_semaphore, #tpu.memory_space<semaphore_mem>>, %arg14: memref<!tpu.dma_semaphore, #tpu.memory_space<semaphore_mem>>) attributes {dimension_semantics = [#tpu.dimension_semantics<core_parallel>, #tpu.dimension_semantics<subcore_parallel>], iteration_bounds = array<i64: 2, 16>, scalar_prefetch = 0 : i64, scratch_operands = 8 : i64, tpu.core_type = #tpu.core_type<sc_vector_subcore>, window_params = [{transform_indices = #map}, {transform_indices = #map1}, {transform_indices = #map1}, {transform_indices = #map}, {transform_indices = #map1}]} {
    %mul3A = arith.constant 16 : i32
    %mul3A_0 = arith.muli %arg0, %mul3A : i32
    %add3A = arith.addi %mul3A_0, %arg1 : i32
    %run_scoped3A = arith.constant 0 : i32
    "tpu.region"() ({
      %run_scoped3A_351 = tpu.sem_alloc : memref<!tpu.dma_semaphore, #tpu.memory_space<semaphore_mem>>
      %dma_start3A_352 = arith.constant 0 : i32
      %dma_start3A_353 = arith.constant 0 : i32
      %dma_start3A_354 = tpu.memref_slice %arg10[%run_scoped3A, %dma_start3A_352, %dma_start3A_353] : memref<2x128x128xf32, #tpu.memory_space<vmem>> -> memref<1x128x128xf32, #tpu.memory_space<vmem>>
      %dma_start3A_355 = tpu.memref_squeeze %dma_start3A_354 : memref<1x128x128xf32, #tpu.memory_space<vmem>> -> memref<128x128xf32, #tpu.memory_space<vmem>>
      %dma_start3A_356 = arith.constant 0 : i32
      %dma_start3A_357 = arith.constant 0 : i32
      %dma_start3A_358 = tpu.memref_slice %arg10[%run_scoped3A, %dma_start3A_356, %dma_start3A_357] : memref<2x128x128xf32, #tpu.memory_space<vmem>> -> memref<1x128x128xf32, #tpu.memory_space<vmem>>
      %dma_start3A_359 = tpu.memref_squeeze %dma_start3A_358 : memref<1x128x128xf32, #tpu.memory_space<vmem>> -> memref<128x128xf32, #tpu.memory_space<vmem>>
      tpu.enqueue_dma source(%arg5 : memref<128x128xf32, #tpu.memory_space<hbm>>) target(%dma_start3A_359 : memref<128x128xf32, #tpu.memory_space<vmem>>) target_semaphore(%run_scoped3A_351 : memref<!tpu.dma_semaphore, #tpu.memory_space<semaphore_mem>>)
      %dma_wait3A_360 = arith.constant 0 : i32
      %dma_wait3A_361 = arith.constant 0 : i32
      %dma_wait3A_362 = tpu.memref_slice %arg10[%run_scoped3A, %dma_wait3A_360, %dma_wait3A_361] : memref<2x128x128xf32, #tpu.memory_space<vmem>> -> memref<1x128x128xf32, #tpu.memory_space<vmem>>
      %dma_wait3A_363 = tpu.memref_squeeze %dma_wait3A_362 : memref<1x128x128xf32, #tpu.memory_space<vmem>> -> memref<128x128xf32, #tpu.memory_space<vmem>>
      %dma_wait3A_364 = arith.constant 0 : i32
      %dma_wait3A_365 = arith.constant 0 : i32
      %dma_wait3A_366 = tpu.memref_slice %arg10[%run_scoped3A, %dma_wait3A_364, %dma_wait3A_365] : memref<2x128x128xf32, #tpu.memory_space<vmem>> -> memref<1x128x128xf32, #tpu.memory_space<vmem>>
      %dma_wait3A_367 = tpu.memref_squeeze %dma_wait3A_366 : memref<1x128x128xf32, #tpu.memory_space<vmem>> -> memref<128x128xf32, #tpu.memory_space<vmem>>
      tpu.wait_dma2 semaphore(%run_scoped3A_351 : memref<!tpu.dma_semaphore, #tpu.memory_space<semaphore_mem>>) src(%arg5 : memref<128x128xf32, #tpu.memory_space<hbm>>) dst(%dma_wait3A_367 : memref<128x128xf32, #tpu.memory_space<vmem>>)
      tpu.yield
    }) : () -> ()
    %mul3A_1 = arith.constant 640 : i32
    %mul3A_2 = arith.muli %arg1, %mul3A_1 : i32
    %add3A_3 = arith.constant 0 : i32
    %add3A_4 = arith.addi %mul3A_2, %add3A_3 : i32
    %dma_start3A = arith.constant 0 : i32
    %dma_start3A_5 = arith.constant 0 : i32
    %dma_start3A_6 = arith.constant 0 : i32
    %dma_start3A_7 = tpu.memref_slice %arg10[%dma_start3A, %dma_start3A_5, %dma_start3A_6] : memref<2x128x128xf32, #tpu.memory_space<vmem>> -> memref<1x128x128xf32, #tpu.memory_space<vmem>>
    %dma_start3A_8 = tpu.memref_squeeze %dma_start3A_7 : memref<1x128x128xf32, #tpu.memory_space<vmem>> -> memref<128x128xf32, #tpu.memory_space<vmem>>
    %dma_start3A_9 = arith.constant 0 : i32
    %dma_start3A_10 = tpu.memref_slice %arg7[%add3A_4, %dma_start3A_9] : memref<10240x128xf32, #tpu.memory_space<vmem_shared>> -> memref<128x128xf32, #tpu.memory_space<vmem_shared>>
    %dma_start3A_11 = arith.constant 0 : i32
    %dma_start3A_12 = tpu.memref_slice %arg7[%add3A_4, %dma_start3A_11] : memref<10240x128xf32, #tpu.memory_space<vmem_shared>> -> memref<128x128xf32, #tpu.memory_space<vmem_shared>>
    %dma_start3A_13 = arith.constant 0 : i32
    %dma_start3A_14 = arith.constant 0 : i32
    %dma_start3A_15 = tpu.memref_slice %arg10[%dma_start3A, %dma_start3A_13, %dma_start3A_14] : memref<2x128x128xf32, #tpu.memory_space<vmem>> -> memref<1x128x128xf32, #tpu.memory_space<vmem>>
    %dma_start3A_16 = tpu.memref_squeeze %dma_start3A_15 : memref<1x128x128xf32, #tpu.memory_space<vmem>> -> memref<128x128xf32, #tpu.memory_space<vmem>>
    tpu.enqueue_dma source(%dma_start3A_16 : memref<128x128xf32, #tpu.memory_space<vmem>>) target(%dma_start3A_12 : memref<128x128xf32, #tpu.memory_space<vmem_shared>>) target_semaphore(%arg13 : memref<!tpu.dma_semaphore, #tpu.memory_space<semaphore_mem>>)
    %mul3A_17 = arith.constant 640 : i32
    %mul3A_18 = arith.muli %arg1, %mul3A_17 : i32
    %add3A_19 = arith.constant 128 : i32
    %add3A_20 = arith.addi %mul3A_18, %add3A_19 : i32
    %dma_start3A_21 = arith.constant 0 : i32
    %dma_start3A_22 = arith.constant 0 : i32
    %dma_start3A_23 = arith.constant 0 : i32
    %dma_start3A_24 = tpu.memref_slice %arg10[%dma_start3A_21, %dma_start3A_22, %dma_start3A_23] : memref<2x128x128xf32, #tpu.memory_space<vmem>> -> memref<1x128x128xf32, #tpu.memory_space<vmem>>
    %dma_start3A_25 = tpu.memref_squeeze %dma_start3A_24 : memref<1x128x128xf32, #tpu.memory_space<vmem>> -> memref<128x128xf32, #tpu.memory_space<vmem>>
    %dma_start3A_26 = arith.constant 0 : i32
    %dma_start3A_27 = tpu.memref_slice %arg7[%add3A_20, %dma_start3A_26] : memref<10240x128xf32, #tpu.memory_space<vmem_shared>> -> memref<128x128xf32, #tpu.memory_space<vmem_shared>>
    %dma_start3A_28 = arith.constant 0 : i32
    %dma_start3A_29 = tpu.memref_slice %arg7[%add3A_20, %dma_start3A_28] : memref<10240x128xf32, #tpu.memory_space<vmem_shared>> -> memref<128x128xf32, #tpu.memory_space<vmem_shared>>
    %dma_start3A_30 = arith.constant 0 : i32
    %dma_start3A_31 = arith.constant 0 : i32
    %dma_start3A_32 = tpu.memref_slice %arg10[%dma_start3A_21, %dma_start3A_30, %dma_start3A_31] : memref<2x128x128xf32, #tpu.memory_space<vmem>> -> memref<1x128x128xf32, #tpu.memory_space<vmem>>
    %dma_start3A_33 = tpu.memref_squeeze %dma_start3A_32 : memref<1x128x128xf32, #tpu.memory_space<vmem>> -> memref<128x128xf32, #tpu.memory_space<vmem>>
    tpu.enqueue_dma source(%dma_start3A_33 : memref<128x128xf32, #tpu.memory_space<vmem>>) target(%dma_start3A_29 : memref<128x128xf32, #tpu.memory_space<vmem_shared>>) target_semaphore(%arg14 : memref<!tpu.dma_semaphore, #tpu.memory_space<semaphore_mem>>)
    %mul3A_34 = arith.constant 640 : i32
    %mul3A_35 = arith.muli %arg1, %mul3A_34 : i32
    %add3A_36 = arith.constant 256 : i32
    %add3A_37 = arith.addi %mul3A_35, %add3A_36 : i32
    %dma_start3A_38 = arith.constant 0 : i32
    %dma_start3A_39 = arith.constant 0 : i32
    %dma_start3A_40 = arith.constant 0 : i32
    %dma_start3A_41 = tpu.memref_slice %arg10[%dma_start3A_38, %dma_start3A_39, %dma_start3A_40] : memref<2x128x128xf32, #tpu.memory_space<vmem>> -> memref<1x128x128xf32, #tpu.memory_space<vmem>>
    %dma_start3A_42 = tpu.memref_squeeze %dma_start3A_41 : memref<1x128x128xf32, #tpu.memory_space<vmem>> -> memref<128x128xf32, #tpu.memory_space<vmem>>
    %dma_start3A_43 = arith.constant 0 : i32
    %dma_start3A_44 = tpu.memref_slice %arg7[%add3A_37, %dma_start3A_43] : memref<10240x128xf32, #tpu.memory_space<vmem_shared>> -> memref<128x128xf32, #tpu.memory_space<vmem_shared>>
    %dma_start3A_45 = arith.constant 0 : i32
    %dma_start3A_46 = tpu.memref_slice %arg7[%add3A_37, %dma_start3A_45] : memref<10240x128xf32, #tpu.memory_space<vmem_shared>> -> memref<128x128xf32, #tpu.memory_space<vmem_shared>>
    %dma_start3A_47 = arith.constant 0 : i32
    %dma_start3A_48 = arith.constant 0 : i32
    %dma_start3A_49 = tpu.memref_slice %arg10[%dma_start3A_38, %dma_start3A_47, %dma_start3A_48] : memref<2x128x128xf32, #tpu.memory_space<vmem>> -> memref<1x128x128xf32, #tpu.memory_space<vmem>>
    %dma_start3A_50 = tpu.memref_squeeze %dma_start3A_49 : memref<1x128x128xf32, #tpu.memory_space<vmem>> -> memref<128x128xf32, #tpu.memory_space<vmem>>
    tpu.enqueue_dma source(%dma_start3A_50 : memref<128x128xf32, #tpu.memory_space<vmem>>) target(%dma_start3A_46 : memref<128x128xf32, #tpu.memory_space<vmem_shared>>) target_semaphore(%arg13 : memref<!tpu.dma_semaphore, #tpu.memory_space<semaphore_mem>>)
    %mul3A_51 = arith.constant 640 : i32
    %mul3A_52 = arith.muli %arg1, %mul3A_51 : i32
    %add3A_53 = arith.constant 384 : i32
    %add3A_54 = arith.addi %mul3A_52, %add3A_53 : i32
    %dma_start3A_55 = arith.constant 0 : i32
    %dma_start3A_56 = arith.constant 0 : i32
    %dma_start3A_57 = arith.constant 0 : i32
    %dma_start3A_58 = tpu.memref_slice %arg10[%dma_start3A_55, %dma_start3A_56, %dma_start3A_57] : memref<2x128x128xf32, #tpu.memory_space<vmem>> -> memref<1x128x128xf32, #tpu.memory_space<vmem>>
    %dma_start3A_59 = tpu.memref_squeeze %dma_start3A_58 : memref<1x128x128xf32, #tpu.memory_space<vmem>> -> memref<128x128xf32, #tpu.memory_space<vmem>>
    %dma_start3A_60 = arith.constant 0 : i32
    %dma_start3A_61 = tpu.memref_slice %arg7[%add3A_54, %dma_start3A_60] : memref<10240x128xf32, #tpu.memory_space<vmem_shared>> -> memref<128x128xf32, #tpu.memory_space<vmem_shared>>
    %dma_start3A_62 = arith.constant 0 : i32
    %dma_start3A_63 = tpu.memref_slice %arg7[%add3A_54, %dma_start3A_62] : memref<10240x128xf32, #tpu.memory_space<vmem_shared>> -> memref<128x128xf32, #tpu.memory_space<vmem_shared>>
    %dma_start3A_64 = arith.constant 0 : i32
    %dma_start3A_65 = arith.constant 0 : i32
    %dma_start3A_66 = tpu.memref_slice %arg10[%dma_start3A_55, %dma_start3A_64, %dma_start3A_65] : memref<2x128x128xf32, #tpu.memory_space<vmem>> -> memref<1x128x128xf32, #tpu.memory_space<vmem>>
    %dma_start3A_67 = tpu.memref_squeeze %dma_start3A_66 : memref<1x128x128xf32, #tpu.memory_space<vmem>> -> memref<128x128xf32, #tpu.memory_space<vmem>>
    tpu.enqueue_dma source(%dma_start3A_67 : memref<128x128xf32, #tpu.memory_space<vmem>>) target(%dma_start3A_63 : memref<128x128xf32, #tpu.memory_space<vmem_shared>>) target_semaphore(%arg14 : memref<!tpu.dma_semaphore, #tpu.memory_space<semaphore_mem>>)
    %mul3A_68 = arith.constant 640 : i32
    %mul3A_69 = arith.muli %arg1, %mul3A_68 : i32
    %add3A_70 = arith.constant 512 : i32
    %add3A_71 = arith.addi %mul3A_69, %add3A_70 : i32
    %dma_start3A_72 = arith.constant 0 : i32
    %dma_start3A_73 = arith.constant 0 : i32
    %dma_start3A_74 = arith.constant 0 : i32
    %dma_start3A_75 = tpu.memref_slice %arg10[%dma_start3A_72, %dma_start3A_73, %dma_start3A_74] : memref<2x128x128xf32, #tpu.memory_space<vmem>> -> memref<1x128x128xf32, #tpu.memory_space<vmem>>
    %dma_start3A_76 = tpu.memref_squeeze %dma_start3A_75 : memref<1x128x128xf32, #tpu.memory_space<vmem>> -> memref<128x128xf32, #tpu.memory_space<vmem>>
    %dma_start3A_77 = arith.constant 0 : i32
    %dma_start3A_78 = tpu.memref_slice %arg7[%add3A_71, %dma_start3A_77] : memref<10240x128xf32, #tpu.memory_space<vmem_shared>> -> memref<128x128xf32, #tpu.memory_space<vmem_shared>>
    %dma_start3A_79 = arith.constant 0 : i32
    %dma_start3A_80 = tpu.memref_slice %arg7[%add3A_71, %dma_start3A_79] : memref<10240x128xf32, #tpu.memory_space<vmem_shared>> -> memref<128x128xf32, #tpu.memory_space<vmem_shared>>
    %dma_start3A_81 = arith.constant 0 : i32
    %dma_start3A_82 = arith.constant 0 : i32
    %dma_start3A_83 = tpu.memref_slice %arg10[%dma_start3A_72, %dma_start3A_81, %dma_start3A_82] : memref<2x128x128xf32, #tpu.memory_space<vmem>> -> memref<1x128x128xf32, #tpu.memory_space<vmem>>
    %dma_start3A_84 = tpu.memref_squeeze %dma_start3A_83 : memref<1x128x128xf32, #tpu.memory_space<vmem>> -> memref<128x128xf32, #tpu.memory_space<vmem>>
    tpu.enqueue_dma source(%dma_start3A_84 : memref<128x128xf32, #tpu.memory_space<vmem>>) target(%dma_start3A_80 : memref<128x128xf32, #tpu.memory_space<vmem_shared>>) target_semaphore(%arg13 : memref<!tpu.dma_semaphore, #tpu.memory_space<semaphore_mem>>)
    %dma_wait3A = arith.constant 0 : i32
    %dma_wait3A_85 = arith.constant 0 : i32
    %dma_wait3A_86 = arith.constant 0 : i32
    %dma_wait3A_87 = tpu.memref_slice %arg10[%dma_wait3A, %dma_wait3A_85, %dma_wait3A_86] : memref<2x128x128xf32, #tpu.memory_space<vmem>> -> memref<1x128x128xf32, #tpu.memory_space<vmem>>
    %dma_wait3A_88 = tpu.memref_squeeze %dma_wait3A_87 : memref<1x128x128xf32, #tpu.memory_space<vmem>> -> memref<128x128xf32, #tpu.memory_space<vmem>>
    %dma_wait3A_89 = arith.constant 0 : i32
    %dma_wait3A_90 = tpu.memref_slice %arg7[%add3A_4, %dma_wait3A_89] : memref<10240x128xf32, #tpu.memory_space<vmem_shared>> -> memref<128x128xf32, #tpu.memory_space<vmem_shared>>
    %dma_wait3A_91 = arith.constant 0 : i32
    %dma_wait3A_92 = tpu.memref_slice %arg7[%add3A_4, %dma_wait3A_91] : memref<10240x128xf32, #tpu.memory_space<vmem_shared>> -> memref<128x128xf32, #tpu.memory_space<vmem_shared>>
    %dma_wait3A_93 = arith.constant 0 : i32
    %dma_wait3A_94 = arith.constant 0 : i32
    %dma_wait3A_95 = tpu.memref_slice %arg10[%dma_wait3A, %dma_wait3A_93, %dma_wait3A_94] : memref<2x128x128xf32, #tpu.memory_space<vmem>> -> memref<1x128x128xf32, #tpu.memory_space<vmem>>
    %dma_wait3A_96 = tpu.memref_squeeze %dma_wait3A_95 : memref<1x128x128xf32, #tpu.memory_space<vmem>> -> memref<128x128xf32, #tpu.memory_space<vmem>>
    tpu.wait_dma2 semaphore(%arg13 : memref<!tpu.dma_semaphore, #tpu.memory_space<semaphore_mem>>) src(%dma_wait3A_96 : memref<128x128xf32, #tpu.memory_space<vmem>>) dst(%dma_wait3A_92 : memref<128x128xf32, #tpu.memory_space<vmem_shared>>)
    %dma_wait3A_97 = arith.constant 0 : i32
    %dma_wait3A_98 = arith.constant 0 : i32
    %dma_wait3A_99 = arith.constant 0 : i32
    %dma_wait3A_100 = tpu.memref_slice %arg10[%dma_wait3A_97, %dma_wait3A_98, %dma_wait3A_99] : memref<2x128x128xf32, #tpu.memory_space<vmem>> -> memref<1x128x128xf32, #tpu.memory_space<vmem>>
    %dma_wait3A_101 = tpu.memref_squeeze %dma_wait3A_100 : memref<1x128x128xf32, #tpu.memory_space<vmem>> -> memref<128x128xf32, #tpu.memory_space<vmem>>
    %dma_wait3A_102 = arith.constant 0 : i32
    %dma_wait3A_103 = tpu.memref_slice %arg7[%add3A_20, %dma_wait3A_102] : memref<10240x128xf32, #tpu.memory_space<vmem_shared>> -> memref<128x128xf32, #tpu.memory_space<vmem_shared>>
    %dma_wait3A_104 = arith.constant 0 : i32
    %dma_wait3A_105 = tpu.memref_slice %arg7[%add3A_20, %dma_wait3A_104] : memref<10240x128xf32, #tpu.memory_space<vmem_shared>> -> memref<128x128xf32, #tpu.memory_space<vmem_shared>>
    %dma_wait3A_106 = arith.constant 0 : i32
    %dma_wait3A_107 = arith.constant 0 : i32
    %dma_wait3A_108 = tpu.memref_slice %arg10[%dma_wait3A_97, %dma_wait3A_106, %dma_wait3A_107] : memref<2x128x128xf32, #tpu.memory_space<vmem>> -> memref<1x128x128xf32, #tpu.memory_space<vmem>>
    %dma_wait3A_109 = tpu.memref_squeeze %dma_wait3A_108 : memref<1x128x128xf32, #tpu.memory_space<vmem>> -> memref<128x128xf32, #tpu.memory_space<vmem>>
    tpu.wait_dma2 semaphore(%arg14 : memref<!tpu.dma_semaphore, #tpu.memory_space<semaphore_mem>>) src(%dma_wait3A_109 : memref<128x128xf32, #tpu.memory_space<vmem>>) dst(%dma_wait3A_105 : memref<128x128xf32, #tpu.memory_space<vmem_shared>>)
    %dma_wait3A_110 = arith.constant 0 : i32
    %dma_wait3A_111 = arith.constant 0 : i32
    %dma_wait3A_112 = arith.constant 0 : i32
    %dma_wait3A_113 = tpu.memref_slice %arg10[%dma_wait3A_110, %dma_wait3A_111, %dma_wait3A_112] : memref<2x128x128xf32, #tpu.memory_space<vmem>> -> memref<1x128x128xf32, #tpu.memory_space<vmem>>
    %dma_wait3A_114 = tpu.memref_squeeze %dma_wait3A_113 : memref<1x128x128xf32, #tpu.memory_space<vmem>> -> memref<128x128xf32, #tpu.memory_space<vmem>>
    %dma_wait3A_115 = arith.constant 0 : i32
    %dma_wait3A_116 = tpu.memref_slice %arg7[%add3A_37, %dma_wait3A_115] : memref<10240x128xf32, #tpu.memory_space<vmem_shared>> -> memref<128x128xf32, #tpu.memory_space<vmem_shared>>
    %dma_wait3A_117 = arith.constant 0 : i32
    %dma_wait3A_118 = tpu.memref_slice %arg7[%add3A_37, %dma_wait3A_117] : memref<10240x128xf32, #tpu.memory_space<vmem_shared>> -> memref<128x128xf32, #tpu.memory_space<vmem_shared>>
    %dma_wait3A_119 = arith.constant 0 : i32
    %dma_wait3A_120 = arith.constant 0 : i32
    %dma_wait3A_121 = tpu.memref_slice %arg10[%dma_wait3A_110, %dma_wait3A_119, %dma_wait3A_120] : memref<2x128x128xf32, #tpu.memory_space<vmem>> -> memref<1x128x128xf32, #tpu.memory_space<vmem>>
    %dma_wait3A_122 = tpu.memref_squeeze %dma_wait3A_121 : memref<1x128x128xf32, #tpu.memory_space<vmem>> -> memref<128x128xf32, #tpu.memory_space<vmem>>
    tpu.wait_dma2 semaphore(%arg13 : memref<!tpu.dma_semaphore, #tpu.memory_space<semaphore_mem>>) src(%dma_wait3A_122 : memref<128x128xf32, #tpu.memory_space<vmem>>) dst(%dma_wait3A_118 : memref<128x128xf32, #tpu.memory_space<vmem_shared>>)
    %dma_wait3A_123 = arith.constant 0 : i32
    %dma_wait3A_124 = arith.constant 0 : i32
    %dma_wait3A_125 = arith.constant 0 : i32
    %dma_wait3A_126 = tpu.memref_slice %arg10[%dma_wait3A_123, %dma_wait3A_124, %dma_wait3A_125] : memref<2x128x128xf32, #tpu.memory_space<vmem>> -> memref<1x128x128xf32, #tpu.memory_space<vmem>>
    %dma_wait3A_127 = tpu.memref_squeeze %dma_wait3A_126 : memref<1x128x128xf32, #tpu.memory_space<vmem>> -> memref<128x128xf32, #tpu.memory_space<vmem>>
    %dma_wait3A_128 = arith.constant 0 : i32
    %dma_wait3A_129 = tpu.memref_slice %arg7[%add3A_54, %dma_wait3A_128] : memref<10240x128xf32, #tpu.memory_space<vmem_shared>> -> memref<128x128xf32, #tpu.memory_space<vmem_shared>>
    %dma_wait3A_130 = arith.constant 0 : i32
    %dma_wait3A_131 = tpu.memref_slice %arg7[%add3A_54, %dma_wait3A_130] : memref<10240x128xf32, #tpu.memory_space<vmem_shared>> -> memref<128x128xf32, #tpu.memory_space<vmem_shared>>
    %dma_wait3A_132 = arith.constant 0 : i32
    %dma_wait3A_133 = arith.constant 0 : i32
    %dma_wait3A_134 = tpu.memref_slice %arg10[%dma_wait3A_123, %dma_wait3A_132, %dma_wait3A_133] : memref<2x128x128xf32, #tpu.memory_space<vmem>> -> memref<1x128x128xf32, #tpu.memory_space<vmem>>
    %dma_wait3A_135 = tpu.memref_squeeze %dma_wait3A_134 : memref<1x128x128xf32, #tpu.memory_space<vmem>> -> memref<128x128xf32, #tpu.memory_space<vmem>>
    tpu.wait_dma2 semaphore(%arg14 : memref<!tpu.dma_semaphore, #tpu.memory_space<semaphore_mem>>) src(%dma_wait3A_135 : memref<128x128xf32, #tpu.memory_space<vmem>>) dst(%dma_wait3A_131 : memref<128x128xf32, #tpu.memory_space<vmem_shared>>)
    %dma_wait3A_136 = arith.constant 0 : i32
    %dma_wait3A_137 = arith.constant 0 : i32
    %dma_wait3A_138 = arith.constant 0 : i32
    %dma_wait3A_139 = tpu.memref_slice %arg10[%dma_wait3A_136, %dma_wait3A_137, %dma_wait3A_138] : memref<2x128x128xf32, #tpu.memory_space<vmem>> -> memref<1x128x128xf32, #tpu.memory_space<vmem>>
    %dma_wait3A_140 = tpu.memref_squeeze %dma_wait3A_139 : memref<1x128x128xf32, #tpu.memory_space<vmem>> -> memref<128x128xf32, #tpu.memory_space<vmem>>
    %dma_wait3A_141 = arith.constant 0 : i32
    %dma_wait3A_142 = tpu.memref_slice %arg7[%add3A_71, %dma_wait3A_141] : memref<10240x128xf32, #tpu.memory_space<vmem_shared>> -> memref<128x128xf32, #tpu.memory_space<vmem_shared>>
    %dma_wait3A_143 = arith.constant 0 : i32
    %dma_wait3A_144 = tpu.memref_slice %arg7[%add3A_71, %dma_wait3A_143] : memref<10240x128xf32, #tpu.memory_space<vmem_shared>> -> memref<128x128xf32, #tpu.memory_space<vmem_shared>>
    %dma_wait3A_145 = arith.constant 0 : i32
    %dma_wait3A_146 = arith.constant 0 : i32
    %dma_wait3A_147 = tpu.memref_slice %arg10[%dma_wait3A_136, %dma_wait3A_145, %dma_wait3A_146] : memref<2x128x128xf32, #tpu.memory_space<vmem>> -> memref<1x128x128xf32, #tpu.memory_space<vmem>>
    %dma_wait3A_148 = tpu.memref_squeeze %dma_wait3A_147 : memref<1x128x128xf32, #tpu.memory_space<vmem>> -> memref<128x128xf32, #tpu.memory_space<vmem>>
    tpu.wait_dma2 semaphore(%arg13 : memref<!tpu.dma_semaphore, #tpu.memory_space<semaphore_mem>>) src(%dma_wait3A_148 : memref<128x128xf32, #tpu.memory_space<vmem>>) dst(%dma_wait3A_144 : memref<128x128xf32, #tpu.memory_space<vmem_shared>>)
    %barrier3A = arith.constant 0 : index
    tpu.barrier barrier_id(%barrier3A)
    %scan3A = arith.constant 0 : i32
    %scan3A_149 = arith.constant 0 : i32
    %scan3A_150 = arith.constant 40 : i32
    %scan3A_151 = arith.addi %scan3A_149, %scan3A_150 : i32
    %scan3A_152 = arith.constant 1 : i32
    %scan3A_153 = scf.for %scan3A_351 = %scan3A_149 to %scan3A_151 step %scan3A_152 iter_args(%scan3A_352 = %scan3A) -> (i32)  : i32 {
      %mul3A_353 = arith.constant 2 : i32
      %mul3A_354 = arith.muli %mul3A_353, %scan3A_351 : i32
      %add3A_355 = arith.constant 0 : i32
      %add3A_356 = arith.addi %mul3A_354, %add3A_355 : i32
      %run_scoped3A_357 = arith.constant 0 : i32
      "tpu.region"() ({
        %run_scoped3A_426 = tpu.sem_alloc : memref<!tpu.dma_semaphore, #tpu.memory_space<semaphore_mem>>
        %dma_start3A_427 = arith.constant 0 : i32
        %dma_start3A_428 = tpu.memref_slice %arg8[%run_scoped3A_357, %dma_start3A_427] : memref<2x128xi32, #tpu.memory_space<vmem>> -> memref<1x128xi32, #tpu.memory_space<vmem>>
        %dma_start3A_429 = tpu.memref_squeeze %dma_start3A_428 : memref<1x128xi32, #tpu.memory_space<vmem>> -> memref<128xi32, #tpu.memory_space<vmem>>
        %dma_start3A_430 = arith.constant 0 : i32
        %dma_start3A_431 = tpu.memref_slice %arg3[%add3A, %add3A_356, %dma_start3A_430] : memref<32x80x128xi32, #tpu.memory_space<hbm>> -> memref<1x1x128xi32, #tpu.memory_space<hbm>>
        %dma_start3A_432 = tpu.memref_squeeze %dma_start3A_431 : memref<1x1x128xi32, #tpu.memory_space<hbm>> -> memref<128xi32, #tpu.memory_space<hbm>>
        %dma_start3A_433 = arith.constant 0 : i32
        %dma_start3A_434 = tpu.memref_slice %arg8[%run_scoped3A_357, %dma_start3A_433] : memref<2x128xi32, #tpu.memory_space<vmem>> -> memref<1x128xi32, #tpu.memory_space<vmem>>
        %dma_start3A_435 = tpu.memref_squeeze %dma_start3A_434 : memref<1x128xi32, #tpu.memory_space<vmem>> -> memref<128xi32, #tpu.memory_space<vmem>>
        %dma_start3A_436 = arith.constant 0 : i32
        %dma_start3A_437 = tpu.memref_slice %arg3[%add3A, %add3A_356, %dma_start3A_436] : memref<32x80x128xi32, #tpu.memory_space<hbm>> -> memref<1x1x128xi32, #tpu.memory_space<hbm>>
        %dma_start3A_438 = tpu.memref_squeeze %dma_start3A_437 : memref<1x1x128xi32, #tpu.memory_space<hbm>> -> memref<128xi32, #tpu.memory_space<hbm>>
        tpu.enqueue_dma source(%dma_start3A_438 : memref<128xi32, #tpu.memory_space<hbm>>) target(%dma_start3A_435 : memref<128xi32, #tpu.memory_space<vmem>>) target_semaphore(%run_scoped3A_426 : memref<!tpu.dma_semaphore, #tpu.memory_space<semaphore_mem>>)
        %dma_wait3A_439 = arith.constant 0 : i32
        %dma_wait3A_440 = tpu.memref_slice %arg8[%run_scoped3A_357, %dma_wait3A_439] : memref<2x128xi32, #tpu.memory_space<vmem>> -> memref<1x128xi32, #tpu.memory_space<vmem>>
        %dma_wait3A_441 = tpu.memref_squeeze %dma_wait3A_440 : memref<1x128xi32, #tpu.memory_space<vmem>> -> memref<128xi32, #tpu.memory_space<vmem>>
        %dma_wait3A_442 = arith.constant 0 : i32
        %dma_wait3A_443 = tpu.memref_slice %arg3[%add3A, %add3A_356, %dma_wait3A_442] : memref<32x80x128xi32, #tpu.memory_space<hbm>> -> memref<1x1x128xi32, #tpu.memory_space<hbm>>
        %dma_wait3A_444 = tpu.memref_squeeze %dma_wait3A_443 : memref<1x1x128xi32, #tpu.memory_space<hbm>> -> memref<128xi32, #tpu.memory_space<hbm>>
        %dma_wait3A_445 = arith.constant 0 : i32
        %dma_wait3A_446 = tpu.memref_slice %arg8[%run_scoped3A_357, %dma_wait3A_445] : memref<2x128xi32, #tpu.memory_space<vmem>> -> memref<1x128xi32, #tpu.memory_space<vmem>>
        %dma_wait3A_447 = tpu.memref_squeeze %dma_wait3A_446 : memref<1x128xi32, #tpu.memory_space<vmem>> -> memref<128xi32, #tpu.memory_space<vmem>>
        %dma_wait3A_448 = arith.constant 0 : i32
        %dma_wait3A_449 = tpu.memref_slice %arg3[%add3A, %add3A_356, %dma_wait3A_448] : memref<32x80x128xi32, #tpu.memory_space<hbm>> -> memref<1x1x128xi32, #tpu.memory_space<hbm>>
        %dma_wait3A_450 = tpu.memref_squeeze %dma_wait3A_449 : memref<1x1x128xi32, #tpu.memory_space<hbm>> -> memref<128xi32, #tpu.memory_space<hbm>>
        tpu.wait_dma2 semaphore(%run_scoped3A_426 : memref<!tpu.dma_semaphore, #tpu.memory_space<semaphore_mem>>) src(%dma_wait3A_450 : memref<128xi32, #tpu.memory_space<hbm>>) dst(%dma_wait3A_447 : memref<128xi32, #tpu.memory_space<vmem>>)
        tpu.yield
      }) : () -> ()
      %mul3A_358 = arith.constant 2 : i32
      %mul3A_359 = arith.muli %mul3A_358, %scan3A_351 : i32
      %add3A_360 = arith.constant 0 : i32
      %add3A_361 = arith.addi %mul3A_359, %add3A_360 : i32
      %run_scoped3A_362 = arith.constant 0 : i32
      "tpu.region"() ({
        %run_scoped3A_426 = tpu.sem_alloc : memref<!tpu.dma_semaphore, #tpu.memory_space<semaphore_mem>>
        %dma_start3A_427 = arith.constant 0 : i32
        %dma_start3A_428 = tpu.memref_slice %arg9[%run_scoped3A_362, %dma_start3A_427] : memref<2x128xi32, #tpu.memory_space<vmem>> -> memref<1x128xi32, #tpu.memory_space<vmem>>
        %dma_start3A_429 = tpu.memref_squeeze %dma_start3A_428 : memref<1x128xi32, #tpu.memory_space<vmem>> -> memref<128xi32, #tpu.memory_space<vmem>>
        %dma_start3A_430 = arith.constant 0 : i32
        %dma_start3A_431 = tpu.memref_slice %arg4[%add3A, %add3A_361, %dma_start3A_430] : memref<32x80x128xi32, #tpu.memory_space<hbm>> -> memref<1x1x128xi32, #tpu.memory_space<hbm>>
        %dma_start3A_432 = tpu.memref_squeeze %dma_start3A_431 : memref<1x1x128xi32, #tpu.memory_space<hbm>> -> memref<128xi32, #tpu.memory_space<hbm>>
        %dma_start3A_433 = arith.constant 0 : i32
        %dma_start3A_434 = tpu.memref_slice %arg9[%run_scoped3A_362, %dma_start3A_433] : memref<2x128xi32, #tpu.memory_space<vmem>> -> memref<1x128xi32, #tpu.memory_space<vmem>>
        %dma_start3A_435 = tpu.memref_squeeze %dma_start3A_434 : memref<1x128xi32, #tpu.memory_space<vmem>> -> memref<128xi32, #tpu.memory_space<vmem>>
        %dma_start3A_436 = arith.constant 0 : i32
        %dma_start3A_437 = tpu.memref_slice %arg4[%add3A, %add3A_361, %dma_start3A_436] : memref<32x80x128xi32, #tpu.memory_space<hbm>> -> memref<1x1x128xi32, #tpu.memory_space<hbm>>
        %dma_start3A_438 = tpu.memref_squeeze %dma_start3A_437 : memref<1x1x128xi32, #tpu.memory_space<hbm>> -> memref<128xi32, #tpu.memory_space<hbm>>
        tpu.enqueue_dma source(%dma_start3A_438 : memref<128xi32, #tpu.memory_space<hbm>>) target(%dma_start3A_435 : memref<128xi32, #tpu.memory_space<vmem>>) target_semaphore(%run_scoped3A_426 : memref<!tpu.dma_semaphore, #tpu.memory_space<semaphore_mem>>)
        %dma_wait3A_439 = arith.constant 0 : i32
        %dma_wait3A_440 = tpu.memref_slice %arg9[%run_scoped3A_362, %dma_wait3A_439] : memref<2x128xi32, #tpu.memory_space<vmem>> -> memref<1x128xi32, #tpu.memory_space<vmem>>
        %dma_wait3A_441 = tpu.memref_squeeze %dma_wait3A_440 : memref<1x128xi32, #tpu.memory_space<vmem>> -> memref<128xi32, #tpu.memory_space<vmem>>
        %dma_wait3A_442 = arith.constant 0 : i32
        %dma_wait3A_443 = tpu.memref_slice %arg4[%add3A, %add3A_361, %dma_wait3A_442] : memref<32x80x128xi32, #tpu.memory_space<hbm>> -> memref<1x1x128xi32, #tpu.memory_space<hbm>>
        %dma_wait3A_444 = tpu.memref_squeeze %dma_wait3A_443 : memref<1x1x128xi32, #tpu.memory_space<hbm>> -> memref<128xi32, #tpu.memory_space<hbm>>
        %dma_wait3A_445 = arith.constant 0 : i32
        %dma_wait3A_446 = tpu.memref_slice %arg9[%run_scoped3A_362, %dma_wait3A_445] : memref<2x128xi32, #tpu.memory_space<vmem>> -> memref<1x128xi32, #tpu.memory_space<vmem>>
        %dma_wait3A_447 = tpu.memref_squeeze %dma_wait3A_446 : memref<1x128xi32, #tpu.memory_space<vmem>> -> memref<128xi32, #tpu.memory_space<vmem>>
        %dma_wait3A_448 = arith.constant 0 : i32
        %dma_wait3A_449 = tpu.memref_slice %arg4[%add3A, %add3A_361, %dma_wait3A_448] : memref<32x80x128xi32, #tpu.memory_space<hbm>> -> memref<1x1x128xi32, #tpu.memory_space<hbm>>
        %dma_wait3A_450 = tpu.memref_squeeze %dma_wait3A_449 : memref<1x1x128xi32, #tpu.memory_space<hbm>> -> memref<128xi32, #tpu.memory_space<hbm>>
        tpu.wait_dma2 semaphore(%run_scoped3A_426 : memref<!tpu.dma_semaphore, #tpu.memory_space<semaphore_mem>>) src(%dma_wait3A_450 : memref<128xi32, #tpu.memory_space<hbm>>) dst(%dma_wait3A_447 : memref<128xi32, #tpu.memory_space<vmem>>)
        tpu.yield
      }) : () -> ()
      %mul3A_363 = arith.constant 2 : i32
      %mul3A_364 = arith.muli %mul3A_363, %scan3A_351 : i32
      %add3A_365 = arith.constant 1 : i32
      %add3A_366 = arith.addi %mul3A_364, %add3A_365 : i32
      %run_scoped3A_367 = arith.constant 1 : i32
      "tpu.region"() ({
        %run_scoped3A_426 = tpu.sem_alloc : memref<!tpu.dma_semaphore, #tpu.memory_space<semaphore_mem>>
        %dma_start3A_427 = arith.constant 0 : i32
        %dma_start3A_428 = tpu.memref_slice %arg8[%run_scoped3A_367, %dma_start3A_427] : memref<2x128xi32, #tpu.memory_space<vmem>> -> memref<1x128xi32, #tpu.memory_space<vmem>>
        %dma_start3A_429 = tpu.memref_squeeze %dma_start3A_428 : memref<1x128xi32, #tpu.memory_space<vmem>> -> memref<128xi32, #tpu.memory_space<vmem>>
        %dma_start3A_430 = arith.constant 0 : i32
        %dma_start3A_431 = tpu.memref_slice %arg3[%add3A, %add3A_366, %dma_start3A_430] : memref<32x80x128xi32, #tpu.memory_space<hbm>> -> memref<1x1x128xi32, #tpu.memory_space<hbm>>
        %dma_start3A_432 = tpu.memref_squeeze %dma_start3A_431 : memref<1x1x128xi32, #tpu.memory_space<hbm>> -> memref<128xi32, #tpu.memory_space<hbm>>
        %dma_start3A_433 = arith.constant 0 : i32
        %dma_start3A_434 = tpu.memref_slice %arg8[%run_scoped3A_367, %dma_start3A_433] : memref<2x128xi32, #tpu.memory_space<vmem>> -> memref<1x128xi32, #tpu.memory_space<vmem>>
        %dma_start3A_435 = tpu.memref_squeeze %dma_start3A_434 : memref<1x128xi32, #tpu.memory_space<vmem>> -> memref<128xi32, #tpu.memory_space<vmem>>
        %dma_start3A_436 = arith.constant 0 : i32
        %dma_start3A_437 = tpu.memref_slice %arg3[%add3A, %add3A_366, %dma_start3A_436] : memref<32x80x128xi32, #tpu.memory_space<hbm>> -> memref<1x1x128xi32, #tpu.memory_space<hbm>>
        %dma_start3A_438 = tpu.memref_squeeze %dma_start3A_437 : memref<1x1x128xi32, #tpu.memory_space<hbm>> -> memref<128xi32, #tpu.memory_space<hbm>>
        tpu.enqueue_dma source(%dma_start3A_438 : memref<128xi32, #tpu.memory_space<hbm>>) target(%dma_start3A_435 : memref<128xi32, #tpu.memory_space<vmem>>) target_semaphore(%run_scoped3A_426 : memref<!tpu.dma_semaphore, #tpu.memory_space<semaphore_mem>>)
        %dma_wait3A_439 = arith.constant 0 : i32
        %dma_wait3A_440 = tpu.memref_slice %arg8[%run_scoped3A_367, %dma_wait3A_439] : memref<2x128xi32, #tpu.memory_space<vmem>> -> memref<1x128xi32, #tpu.memory_space<vmem>>
        %dma_wait3A_441 = tpu.memref_squeeze %dma_wait3A_440 : memref<1x128xi32, #tpu.memory_space<vmem>> -> memref<128xi32, #tpu.memory_space<vmem>>
        %dma_wait3A_442 = arith.constant 0 : i32
        %dma_wait3A_443 = tpu.memref_slice %arg3[%add3A, %add3A_366, %dma_wait3A_442] : memref<32x80x128xi32, #tpu.memory_space<hbm>> -> memref<1x1x128xi32, #tpu.memory_space<hbm>>
        %dma_wait3A_444 = tpu.memref_squeeze %dma_wait3A_443 : memref<1x1x128xi32, #tpu.memory_space<hbm>> -> memref<128xi32, #tpu.memory_space<hbm>>
        %dma_wait3A_445 = arith.constant 0 : i32
        %dma_wait3A_446 = tpu.memref_slice %arg8[%run_scoped3A_367, %dma_wait3A_445] : memref<2x128xi32, #tpu.memory_space<vmem>> -> memref<1x128xi32, #tpu.memory_space<vmem>>
        %dma_wait3A_447 = tpu.memref_squeeze %dma_wait3A_446 : memref<1x128xi32, #tpu.memory_space<vmem>> -> memref<128xi32, #tpu.memory_space<vmem>>
        %dma_wait3A_448 = arith.constant 0 : i32
        %dma_wait3A_449 = tpu.memref_slice %arg3[%add3A, %add3A_366, %dma_wait3A_448] : memref<32x80x128xi32, #tpu.memory_space<hbm>> -> memref<1x1x128xi32, #tpu.memory_space<hbm>>
        %dma_wait3A_450 = tpu.memref_squeeze %dma_wait3A_449 : memref<1x1x128xi32, #tpu.memory_space<hbm>> -> memref<128xi32, #tpu.memory_space<hbm>>
        tpu.wait_dma2 semaphore(%run_scoped3A_426 : memref<!tpu.dma_semaphore, #tpu.memory_space<semaphore_mem>>) src(%dma_wait3A_450 : memref<128xi32, #tpu.memory_space<hbm>>) dst(%dma_wait3A_447 : memref<128xi32, #tpu.memory_space<vmem>>)
        tpu.yield
      }) : () -> ()
      %mul3A_368 = arith.constant 2 : i32
      %mul3A_369 = arith.muli %mul3A_368, %scan3A_351 : i32
      %add3A_370 = arith.constant 1 : i32
      %add3A_371 = arith.addi %mul3A_369, %add3A_370 : i32
      %run_scoped3A_372 = arith.constant 1 : i32
      "tpu.region"() ({
        %run_scoped3A_426 = tpu.sem_alloc : memref<!tpu.dma_semaphore, #tpu.memory_space<semaphore_mem>>
        %dma_start3A_427 = arith.constant 0 : i32
        %dma_start3A_428 = tpu.memref_slice %arg9[%run_scoped3A_372, %dma_start3A_427] : memref<2x128xi32, #tpu.memory_space<vmem>> -> memref<1x128xi32, #tpu.memory_space<vmem>>
        %dma_start3A_429 = tpu.memref_squeeze %dma_start3A_428 : memref<1x128xi32, #tpu.memory_space<vmem>> -> memref<128xi32, #tpu.memory_space<vmem>>
        %dma_start3A_430 = arith.constant 0 : i32
        %dma_start3A_431 = tpu.memref_slice %arg4[%add3A, %add3A_371, %dma_start3A_430] : memref<32x80x128xi32, #tpu.memory_space<hbm>> -> memref<1x1x128xi32, #tpu.memory_space<hbm>>
        %dma_start3A_432 = tpu.memref_squeeze %dma_start3A_431 : memref<1x1x128xi32, #tpu.memory_space<hbm>> -> memref<128xi32, #tpu.memory_space<hbm>>
        %dma_start3A_433 = arith.constant 0 : i32
        %dma_start3A_434 = tpu.memref_slice %arg9[%run_scoped3A_372, %dma_start3A_433] : memref<2x128xi32, #tpu.memory_space<vmem>> -> memref<1x128xi32, #tpu.memory_space<vmem>>
        %dma_start3A_435 = tpu.memref_squeeze %dma_start3A_434 : memref<1x128xi32, #tpu.memory_space<vmem>> -> memref<128xi32, #tpu.memory_space<vmem>>
        %dma_start3A_436 = arith.constant 0 : i32
        %dma_start3A_437 = tpu.memref_slice %arg4[%add3A, %add3A_371, %dma_start3A_436] : memref<32x80x128xi32, #tpu.memory_space<hbm>> -> memref<1x1x128xi32, #tpu.memory_space<hbm>>
        %dma_start3A_438 = tpu.memref_squeeze %dma_start3A_437 : memref<1x1x128xi32, #tpu.memory_space<hbm>> -> memref<128xi32, #tpu.memory_space<hbm>>
        tpu.enqueue_dma source(%dma_start3A_438 : memref<128xi32, #tpu.memory_space<hbm>>) target(%dma_start3A_435 : memref<128xi32, #tpu.memory_space<vmem>>) target_semaphore(%run_scoped3A_426 : memref<!tpu.dma_semaphore, #tpu.memory_space<semaphore_mem>>)
        %dma_wait3A_439 = arith.constant 0 : i32
        %dma_wait3A_440 = tpu.memref_slice %arg9[%run_scoped3A_372, %dma_wait3A_439] : memref<2x128xi32, #tpu.memory_space<vmem>> -> memref<1x128xi32, #tpu.memory_space<vmem>>
        %dma_wait3A_441 = tpu.memref_squeeze %dma_wait3A_440 : memref<1x128xi32, #tpu.memory_space<vmem>> -> memref<128xi32, #tpu.memory_space<vmem>>
        %dma_wait3A_442 = arith.constant 0 : i32
        %dma_wait3A_443 = tpu.memref_slice %arg4[%add3A, %add3A_371, %dma_wait3A_442] : memref<32x80x128xi32, #tpu.memory_space<hbm>> -> memref<1x1x128xi32, #tpu.memory_space<hbm>>
        %dma_wait3A_444 = tpu.memref_squeeze %dma_wait3A_443 : memref<1x1x128xi32, #tpu.memory_space<hbm>> -> memref<128xi32, #tpu.memory_space<hbm>>
        %dma_wait3A_445 = arith.constant 0 : i32
        %dma_wait3A_446 = tpu.memref_slice %arg9[%run_scoped3A_372, %dma_wait3A_445] : memref<2x128xi32, #tpu.memory_space<vmem>> -> memref<1x128xi32, #tpu.memory_space<vmem>>
        %dma_wait3A_447 = tpu.memref_squeeze %dma_wait3A_446 : memref<1x128xi32, #tpu.memory_space<vmem>> -> memref<128xi32, #tpu.memory_space<vmem>>
        %dma_wait3A_448 = arith.constant 0 : i32
        %dma_wait3A_449 = tpu.memref_slice %arg4[%add3A, %add3A_371, %dma_wait3A_448] : memref<32x80x128xi32, #tpu.memory_space<hbm>> -> memref<1x1x128xi32, #tpu.memory_space<hbm>>
        %dma_wait3A_450 = tpu.memref_squeeze %dma_wait3A_449 : memref<1x1x128xi32, #tpu.memory_space<hbm>> -> memref<128xi32, #tpu.memory_space<hbm>>
        tpu.wait_dma2 semaphore(%run_scoped3A_426 : memref<!tpu.dma_semaphore, #tpu.memory_space<semaphore_mem>>) src(%dma_wait3A_450 : memref<128xi32, #tpu.memory_space<hbm>>) dst(%dma_wait3A_447 : memref<128xi32, #tpu.memory_space<vmem>>)
        tpu.yield
      }) : () -> ()
      %dma_start3A_373 = arith.constant 0 : i32
      %dma_start3A_374 = arith.constant 0 : i32
      %dma_start3A_375 = arith.constant 0 : i32
      %dma_start3A_376 = arith.constant 0 : i32
      %dma_start3A_377 = tpu.memref_slice %arg10[%dma_start3A_374, %dma_start3A_375, %dma_start3A_376] : memref<2x128x128xf32, #tpu.memory_space<vmem>> -> memref<1x128x128xf32, #tpu.memory_space<vmem>>
      %dma_start3A_378 = tpu.memref_squeeze %dma_start3A_377 : memref<1x128x128xf32, #tpu.memory_space<vmem>> -> memref<128x128xf32, #tpu.memory_space<vmem>>
      %dma_start3A_379 = arith.constant 0 : i32
      %dma_start3A_380 = tpu.memref_slice %arg8[%dma_start3A_373, %dma_start3A_379] : memref<2x128xi32, #tpu.memory_space<vmem>> -> memref<1x128xi32, #tpu.memory_space<vmem>>
      %dma_start3A_381 = tpu.memref_squeeze %dma_start3A_380 : memref<1x128xi32, #tpu.memory_space<vmem>> -> memref<128xi32, #tpu.memory_space<vmem>>
      %dma_start3A_382 = arith.constant 0 : i32
      %dma_start3A_383 = arith.constant 0 : i32
      %dma_start3A_384 = tpu.memref_slice %arg2[%dma_start3A_382, %dma_start3A_383] : memref<10000x128xf32, #tpu.memory_space<hbm>> -> memref<10000x128xf32, #tpu.memory_space<hbm>>
      tpu.enqueue_indirect_dma source(%dma_start3A_384 : memref<10000x128xf32, #tpu.memory_space<hbm>>) target(%dma_start3A_378 : memref<128x128xf32, #tpu.memory_space<vmem>>) offsets(%dma_start3A_381 : memref<128xi32, #tpu.memory_space<vmem>>) semaphore(%arg11 : memref<!tpu.dma_semaphore, #tpu.memory_space<semaphore_mem>>)
      %dma_start3A_385 = arith.constant 1 : i32
      %dma_start3A_386 = arith.constant 1 : i32
      %dma_start3A_387 = arith.constant 0 : i32
      %dma_start3A_388 = arith.constant 0 : i32
      %dma_start3A_389 = tpu.memref_slice %arg10[%dma_start3A_386, %dma_start3A_387, %dma_start3A_388] : memref<2x128x128xf32, #tpu.memory_space<vmem>> -> memref<1x128x128xf32, #tpu.memory_space<vmem>>
      %dma_start3A_390 = tpu.memref_squeeze %dma_start3A_389 : memref<1x128x128xf32, #tpu.memory_space<vmem>> -> memref<128x128xf32, #tpu.memory_space<vmem>>
      %dma_start3A_391 = arith.constant 0 : i32
      %dma_start3A_392 = tpu.memref_slice %arg8[%dma_start3A_385, %dma_start3A_391] : memref<2x128xi32, #tpu.memory_space<vmem>> -> memref<1x128xi32, #tpu.memory_space<vmem>>
      %dma_start3A_393 = tpu.memref_squeeze %dma_start3A_392 : memref<1x128xi32, #tpu.memory_space<vmem>> -> memref<128xi32, #tpu.memory_space<vmem>>
      %dma_start3A_394 = arith.constant 0 : i32
      %dma_start3A_395 = arith.constant 0 : i32
      %dma_start3A_396 = tpu.memref_slice %arg2[%dma_start3A_394, %dma_start3A_395] : memref<10000x128xf32, #tpu.memory_space<hbm>> -> memref<10000x128xf32, #tpu.memory_space<hbm>>
      tpu.enqueue_indirect_dma source(%dma_start3A_396 : memref<10000x128xf32, #tpu.memory_space<hbm>>) target(%dma_start3A_390 : memref<128x128xf32, #tpu.memory_space<vmem>>) offsets(%dma_start3A_393 : memref<128xi32, #tpu.memory_space<vmem>>) semaphore(%arg12 : memref<!tpu.dma_semaphore, #tpu.memory_space<semaphore_mem>>)
      %dma_wait3A_397 = arith.constant 0 : i32
      %dma_wait3A_398 = arith.constant 0 : i32
      %dma_wait3A_399 = arith.constant 0 : i32
      %dma_wait3A_400 = arith.constant 0 : i32
      %dma_wait3A_401 = tpu.memref_slice %arg10[%dma_wait3A_398, %dma_wait3A_399, %dma_wait3A_400] : memref<2x128x128xf32, #tpu.memory_space<vmem>> -> memref<1x128x128xf32, #tpu.memory_space<vmem>>
      %dma_wait3A_402 = tpu.memref_squeeze %dma_wait3A_401 : memref<1x128x128xf32, #tpu.memory_space<vmem>> -> memref<128x128xf32, #tpu.memory_space<vmem>>
      %dma_wait3A_403 = arith.constant 0 : i32
      %dma_wait3A_404 = tpu.memref_slice %arg8[%dma_wait3A_397, %dma_wait3A_403] : memref<2x128xi32, #tpu.memory_space<vmem>> -> memref<1x128xi32, #tpu.memory_space<vmem>>
      %dma_wait3A_405 = tpu.memref_squeeze %dma_wait3A_404 : memref<1x128xi32, #tpu.memory_space<vmem>> -> memref<128xi32, #tpu.memory_space<vmem>>
      %dma_wait3A_406 = arith.constant 0 : i32
      %dma_wait3A_407 = arith.constant 0 : i32
      %dma_wait3A_408 = tpu.memref_slice %arg2[%dma_wait3A_406, %dma_wait3A_407] : memref<10000x128xf32, #tpu.memory_space<hbm>> -> memref<10000x128xf32, #tpu.memory_space<hbm>>
      tpu.wait_indirect_dma semaphore(%arg11 : memref<!tpu.dma_semaphore, #tpu.memory_space<semaphore_mem>>) src(%dma_wait3A_408 : memref<10000x128xf32, #tpu.memory_space<hbm>>) dst(%dma_wait3A_402 : memref<128x128xf32, #tpu.memory_space<vmem>>)
      %run_scoped3A_409 = arith.constant 0 : i32
      %run_scoped3A_410 = arith.constant 0 : i32
      "tpu.region"() ({
        %run_scoped3A_426 = tpu.sem_alloc : memref<!tpu.dma_semaphore, #tpu.memory_space<semaphore_mem>>
        %dma_start3A_427 = arith.constant 0 : i32
        %dma_start3A_428 = arith.constant 0 : i32
        %dma_start3A_429 = tpu.memref_slice %arg10[%run_scoped3A_409, %dma_start3A_427, %dma_start3A_428] : memref<2x128x128xf32, #tpu.memory_space<vmem>> -> memref<1x128x128xf32, #tpu.memory_space<vmem>>
        %dma_start3A_430 = tpu.memref_squeeze %dma_start3A_429 : memref<1x128x128xf32, #tpu.memory_space<vmem>> -> memref<128x128xf32, #tpu.memory_space<vmem>>
        %dma_start3A_431 = arith.constant 0 : i32
        %dma_start3A_432 = tpu.memref_slice %arg9[%run_scoped3A_410, %dma_start3A_431] : memref<2x128xi32, #tpu.memory_space<vmem>> -> memref<1x128xi32, #tpu.memory_space<vmem>>
        %dma_start3A_433 = tpu.memref_squeeze %dma_start3A_432 : memref<1x128xi32, #tpu.memory_space<vmem>> -> memref<128xi32, #tpu.memory_space<vmem>>
        %dma_start3A_434 = arith.constant 0 : i32
        %dma_start3A_435 = arith.constant 0 : i32
        %dma_start3A_436 = tpu.memref_slice %arg7[%dma_start3A_434, %dma_start3A_435] : memref<10240x128xf32, #tpu.memory_space<vmem_shared>> -> memref<10240x128xf32, #tpu.memory_space<vmem_shared>>
        tpu.enqueue_indirect_dma source(%dma_start3A_430 : memref<128x128xf32, #tpu.memory_space<vmem>>) target(%dma_start3A_436 : memref<10240x128xf32, #tpu.memory_space<vmem_shared>>) offsets(%dma_start3A_433 : memref<128xi32, #tpu.memory_space<vmem>>) semaphore(%run_scoped3A_426 : memref<!tpu.dma_semaphore, #tpu.memory_space<semaphore_mem>>) {add = true}
        %dma_wait3A_437 = arith.constant 0 : i32
        %dma_wait3A_438 = arith.constant 0 : i32
        %dma_wait3A_439 = tpu.memref_slice %arg10[%run_scoped3A_409, %dma_wait3A_437, %dma_wait3A_438] : memref<2x128x128xf32, #tpu.memory_space<vmem>> -> memref<1x128x128xf32, #tpu.memory_space<vmem>>
        %dma_wait3A_440 = tpu.memref_squeeze %dma_wait3A_439 : memref<1x128x128xf32, #tpu.memory_space<vmem>> -> memref<128x128xf32, #tpu.memory_space<vmem>>
        %dma_wait3A_441 = arith.constant 0 : i32
        %dma_wait3A_442 = tpu.memref_slice %arg9[%run_scoped3A_410, %dma_wait3A_441] : memref<2x128xi32, #tpu.memory_space<vmem>> -> memref<1x128xi32, #tpu.memory_space<vmem>>
        %dma_wait3A_443 = tpu.memref_squeeze %dma_wait3A_442 : memref<1x128xi32, #tpu.memory_space<vmem>> -> memref<128xi32, #tpu.memory_space<vmem>>
        %dma_wait3A_444 = arith.constant 0 : i32
        %dma_wait3A_445 = arith.constant 0 : i32
        %dma_wait3A_446 = tpu.memref_slice %arg7[%dma_wait3A_444, %dma_wait3A_445] : memref<10240x128xf32, #tpu.memory_space<vmem_shared>> -> memref<10240x128xf32, #tpu.memory_space<vmem_shared>>
        tpu.wait_indirect_dma semaphore(%run_scoped3A_426 : memref<!tpu.dma_semaphore, #tpu.memory_space<semaphore_mem>>) src(%dma_wait3A_440 : memref<128x128xf32, #tpu.memory_space<vmem>>) dst(%dma_wait3A_446 : memref<10240x128xf32, #tpu.memory_space<vmem_shared>>)
        tpu.yield
      }) : () -> ()
      %dma_wait3A_411 = arith.constant 1 : i32
      %dma_wait3A_412 = arith.constant 1 : i32
      %dma_wait3A_413 = arith.constant 0 : i32
      %dma_wait3A_414 = arith.constant 0 : i32
      %dma_wait3A_415 = tpu.memref_slice %arg10[%dma_wait3A_412, %dma_wait3A_413, %dma_wait3A_414] : memref<2x128x128xf32, #tpu.memory_space<vmem>> -> memref<1x128x128xf32, #tpu.memory_space<vmem>>
      %dma_wait3A_416 = tpu.memref_squeeze %dma_wait3A_415 : memref<1x128x128xf32, #tpu.memory_space<vmem>> -> memref<128x128xf32, #tpu.memory_space<vmem>>
      %dma_wait3A_417 = arith.constant 0 : i32
      %dma_wait3A_418 = tpu.memref_slice %arg8[%dma_wait3A_411, %dma_wait3A_417] : memref<2x128xi32, #tpu.memory_space<vmem>> -> memref<1x128xi32, #tpu.memory_space<vmem>>
      %dma_wait3A_419 = tpu.memref_squeeze %dma_wait3A_418 : memref<1x128xi32, #tpu.memory_space<vmem>> -> memref<128xi32, #tpu.memory_space<vmem>>
      %dma_wait3A_420 = arith.constant 0 : i32
      %dma_wait3A_421 = arith.constant 0 : i32
      %dma_wait3A_422 = tpu.memref_slice %arg2[%dma_wait3A_420, %dma_wait3A_421] : memref<10000x128xf32, #tpu.memory_space<hbm>> -> memref<10000x128xf32, #tpu.memory_space<hbm>>
      tpu.wait_indirect_dma semaphore(%arg12 : memref<!tpu.dma_semaphore, #tpu.memory_space<semaphore_mem>>) src(%dma_wait3A_422 : memref<10000x128xf32, #tpu.memory_space<hbm>>) dst(%dma_wait3A_416 : memref<128x128xf32, #tpu.memory_space<vmem>>)
      %run_scoped3A_423 = arith.constant 1 : i32
      %run_scoped3A_424 = arith.constant 1 : i32
      "tpu.region"() ({
        %run_scoped3A_426 = tpu.sem_alloc : memref<!tpu.dma_semaphore, #tpu.memory_space<semaphore_mem>>
        %dma_start3A_427 = arith.constant 0 : i32
        %dma_start3A_428 = arith.constant 0 : i32
        %dma_start3A_429 = tpu.memref_slice %arg10[%run_scoped3A_423, %dma_start3A_427, %dma_start3A_428] : memref<2x128x128xf32, #tpu.memory_space<vmem>> -> memref<1x128x128xf32, #tpu.memory_space<vmem>>
        %dma_start3A_430 = tpu.memref_squeeze %dma_start3A_429 : memref<1x128x128xf32, #tpu.memory_space<vmem>> -> memref<128x128xf32, #tpu.memory_space<vmem>>
        %dma_start3A_431 = arith.constant 0 : i32
        %dma_start3A_432 = tpu.memref_slice %arg9[%run_scoped3A_424, %dma_start3A_431] : memref<2x128xi32, #tpu.memory_space<vmem>> -> memref<1x128xi32, #tpu.memory_space<vmem>>
        %dma_start3A_433 = tpu.memref_squeeze %dma_start3A_432 : memref<1x128xi32, #tpu.memory_space<vmem>> -> memref<128xi32, #tpu.memory_space<vmem>>
        %dma_start3A_434 = arith.constant 0 : i32
        %dma_start3A_435 = arith.constant 0 : i32
        %dma_start3A_436 = tpu.memref_slice %arg7[%dma_start3A_434, %dma_start3A_435] : memref<10240x128xf32, #tpu.memory_space<vmem_shared>> -> memref<10240x128xf32, #tpu.memory_space<vmem_shared>>
        tpu.enqueue_indirect_dma source(%dma_start3A_430 : memref<128x128xf32, #tpu.memory_space<vmem>>) target(%dma_start3A_436 : memref<10240x128xf32, #tpu.memory_space<vmem_shared>>) offsets(%dma_start3A_433 : memref<128xi32, #tpu.memory_space<vmem>>) semaphore(%run_scoped3A_426 : memref<!tpu.dma_semaphore, #tpu.memory_space<semaphore_mem>>) {add = true}
        %dma_wait3A_437 = arith.constant 0 : i32
        %dma_wait3A_438 = arith.constant 0 : i32
        %dma_wait3A_439 = tpu.memref_slice %arg10[%run_scoped3A_423, %dma_wait3A_437, %dma_wait3A_438] : memref<2x128x128xf32, #tpu.memory_space<vmem>> -> memref<1x128x128xf32, #tpu.memory_space<vmem>>
        %dma_wait3A_440 = tpu.memref_squeeze %dma_wait3A_439 : memref<1x128x128xf32, #tpu.memory_space<vmem>> -> memref<128x128xf32, #tpu.memory_space<vmem>>
        %dma_wait3A_441 = arith.constant 0 : i32
        %dma_wait3A_442 = tpu.memref_slice %arg9[%run_scoped3A_424, %dma_wait3A_441] : memref<2x128xi32, #tpu.memory_space<vmem>> -> memref<1x128xi32, #tpu.memory_space<vmem>>
        %dma_wait3A_443 = tpu.memref_squeeze %dma_wait3A_442 : memref<1x128xi32, #tpu.memory_space<vmem>> -> memref<128xi32, #tpu.memory_space<vmem>>
        %dma_wait3A_444 = arith.constant 0 : i32
        %dma_wait3A_445 = arith.constant 0 : i32
        %dma_wait3A_446 = tpu.memref_slice %arg7[%dma_wait3A_444, %dma_wait3A_445] : memref<10240x128xf32, #tpu.memory_space<vmem_shared>> -> memref<10240x128xf32, #tpu.memory_space<vmem_shared>>
        tpu.wait_indirect_dma semaphore(%run_scoped3A_426 : memref<!tpu.dma_semaphore, #tpu.memory_space<semaphore_mem>>) src(%dma_wait3A_440 : memref<128x128xf32, #tpu.memory_space<vmem>>) dst(%dma_wait3A_446 : memref<10240x128xf32, #tpu.memory_space<vmem_shared>>)
        tpu.yield
      }) : () -> ()
      %scan3A_425 = arith.constant 0 : i32
      scf.yield %scan3A_425 : i32
    }
    %scan3A_154 = arith.constant 40 : i32
    %barrier3A_155 = arith.constant 0 : index
    tpu.barrier barrier_id(%barrier3A_155)
    %mul3A_156 = arith.constant 640 : i32
    %mul3A_157 = arith.muli %arg1, %mul3A_156 : i32
    %add3A_158 = arith.constant 0 : i32
    %add3A_159 = arith.addi %mul3A_157, %add3A_158 : i32
    %run_scoped3A_160 = arith.constant 0 : i32
    "tpu.region"() ({
      %run_scoped3A_351 = tpu.sem_alloc : memref<!tpu.dma_semaphore, #tpu.memory_space<semaphore_mem>>
      %dma_start3A_352 = arith.constant 0 : i32
      %dma_start3A_353 = arith.constant 0 : i32
      %dma_start3A_354 = tpu.memref_slice %arg10[%run_scoped3A_160, %dma_start3A_352, %dma_start3A_353] : memref<2x128x128xf32, #tpu.memory_space<vmem>> -> memref<1x128x128xf32, #tpu.memory_space<vmem>>
      %dma_start3A_355 = tpu.memref_squeeze %dma_start3A_354 : memref<1x128x128xf32, #tpu.memory_space<vmem>> -> memref<128x128xf32, #tpu.memory_space<vmem>>
      %dma_start3A_356 = arith.constant 0 : i32
      %dma_start3A_357 = tpu.memref_slice %arg7[%add3A_159, %dma_start3A_356] : memref<10240x128xf32, #tpu.memory_space<vmem_shared>> -> memref<128x128xf32, #tpu.memory_space<vmem_shared>>
      %dma_start3A_358 = arith.constant 0 : i32
      %dma_start3A_359 = arith.constant 0 : i32
      %dma_start3A_360 = tpu.memref_slice %arg10[%run_scoped3A_160, %dma_start3A_358, %dma_start3A_359] : memref<2x128x128xf32, #tpu.memory_space<vmem>> -> memref<1x128x128xf32, #tpu.memory_space<vmem>>
      %dma_start3A_361 = tpu.memref_squeeze %dma_start3A_360 : memref<1x128x128xf32, #tpu.memory_space<vmem>> -> memref<128x128xf32, #tpu.memory_space<vmem>>
      %dma_start3A_362 = arith.constant 0 : i32
      %dma_start3A_363 = tpu.memref_slice %arg7[%add3A_159, %dma_start3A_362] : memref<10240x128xf32, #tpu.memory_space<vmem_shared>> -> memref<128x128xf32, #tpu.memory_space<vmem_shared>>
      tpu.enqueue_dma source(%dma_start3A_363 : memref<128x128xf32, #tpu.memory_space<vmem_shared>>) target(%dma_start3A_361 : memref<128x128xf32, #tpu.memory_space<vmem>>) target_semaphore(%run_scoped3A_351 : memref<!tpu.dma_semaphore, #tpu.memory_space<semaphore_mem>>)
      %dma_wait3A_364 = arith.constant 0 : i32
      %dma_wait3A_365 = arith.constant 0 : i32
      %dma_wait3A_366 = tpu.memref_slice %arg10[%run_scoped3A_160, %dma_wait3A_364, %dma_wait3A_365] : memref<2x128x128xf32, #tpu.memory_space<vmem>> -> memref<1x128x128xf32, #tpu.memory_space<vmem>>
      %dma_wait3A_367 = tpu.memref_squeeze %dma_wait3A_366 : memref<1x128x128xf32, #tpu.memory_space<vmem>> -> memref<128x128xf32, #tpu.memory_space<vmem>>
      %dma_wait3A_368 = arith.constant 0 : i32
      %dma_wait3A_369 = tpu.memref_slice %arg7[%add3A_159, %dma_wait3A_368] : memref<10240x128xf32, #tpu.memory_space<vmem_shared>> -> memref<128x128xf32, #tpu.memory_space<vmem_shared>>
      %dma_wait3A_370 = arith.constant 0 : i32
      %dma_wait3A_371 = arith.constant 0 : i32
      %dma_wait3A_372 = tpu.memref_slice %arg10[%run_scoped3A_160, %dma_wait3A_370, %dma_wait3A_371] : memref<2x128x128xf32, #tpu.memory_space<vmem>> -> memref<1x128x128xf32, #tpu.memory_space<vmem>>
      %dma_wait3A_373 = tpu.memref_squeeze %dma_wait3A_372 : memref<1x128x128xf32, #tpu.memory_space<vmem>> -> memref<128x128xf32, #tpu.memory_space<vmem>>
      %dma_wait3A_374 = arith.constant 0 : i32
      %dma_wait3A_375 = tpu.memref_slice %arg7[%add3A_159, %dma_wait3A_374] : memref<10240x128xf32, #tpu.memory_space<vmem_shared>> -> memref<128x128xf32, #tpu.memory_space<vmem_shared>>
      tpu.wait_dma2 semaphore(%run_scoped3A_351 : memref<!tpu.dma_semaphore, #tpu.memory_space<semaphore_mem>>) src(%dma_wait3A_375 : memref<128x128xf32, #tpu.memory_space<vmem_shared>>) dst(%dma_wait3A_373 : memref<128x128xf32, #tpu.memory_space<vmem>>)
      tpu.yield
    }) : () -> ()
    %mul3A_161 = arith.constant 640 : i32
    %mul3A_162 = arith.muli %arg1, %mul3A_161 : i32
    %add3A_163 = arith.constant 0 : i32
    %add3A_164 = arith.addi %mul3A_162, %add3A_163 : i32
    %dma_start3A_165 = arith.constant 0 : i32
    %dma_start3A_166 = arith.constant 0 : i32
    %dma_start3A_167 = arith.constant 0 : i32
    %dma_start3A_168 = tpu.memref_slice %arg10[%dma_start3A_165, %dma_start3A_166, %dma_start3A_167] : memref<2x128x128xf32, #tpu.memory_space<vmem>> -> memref<1x128x128xf32, #tpu.memory_space<vmem>>
    %dma_start3A_169 = tpu.memref_squeeze %dma_start3A_168 : memref<1x128x128xf32, #tpu.memory_space<vmem>> -> memref<128x128xf32, #tpu.memory_space<vmem>>
    %dma_start3A_170 = arith.constant 0 : i32
    %dma_start3A_171 = tpu.memref_slice %arg6[%arg0, %add3A_164, %dma_start3A_170] : memref<2x10240x128xf32, #tpu.memory_space<hbm>> -> memref<1x128x128xf32, #tpu.memory_space<hbm>>
    %dma_start3A_172 = tpu.memref_squeeze %dma_start3A_171 : memref<1x128x128xf32, #tpu.memory_space<hbm>> -> memref<128x128xf32, #tpu.memory_space<hbm>>
    %dma_start3A_173 = arith.constant 0 : i32
    %dma_start3A_174 = tpu.memref_slice %arg6[%arg0, %add3A_164, %dma_start3A_173] : memref<2x10240x128xf32, #tpu.memory_space<hbm>> -> memref<1x128x128xf32, #tpu.memory_space<hbm>>
    %dma_start3A_175 = tpu.memref_squeeze %dma_start3A_174 : memref<1x128x128xf32, #tpu.memory_space<hbm>> -> memref<128x128xf32, #tpu.memory_space<hbm>>
    %dma_start3A_176 = arith.constant 0 : i32
    %dma_start3A_177 = arith.constant 0 : i32
    %dma_start3A_178 = tpu.memref_slice %arg10[%dma_start3A_165, %dma_start3A_176, %dma_start3A_177] : memref<2x128x128xf32, #tpu.memory_space<vmem>> -> memref<1x128x128xf32, #tpu.memory_space<vmem>>
    %dma_start3A_179 = tpu.memref_squeeze %dma_start3A_178 : memref<1x128x128xf32, #tpu.memory_space<vmem>> -> memref<128x128xf32, #tpu.memory_space<vmem>>
    tpu.enqueue_dma source(%dma_start3A_179 : memref<128x128xf32, #tpu.memory_space<vmem>>) target(%dma_start3A_175 : memref<128x128xf32, #tpu.memory_space<hbm>>) target_semaphore(%arg11 : memref<!tpu.dma_semaphore, #tpu.memory_space<semaphore_mem>>)
    %mul3A_180 = arith.constant 640 : i32
    %mul3A_181 = arith.muli %arg1, %mul3A_180 : i32
    %add3A_182 = arith.constant 128 : i32
    %add3A_183 = arith.addi %mul3A_181, %add3A_182 : i32
    %run_scoped3A_184 = arith.constant 1 : i32
    "tpu.region"() ({
      %run_scoped3A_351 = tpu.sem_alloc : memref<!tpu.dma_semaphore, #tpu.memory_space<semaphore_mem>>
      %dma_start3A_352 = arith.constant 0 : i32
      %dma_start3A_353 = arith.constant 0 : i32
      %dma_start3A_354 = tpu.memref_slice %arg10[%run_scoped3A_184, %dma_start3A_352, %dma_start3A_353] : memref<2x128x128xf32, #tpu.memory_space<vmem>> -> memref<1x128x128xf32, #tpu.memory_space<vmem>>
      %dma_start3A_355 = tpu.memref_squeeze %dma_start3A_354 : memref<1x128x128xf32, #tpu.memory_space<vmem>> -> memref<128x128xf32, #tpu.memory_space<vmem>>
      %dma_start3A_356 = arith.constant 0 : i32
      %dma_start3A_357 = tpu.memref_slice %arg7[%add3A_183, %dma_start3A_356] : memref<10240x128xf32, #tpu.memory_space<vmem_shared>> -> memref<128x128xf32, #tpu.memory_space<vmem_shared>>
      %dma_start3A_358 = arith.constant 0 : i32
      %dma_start3A_359 = arith.constant 0 : i32
      %dma_start3A_360 = tpu.memref_slice %arg10[%run_scoped3A_184, %dma_start3A_358, %dma_start3A_359] : memref<2x128x128xf32, #tpu.memory_space<vmem>> -> memref<1x128x128xf32, #tpu.memory_space<vmem>>
      %dma_start3A_361 = tpu.memref_squeeze %dma_start3A_360 : memref<1x128x128xf32, #tpu.memory_space<vmem>> -> memref<128x128xf32, #tpu.memory_space<vmem>>
      %dma_start3A_362 = arith.constant 0 : i32
      %dma_start3A_363 = tpu.memref_slice %arg7[%add3A_183, %dma_start3A_362] : memref<10240x128xf32, #tpu.memory_space<vmem_shared>> -> memref<128x128xf32, #tpu.memory_space<vmem_shared>>
      tpu.enqueue_dma source(%dma_start3A_363 : memref<128x128xf32, #tpu.memory_space<vmem_shared>>) target(%dma_start3A_361 : memref<128x128xf32, #tpu.memory_space<vmem>>) target_semaphore(%run_scoped3A_351 : memref<!tpu.dma_semaphore, #tpu.memory_space<semaphore_mem>>)
      %dma_wait3A_364 = arith.constant 0 : i32
      %dma_wait3A_365 = arith.constant 0 : i32
      %dma_wait3A_366 = tpu.memref_slice %arg10[%run_scoped3A_184, %dma_wait3A_364, %dma_wait3A_365] : memref<2x128x128xf32, #tpu.memory_space<vmem>> -> memref<1x128x128xf32, #tpu.memory_space<vmem>>
      %dma_wait3A_367 = tpu.memref_squeeze %dma_wait3A_366 : memref<1x128x128xf32, #tpu.memory_space<vmem>> -> memref<128x128xf32, #tpu.memory_space<vmem>>
      %dma_wait3A_368 = arith.constant 0 : i32
      %dma_wait3A_369 = tpu.memref_slice %arg7[%add3A_183, %dma_wait3A_368] : memref<10240x128xf32, #tpu.memory_space<vmem_shared>> -> memref<128x128xf32, #tpu.memory_space<vmem_shared>>
      %dma_wait3A_370 = arith.constant 0 : i32
      %dma_wait3A_371 = arith.constant 0 : i32
      %dma_wait3A_372 = tpu.memref_slice %arg10[%run_scoped3A_184, %dma_wait3A_370, %dma_wait3A_371] : memref<2x128x128xf32, #tpu.memory_space<vmem>> -> memref<1x128x128xf32, #tpu.memory_space<vmem>>
      %dma_wait3A_373 = tpu.memref_squeeze %dma_wait3A_372 : memref<1x128x128xf32, #tpu.memory_space<vmem>> -> memref<128x128xf32, #tpu.memory_space<vmem>>
      %dma_wait3A_374 = arith.constant 0 : i32
      %dma_wait3A_375 = tpu.memref_slice %arg7[%add3A_183, %dma_wait3A_374] : memref<10240x128xf32, #tpu.memory_space<vmem_shared>> -> memref<128x128xf32, #tpu.memory_space<vmem_shared>>
      tpu.wait_dma2 semaphore(%run_scoped3A_351 : memref<!tpu.dma_semaphore, #tpu.memory_space<semaphore_mem>>) src(%dma_wait3A_375 : memref<128x128xf32, #tpu.memory_space<vmem_shared>>) dst(%dma_wait3A_373 : memref<128x128xf32, #tpu.memory_space<vmem>>)
      tpu.yield
    }) : () -> ()
    %mul3A_185 = arith.constant 640 : i32
    %mul3A_186 = arith.muli %arg1, %mul3A_185 : i32
    %add3A_187 = arith.constant 128 : i32
    %add3A_188 = arith.addi %mul3A_186, %add3A_187 : i32
    %dma_start3A_189 = arith.constant 1 : i32
    %dma_start3A_190 = arith.constant 0 : i32
    %dma_start3A_191 = arith.constant 0 : i32
    %dma_start3A_192 = tpu.memref_slice %arg10[%dma_start3A_189, %dma_start3A_190, %dma_start3A_191] : memref<2x128x128xf32, #tpu.memory_space<vmem>> -> memref<1x128x128xf32, #tpu.memory_space<vmem>>
    %dma_start3A_193 = tpu.memref_squeeze %dma_start3A_192 : memref<1x128x128xf32, #tpu.memory_space<vmem>> -> memref<128x128xf32, #tpu.memory_space<vmem>>
    %dma_start3A_194 = arith.constant 0 : i32
    %dma_start3A_195 = tpu.memref_slice %arg6[%arg0, %add3A_188, %dma_start3A_194] : memref<2x10240x128xf32, #tpu.memory_space<hbm>> -> memref<1x128x128xf32, #tpu.memory_space<hbm>>
    %dma_start3A_196 = tpu.memref_squeeze %dma_start3A_195 : memref<1x128x128xf32, #tpu.memory_space<hbm>> -> memref<128x128xf32, #tpu.memory_space<hbm>>
    %dma_start3A_197 = arith.constant 0 : i32
    %dma_start3A_198 = tpu.memref_slice %arg6[%arg0, %add3A_188, %dma_start3A_197] : memref<2x10240x128xf32, #tpu.memory_space<hbm>> -> memref<1x128x128xf32, #tpu.memory_space<hbm>>
    %dma_start3A_199 = tpu.memref_squeeze %dma_start3A_198 : memref<1x128x128xf32, #tpu.memory_space<hbm>> -> memref<128x128xf32, #tpu.memory_space<hbm>>
    %dma_start3A_200 = arith.constant 0 : i32
    %dma_start3A_201 = arith.constant 0 : i32
    %dma_start3A_202 = tpu.memref_slice %arg10[%dma_start3A_189, %dma_start3A_200, %dma_start3A_201] : memref<2x128x128xf32, #tpu.memory_space<vmem>> -> memref<1x128x128xf32, #tpu.memory_space<vmem>>
    %dma_start3A_203 = tpu.memref_squeeze %dma_start3A_202 : memref<1x128x128xf32, #tpu.memory_space<vmem>> -> memref<128x128xf32, #tpu.memory_space<vmem>>
    tpu.enqueue_dma source(%dma_start3A_203 : memref<128x128xf32, #tpu.memory_space<vmem>>) target(%dma_start3A_199 : memref<128x128xf32, #tpu.memory_space<hbm>>) target_semaphore(%arg12 : memref<!tpu.dma_semaphore, #tpu.memory_space<semaphore_mem>>)
    %dma_wait3A_204 = arith.constant 0 : i32
    %dma_wait3A_205 = arith.constant 0 : i32
    %dma_wait3A_206 = arith.constant 0 : i32
    %dma_wait3A_207 = tpu.memref_slice %arg10[%dma_wait3A_204, %dma_wait3A_205, %dma_wait3A_206] : memref<2x128x128xf32, #tpu.memory_space<vmem>> -> memref<1x128x128xf32, #tpu.memory_space<vmem>>
    %dma_wait3A_208 = tpu.memref_squeeze %dma_wait3A_207 : memref<1x128x128xf32, #tpu.memory_space<vmem>> -> memref<128x128xf32, #tpu.memory_space<vmem>>
    %dma_wait3A_209 = arith.constant 0 : i32
    %dma_wait3A_210 = tpu.memref_slice %arg6[%arg0, %add3A_164, %dma_wait3A_209] : memref<2x10240x128xf32, #tpu.memory_space<hbm>> -> memref<1x128x128xf32, #tpu.memory_space<hbm>>
    %dma_wait3A_211 = tpu.memref_squeeze %dma_wait3A_210 : memref<1x128x128xf32, #tpu.memory_space<hbm>> -> memref<128x128xf32, #tpu.memory_space<hbm>>
    %dma_wait3A_212 = arith.constant 0 : i32
    %dma_wait3A_213 = tpu.memref_slice %arg6[%arg0, %add3A_164, %dma_wait3A_212] : memref<2x10240x128xf32, #tpu.memory_space<hbm>> -> memref<1x128x128xf32, #tpu.memory_space<hbm>>
    %dma_wait3A_214 = tpu.memref_squeeze %dma_wait3A_213 : memref<1x128x128xf32, #tpu.memory_space<hbm>> -> memref<128x128xf32, #tpu.memory_space<hbm>>
    %dma_wait3A_215 = arith.constant 0 : i32
    %dma_wait3A_216 = arith.constant 0 : i32
    %dma_wait3A_217 = tpu.memref_slice %arg10[%dma_wait3A_204, %dma_wait3A_215, %dma_wait3A_216] : memref<2x128x128xf32, #tpu.memory_space<vmem>> -> memref<1x128x128xf32, #tpu.memory_space<vmem>>
    %dma_wait3A_218 = tpu.memref_squeeze %dma_wait3A_217 : memref<1x128x128xf32, #tpu.memory_space<vmem>> -> memref<128x128xf32, #tpu.memory_space<vmem>>
    tpu.wait_dma2 semaphore(%arg11 : memref<!tpu.dma_semaphore, #tpu.memory_space<semaphore_mem>>) src(%dma_wait3A_218 : memref<128x128xf32, #tpu.memory_space<vmem>>) dst(%dma_wait3A_214 : memref<128x128xf32, #tpu.memory_space<hbm>>)
    %mul3A_219 = arith.constant 640 : i32
    %mul3A_220 = arith.muli %arg1, %mul3A_219 : i32
    %add3A_221 = arith.constant 256 : i32
    %add3A_222 = arith.addi %mul3A_220, %add3A_221 : i32
    %run_scoped3A_223 = arith.constant 0 : i32
    "tpu.region"() ({
      %run_scoped3A_351 = tpu.sem_alloc : memref<!tpu.dma_semaphore, #tpu.memory_space<semaphore_mem>>
      %dma_start3A_352 = arith.constant 0 : i32
      %dma_start3A_353 = arith.constant 0 : i32
      %dma_start3A_354 = tpu.memref_slice %arg10[%run_scoped3A_223, %dma_start3A_352, %dma_start3A_353] : memref<2x128x128xf32, #tpu.memory_space<vmem>> -> memref<1x128x128xf32, #tpu.memory_space<vmem>>
      %dma_start3A_355 = tpu.memref_squeeze %dma_start3A_354 : memref<1x128x128xf32, #tpu.memory_space<vmem>> -> memref<128x128xf32, #tpu.memory_space<vmem>>
      %dma_start3A_356 = arith.constant 0 : i32
      %dma_start3A_357 = tpu.memref_slice %arg7[%add3A_222, %dma_start3A_356] : memref<10240x128xf32, #tpu.memory_space<vmem_shared>> -> memref<128x128xf32, #tpu.memory_space<vmem_shared>>
      %dma_start3A_358 = arith.constant 0 : i32
      %dma_start3A_359 = arith.constant 0 : i32
      %dma_start3A_360 = tpu.memref_slice %arg10[%run_scoped3A_223, %dma_start3A_358, %dma_start3A_359] : memref<2x128x128xf32, #tpu.memory_space<vmem>> -> memref<1x128x128xf32, #tpu.memory_space<vmem>>
      %dma_start3A_361 = tpu.memref_squeeze %dma_start3A_360 : memref<1x128x128xf32, #tpu.memory_space<vmem>> -> memref<128x128xf32, #tpu.memory_space<vmem>>
      %dma_start3A_362 = arith.constant 0 : i32
      %dma_start3A_363 = tpu.memref_slice %arg7[%add3A_222, %dma_start3A_362] : memref<10240x128xf32, #tpu.memory_space<vmem_shared>> -> memref<128x128xf32, #tpu.memory_space<vmem_shared>>
      tpu.enqueue_dma source(%dma_start3A_363 : memref<128x128xf32, #tpu.memory_space<vmem_shared>>) target(%dma_start3A_361 : memref<128x128xf32, #tpu.memory_space<vmem>>) target_semaphore(%run_scoped3A_351 : memref<!tpu.dma_semaphore, #tpu.memory_space<semaphore_mem>>)
      %dma_wait3A_364 = arith.constant 0 : i32
      %dma_wait3A_365 = arith.constant 0 : i32
      %dma_wait3A_366 = tpu.memref_slice %arg10[%run_scoped3A_223, %dma_wait3A_364, %dma_wait3A_365] : memref<2x128x128xf32, #tpu.memory_space<vmem>> -> memref<1x128x128xf32, #tpu.memory_space<vmem>>
      %dma_wait3A_367 = tpu.memref_squeeze %dma_wait3A_366 : memref<1x128x128xf32, #tpu.memory_space<vmem>> -> memref<128x128xf32, #tpu.memory_space<vmem>>
      %dma_wait3A_368 = arith.constant 0 : i32
      %dma_wait3A_369 = tpu.memref_slice %arg7[%add3A_222, %dma_wait3A_368] : memref<10240x128xf32, #tpu.memory_space<vmem_shared>> -> memref<128x128xf32, #tpu.memory_space<vmem_shared>>
      %dma_wait3A_370 = arith.constant 0 : i32
      %dma_wait3A_371 = arith.constant 0 : i32
      %dma_wait3A_372 = tpu.memref_slice %arg10[%run_scoped3A_223, %dma_wait3A_370, %dma_wait3A_371] : memref<2x128x128xf32, #tpu.memory_space<vmem>> -> memref<1x128x128xf32, #tpu.memory_space<vmem>>
      %dma_wait3A_373 = tpu.memref_squeeze %dma_wait3A_372 : memref<1x128x128xf32, #tpu.memory_space<vmem>> -> memref<128x128xf32, #tpu.memory_space<vmem>>
      %dma_wait3A_374 = arith.constant 0 : i32
      %dma_wait3A_375 = tpu.memref_slice %arg7[%add3A_222, %dma_wait3A_374] : memref<10240x128xf32, #tpu.memory_space<vmem_shared>> -> memref<128x128xf32, #tpu.memory_space<vmem_shared>>
      tpu.wait_dma2 semaphore(%run_scoped3A_351 : memref<!tpu.dma_semaphore, #tpu.memory_space<semaphore_mem>>) src(%dma_wait3A_375 : memref<128x128xf32, #tpu.memory_space<vmem_shared>>) dst(%dma_wait3A_373 : memref<128x128xf32, #tpu.memory_space<vmem>>)
      tpu.yield
    }) : () -> ()
    %mul3A_224 = arith.constant 640 : i32
    %mul3A_225 = arith.muli %arg1, %mul3A_224 : i32
    %add3A_226 = arith.constant 256 : i32
    %add3A_227 = arith.addi %mul3A_225, %add3A_226 : i32
    %dma_start3A_228 = arith.constant 0 : i32
    %dma_start3A_229 = arith.constant 0 : i32
    %dma_start3A_230 = arith.constant 0 : i32
    %dma_start3A_231 = tpu.memref_slice %arg10[%dma_start3A_228, %dma_start3A_229, %dma_start3A_230] : memref<2x128x128xf32, #tpu.memory_space<vmem>> -> memref<1x128x128xf32, #tpu.memory_space<vmem>>
    %dma_start3A_232 = tpu.memref_squeeze %dma_start3A_231 : memref<1x128x128xf32, #tpu.memory_space<vmem>> -> memref<128x128xf32, #tpu.memory_space<vmem>>
    %dma_start3A_233 = arith.constant 0 : i32
    %dma_start3A_234 = tpu.memref_slice %arg6[%arg0, %add3A_227, %dma_start3A_233] : memref<2x10240x128xf32, #tpu.memory_space<hbm>> -> memref<1x128x128xf32, #tpu.memory_space<hbm>>
    %dma_start3A_235 = tpu.memref_squeeze %dma_start3A_234 : memref<1x128x128xf32, #tpu.memory_space<hbm>> -> memref<128x128xf32, #tpu.memory_space<hbm>>
    %dma_start3A_236 = arith.constant 0 : i32
    %dma_start3A_237 = tpu.memref_slice %arg6[%arg0, %add3A_227, %dma_start3A_236] : memref<2x10240x128xf32, #tpu.memory_space<hbm>> -> memref<1x128x128xf32, #tpu.memory_space<hbm>>
    %dma_start3A_238 = tpu.memref_squeeze %dma_start3A_237 : memref<1x128x128xf32, #tpu.memory_space<hbm>> -> memref<128x128xf32, #tpu.memory_space<hbm>>
    %dma_start3A_239 = arith.constant 0 : i32
    %dma_start3A_240 = arith.constant 0 : i32
    %dma_start3A_241 = tpu.memref_slice %arg10[%dma_start3A_228, %dma_start3A_239, %dma_start3A_240] : memref<2x128x128xf32, #tpu.memory_space<vmem>> -> memref<1x128x128xf32, #tpu.memory_space<vmem>>
    %dma_start3A_242 = tpu.memref_squeeze %dma_start3A_241 : memref<1x128x128xf32, #tpu.memory_space<vmem>> -> memref<128x128xf32, #tpu.memory_space<vmem>>
    tpu.enqueue_dma source(%dma_start3A_242 : memref<128x128xf32, #tpu.memory_space<vmem>>) target(%dma_start3A_238 : memref<128x128xf32, #tpu.memory_space<hbm>>) target_semaphore(%arg11 : memref<!tpu.dma_semaphore, #tpu.memory_space<semaphore_mem>>)
    %dma_wait3A_243 = arith.constant 1 : i32
    %dma_wait3A_244 = arith.constant 0 : i32
    %dma_wait3A_245 = arith.constant 0 : i32
    %dma_wait3A_246 = tpu.memref_slice %arg10[%dma_wait3A_243, %dma_wait3A_244, %dma_wait3A_245] : memref<2x128x128xf32, #tpu.memory_space<vmem>> -> memref<1x128x128xf32, #tpu.memory_space<vmem>>
    %dma_wait3A_247 = tpu.memref_squeeze %dma_wait3A_246 : memref<1x128x128xf32, #tpu.memory_space<vmem>> -> memref<128x128xf32, #tpu.memory_space<vmem>>
    %dma_wait3A_248 = arith.constant 0 : i32
    %dma_wait3A_249 = tpu.memref_slice %arg6[%arg0, %add3A_188, %dma_wait3A_248] : memref<2x10240x128xf32, #tpu.memory_space<hbm>> -> memref<1x128x128xf32, #tpu.memory_space<hbm>>
    %dma_wait3A_250 = tpu.memref_squeeze %dma_wait3A_249 : memref<1x128x128xf32, #tpu.memory_space<hbm>> -> memref<128x128xf32, #tpu.memory_space<hbm>>
    %dma_wait3A_251 = arith.constant 0 : i32
    %dma_wait3A_252 = tpu.memref_slice %arg6[%arg0, %add3A_188, %dma_wait3A_251] : memref<2x10240x128xf32, #tpu.memory_space<hbm>> -> memref<1x128x128xf32, #tpu.memory_space<hbm>>
    %dma_wait3A_253 = tpu.memref_squeeze %dma_wait3A_252 : memref<1x128x128xf32, #tpu.memory_space<hbm>> -> memref<128x128xf32, #tpu.memory_space<hbm>>
    %dma_wait3A_254 = arith.constant 0 : i32
    %dma_wait3A_255 = arith.constant 0 : i32
    %dma_wait3A_256 = tpu.memref_slice %arg10[%dma_wait3A_243, %dma_wait3A_254, %dma_wait3A_255] : memref<2x128x128xf32, #tpu.memory_space<vmem>> -> memref<1x128x128xf32, #tpu.memory_space<vmem>>
    %dma_wait3A_257 = tpu.memref_squeeze %dma_wait3A_256 : memref<1x128x128xf32, #tpu.memory_space<vmem>> -> memref<128x128xf32, #tpu.memory_space<vmem>>
    tpu.wait_dma2 semaphore(%arg12 : memref<!tpu.dma_semaphore, #tpu.memory_space<semaphore_mem>>) src(%dma_wait3A_257 : memref<128x128xf32, #tpu.memory_space<vmem>>) dst(%dma_wait3A_253 : memref<128x128xf32, #tpu.memory_space<hbm>>)
    %mul3A_258 = arith.constant 640 : i32
    %mul3A_259 = arith.muli %arg1, %mul3A_258 : i32
    %add3A_260 = arith.constant 384 : i32
    %add3A_261 = arith.addi %mul3A_259, %add3A_260 : i32
    %run_scoped3A_262 = arith.constant 1 : i32
    "tpu.region"() ({
      %run_scoped3A_351 = tpu.sem_alloc : memref<!tpu.dma_semaphore, #tpu.memory_space<semaphore_mem>>
      %dma_start3A_352 = arith.constant 0 : i32
      %dma_start3A_353 = arith.constant 0 : i32
      %dma_start3A_354 = tpu.memref_slice %arg10[%run_scoped3A_262, %dma_start3A_352, %dma_start3A_353] : memref<2x128x128xf32, #tpu.memory_space<vmem>> -> memref<1x128x128xf32, #tpu.memory_space<vmem>>
      %dma_start3A_355 = tpu.memref_squeeze %dma_start3A_354 : memref<1x128x128xf32, #tpu.memory_space<vmem>> -> memref<128x128xf32, #tpu.memory_space<vmem>>
      %dma_start3A_356 = arith.constant 0 : i32
      %dma_start3A_357 = tpu.memref_slice %arg7[%add3A_261, %dma_start3A_356] : memref<10240x128xf32, #tpu.memory_space<vmem_shared>> -> memref<128x128xf32, #tpu.memory_space<vmem_shared>>
      %dma_start3A_358 = arith.constant 0 : i32
      %dma_start3A_359 = arith.constant 0 : i32
      %dma_start3A_360 = tpu.memref_slice %arg10[%run_scoped3A_262, %dma_start3A_358, %dma_start3A_359] : memref<2x128x128xf32, #tpu.memory_space<vmem>> -> memref<1x128x128xf32, #tpu.memory_space<vmem>>
      %dma_start3A_361 = tpu.memref_squeeze %dma_start3A_360 : memref<1x128x128xf32, #tpu.memory_space<vmem>> -> memref<128x128xf32, #tpu.memory_space<vmem>>
      %dma_start3A_362 = arith.constant 0 : i32
      %dma_start3A_363 = tpu.memref_slice %arg7[%add3A_261, %dma_start3A_362] : memref<10240x128xf32, #tpu.memory_space<vmem_shared>> -> memref<128x128xf32, #tpu.memory_space<vmem_shared>>
      tpu.enqueue_dma source(%dma_start3A_363 : memref<128x128xf32, #tpu.memory_space<vmem_shared>>) target(%dma_start3A_361 : memref<128x128xf32, #tpu.memory_space<vmem>>) target_semaphore(%run_scoped3A_351 : memref<!tpu.dma_semaphore, #tpu.memory_space<semaphore_mem>>)
      %dma_wait3A_364 = arith.constant 0 : i32
      %dma_wait3A_365 = arith.constant 0 : i32
      %dma_wait3A_366 = tpu.memref_slice %arg10[%run_scoped3A_262, %dma_wait3A_364, %dma_wait3A_365] : memref<2x128x128xf32, #tpu.memory_space<vmem>> -> memref<1x128x128xf32, #tpu.memory_space<vmem>>
      %dma_wait3A_367 = tpu.memref_squeeze %dma_wait3A_366 : memref<1x128x128xf32, #tpu.memory_space<vmem>> -> memref<128x128xf32, #tpu.memory_space<vmem>>
      %dma_wait3A_368 = arith.constant 0 : i32
      %dma_wait3A_369 = tpu.memref_slice %arg7[%add3A_261, %dma_wait3A_368] : memref<10240x128xf32, #tpu.memory_space<vmem_shared>> -> memref<128x128xf32, #tpu.memory_space<vmem_shared>>
      %dma_wait3A_370 = arith.constant 0 : i32
      %dma_wait3A_371 = arith.constant 0 : i32
      %dma_wait3A_372 = tpu.memref_slice %arg10[%run_scoped3A_262, %dma_wait3A_370, %dma_wait3A_371] : memref<2x128x128xf32, #tpu.memory_space<vmem>> -> memref<1x128x128xf32, #tpu.memory_space<vmem>>
      %dma_wait3A_373 = tpu.memref_squeeze %dma_wait3A_372 : memref<1x128x128xf32, #tpu.memory_space<vmem>> -> memref<128x128xf32, #tpu.memory_space<vmem>>
      %dma_wait3A_374 = arith.constant 0 : i32
      %dma_wait3A_375 = tpu.memref_slice %arg7[%add3A_261, %dma_wait3A_374] : memref<10240x128xf32, #tpu.memory_space<vmem_shared>> -> memref<128x128xf32, #tpu.memory_space<vmem_shared>>
      tpu.wait_dma2 semaphore(%run_scoped3A_351 : memref<!tpu.dma_semaphore, #tpu.memory_space<semaphore_mem>>) src(%dma_wait3A_375 : memref<128x128xf32, #tpu.memory_space<vmem_shared>>) dst(%dma_wait3A_373 : memref<128x128xf32, #tpu.memory_space<vmem>>)
      tpu.yield
    }) : () -> ()
    %mul3A_263 = arith.constant 640 : i32
    %mul3A_264 = arith.muli %arg1, %mul3A_263 : i32
    %add3A_265 = arith.constant 384 : i32
    %add3A_266 = arith.addi %mul3A_264, %add3A_265 : i32
    %dma_start3A_267 = arith.constant 1 : i32
    %dma_start3A_268 = arith.constant 0 : i32
    %dma_start3A_269 = arith.constant 0 : i32
    %dma_start3A_270 = tpu.memref_slice %arg10[%dma_start3A_267, %dma_start3A_268, %dma_start3A_269] : memref<2x128x128xf32, #tpu.memory_space<vmem>> -> memref<1x128x128xf32, #tpu.memory_space<vmem>>
    %dma_start3A_271 = tpu.memref_squeeze %dma_start3A_270 : memref<1x128x128xf32, #tpu.memory_space<vmem>> -> memref<128x128xf32, #tpu.memory_space<vmem>>
    %dma_start3A_272 = arith.constant 0 : i32
    %dma_start3A_273 = tpu.memref_slice %arg6[%arg0, %add3A_266, %dma_start3A_272] : memref<2x10240x128xf32, #tpu.memory_space<hbm>> -> memref<1x128x128xf32, #tpu.memory_space<hbm>>
    %dma_start3A_274 = tpu.memref_squeeze %dma_start3A_273 : memref<1x128x128xf32, #tpu.memory_space<hbm>> -> memref<128x128xf32, #tpu.memory_space<hbm>>
    %dma_start3A_275 = arith.constant 0 : i32
    %dma_start3A_276 = tpu.memref_slice %arg6[%arg0, %add3A_266, %dma_start3A_275] : memref<2x10240x128xf32, #tpu.memory_space<hbm>> -> memref<1x128x128xf32, #tpu.memory_space<hbm>>
    %dma_start3A_277 = tpu.memref_squeeze %dma_start3A_276 : memref<1x128x128xf32, #tpu.memory_space<hbm>> -> memref<128x128xf32, #tpu.memory_space<hbm>>
    %dma_start3A_278 = arith.constant 0 : i32
    %dma_start3A_279 = arith.constant 0 : i32
    %dma_start3A_280 = tpu.memref_slice %arg10[%dma_start3A_267, %dma_start3A_278, %dma_start3A_279] : memref<2x128x128xf32, #tpu.memory_space<vmem>> -> memref<1x128x128xf32, #tpu.memory_space<vmem>>
    %dma_start3A_281 = tpu.memref_squeeze %dma_start3A_280 : memref<1x128x128xf32, #tpu.memory_space<vmem>> -> memref<128x128xf32, #tpu.memory_space<vmem>>
    tpu.enqueue_dma source(%dma_start3A_281 : memref<128x128xf32, #tpu.memory_space<vmem>>) target(%dma_start3A_277 : memref<128x128xf32, #tpu.memory_space<hbm>>) target_semaphore(%arg12 : memref<!tpu.dma_semaphore, #tpu.memory_space<semaphore_mem>>)
    %dma_wait3A_282 = arith.constant 0 : i32
    %dma_wait3A_283 = arith.constant 0 : i32
    %dma_wait3A_284 = arith.constant 0 : i32
    %dma_wait3A_285 = tpu.memref_slice %arg10[%dma_wait3A_282, %dma_wait3A_283, %dma_wait3A_284] : memref<2x128x128xf32, #tpu.memory_space<vmem>> -> memref<1x128x128xf32, #tpu.memory_space<vmem>>
    %dma_wait3A_286 = tpu.memref_squeeze %dma_wait3A_285 : memref<1x128x128xf32, #tpu.memory_space<vmem>> -> memref<128x128xf32, #tpu.memory_space<vmem>>
    %dma_wait3A_287 = arith.constant 0 : i32
    %dma_wait3A_288 = tpu.memref_slice %arg6[%arg0, %add3A_227, %dma_wait3A_287] : memref<2x10240x128xf32, #tpu.memory_space<hbm>> -> memref<1x128x128xf32, #tpu.memory_space<hbm>>
    %dma_wait3A_289 = tpu.memref_squeeze %dma_wait3A_288 : memref<1x128x128xf32, #tpu.memory_space<hbm>> -> memref<128x128xf32, #tpu.memory_space<hbm>>
    %dma_wait3A_290 = arith.constant 0 : i32
    %dma_wait3A_291 = tpu.memref_slice %arg6[%arg0, %add3A_227, %dma_wait3A_290] : memref<2x10240x128xf32, #tpu.memory_space<hbm>> -> memref<1x128x128xf32, #tpu.memory_space<hbm>>
    %dma_wait3A_292 = tpu.memref_squeeze %dma_wait3A_291 : memref<1x128x128xf32, #tpu.memory_space<hbm>> -> memref<128x128xf32, #tpu.memory_space<hbm>>
    %dma_wait3A_293 = arith.constant 0 : i32
    %dma_wait3A_294 = arith.constant 0 : i32
    %dma_wait3A_295 = tpu.memref_slice %arg10[%dma_wait3A_282, %dma_wait3A_293, %dma_wait3A_294] : memref<2x128x128xf32, #tpu.memory_space<vmem>> -> memref<1x128x128xf32, #tpu.memory_space<vmem>>
    %dma_wait3A_296 = tpu.memref_squeeze %dma_wait3A_295 : memref<1x128x128xf32, #tpu.memory_space<vmem>> -> memref<128x128xf32, #tpu.memory_space<vmem>>
    tpu.wait_dma2 semaphore(%arg11 : memref<!tpu.dma_semaphore, #tpu.memory_space<semaphore_mem>>) src(%dma_wait3A_296 : memref<128x128xf32, #tpu.memory_space<vmem>>) dst(%dma_wait3A_292 : memref<128x128xf32, #tpu.memory_space<hbm>>)
    %mul3A_297 = arith.constant 640 : i32
    %mul3A_298 = arith.muli %arg1, %mul3A_297 : i32
    %add3A_299 = arith.constant 512 : i32
    %add3A_300 = arith.addi %mul3A_298, %add3A_299 : i32
    %run_scoped3A_301 = arith.constant 0 : i32
    "tpu.region"() ({
      %run_scoped3A_351 = tpu.sem_alloc : memref<!tpu.dma_semaphore, #tpu.memory_space<semaphore_mem>>
      %dma_start3A_352 = arith.constant 0 : i32
      %dma_start3A_353 = arith.constant 0 : i32
      %dma_start3A_354 = tpu.memref_slice %arg10[%run_scoped3A_301, %dma_start3A_352, %dma_start3A_353] : memref<2x128x128xf32, #tpu.memory_space<vmem>> -> memref<1x128x128xf32, #tpu.memory_space<vmem>>
      %dma_start3A_355 = tpu.memref_squeeze %dma_start3A_354 : memref<1x128x128xf32, #tpu.memory_space<vmem>> -> memref<128x128xf32, #tpu.memory_space<vmem>>
      %dma_start3A_356 = arith.constant 0 : i32
      %dma_start3A_357 = tpu.memref_slice %arg7[%add3A_300, %dma_start3A_356] : memref<10240x128xf32, #tpu.memory_space<vmem_shared>> -> memref<128x128xf32, #tpu.memory_space<vmem_shared>>
      %dma_start3A_358 = arith.constant 0 : i32
      %dma_start3A_359 = arith.constant 0 : i32
      %dma_start3A_360 = tpu.memref_slice %arg10[%run_scoped3A_301, %dma_start3A_358, %dma_start3A_359] : memref<2x128x128xf32, #tpu.memory_space<vmem>> -> memref<1x128x128xf32, #tpu.memory_space<vmem>>
      %dma_start3A_361 = tpu.memref_squeeze %dma_start3A_360 : memref<1x128x128xf32, #tpu.memory_space<vmem>> -> memref<128x128xf32, #tpu.memory_space<vmem>>
      %dma_start3A_362 = arith.constant 0 : i32
      %dma_start3A_363 = tpu.memref_slice %arg7[%add3A_300, %dma_start3A_362] : memref<10240x128xf32, #tpu.memory_space<vmem_shared>> -> memref<128x128xf32, #tpu.memory_space<vmem_shared>>
      tpu.enqueue_dma source(%dma_start3A_363 : memref<128x128xf32, #tpu.memory_space<vmem_shared>>) target(%dma_start3A_361 : memref<128x128xf32, #tpu.memory_space<vmem>>) target_semaphore(%run_scoped3A_351 : memref<!tpu.dma_semaphore, #tpu.memory_space<semaphore_mem>>)
      %dma_wait3A_364 = arith.constant 0 : i32
      %dma_wait3A_365 = arith.constant 0 : i32
      %dma_wait3A_366 = tpu.memref_slice %arg10[%run_scoped3A_301, %dma_wait3A_364, %dma_wait3A_365] : memref<2x128x128xf32, #tpu.memory_space<vmem>> -> memref<1x128x128xf32, #tpu.memory_space<vmem>>
      %dma_wait3A_367 = tpu.memref_squeeze %dma_wait3A_366 : memref<1x128x128xf32, #tpu.memory_space<vmem>> -> memref<128x128xf32, #tpu.memory_space<vmem>>
      %dma_wait3A_368 = arith.constant 0 : i32
      %dma_wait3A_369 = tpu.memref_slice %arg7[%add3A_300, %dma_wait3A_368] : memref<10240x128xf32, #tpu.memory_space<vmem_shared>> -> memref<128x128xf32, #tpu.memory_space<vmem_shared>>
      %dma_wait3A_370 = arith.constant 0 : i32
      %dma_wait3A_371 = arith.constant 0 : i32
      %dma_wait3A_372 = tpu.memref_slice %arg10[%run_scoped3A_301, %dma_wait3A_370, %dma_wait3A_371] : memref<2x128x128xf32, #tpu.memory_space<vmem>> -> memref<1x128x128xf32, #tpu.memory_space<vmem>>
      %dma_wait3A_373 = tpu.memref_squeeze %dma_wait3A_372 : memref<1x128x128xf32, #tpu.memory_space<vmem>> -> memref<128x128xf32, #tpu.memory_space<vmem>>
      %dma_wait3A_374 = arith.constant 0 : i32
      %dma_wait3A_375 = tpu.memref_slice %arg7[%add3A_300, %dma_wait3A_374] : memref<10240x128xf32, #tpu.memory_space<vmem_shared>> -> memref<128x128xf32, #tpu.memory_space<vmem_shared>>
      tpu.wait_dma2 semaphore(%run_scoped3A_351 : memref<!tpu.dma_semaphore, #tpu.memory_space<semaphore_mem>>) src(%dma_wait3A_375 : memref<128x128xf32, #tpu.memory_space<vmem_shared>>) dst(%dma_wait3A_373 : memref<128x128xf32, #tpu.memory_space<vmem>>)
      tpu.yield
    }) : () -> ()
    %mul3A_302 = arith.constant 640 : i32
    %mul3A_303 = arith.muli %arg1, %mul3A_302 : i32
    %add3A_304 = arith.constant 512 : i32
    %add3A_305 = arith.addi %mul3A_303, %add3A_304 : i32
    %dma_start3A_306 = arith.constant 0 : i32
    %dma_start3A_307 = arith.constant 0 : i32
    %dma_start3A_308 = arith.constant 0 : i32
    %dma_start3A_309 = tpu.memref_slice %arg10[%dma_start3A_306, %dma_start3A_307, %dma_start3A_308] : memref<2x128x128xf32, #tpu.memory_space<vmem>> -> memref<1x128x128xf32, #tpu.memory_space<vmem>>
    %dma_start3A_310 = tpu.memref_squeeze %dma_start3A_309 : memref<1x128x128xf32, #tpu.memory_space<vmem>> -> memref<128x128xf32, #tpu.memory_space<vmem>>
    %dma_start3A_311 = arith.constant 0 : i32
    %dma_start3A_312 = tpu.memref_slice %arg6[%arg0, %add3A_305, %dma_start3A_311] : memref<2x10240x128xf32, #tpu.memory_space<hbm>> -> memref<1x128x128xf32, #tpu.memory_space<hbm>>
    %dma_start3A_313 = tpu.memref_squeeze %dma_start3A_312 : memref<1x128x128xf32, #tpu.memory_space<hbm>> -> memref<128x128xf32, #tpu.memory_space<hbm>>
    %dma_start3A_314 = arith.constant 0 : i32
    %dma_start3A_315 = tpu.memref_slice %arg6[%arg0, %add3A_305, %dma_start3A_314] : memref<2x10240x128xf32, #tpu.memory_space<hbm>> -> memref<1x128x128xf32, #tpu.memory_space<hbm>>
    %dma_start3A_316 = tpu.memref_squeeze %dma_start3A_315 : memref<1x128x128xf32, #tpu.memory_space<hbm>> -> memref<128x128xf32, #tpu.memory_space<hbm>>
    %dma_start3A_317 = arith.constant 0 : i32
    %dma_start3A_318 = arith.constant 0 : i32
    %dma_start3A_319 = tpu.memref_slice %arg10[%dma_start3A_306, %dma_start3A_317, %dma_start3A_318] : memref<2x128x128xf32, #tpu.memory_space<vmem>> -> memref<1x128x128xf32, #tpu.memory_space<vmem>>
    %dma_start3A_320 = tpu.memref_squeeze %dma_start3A_319 : memref<1x128x128xf32, #tpu.memory_space<vmem>> -> memref<128x128xf32, #tpu.memory_space<vmem>>
    tpu.enqueue_dma source(%dma_start3A_320 : memref<128x128xf32, #tpu.memory_space<vmem>>) target(%dma_start3A_316 : memref<128x128xf32, #tpu.memory_space<hbm>>) target_semaphore(%arg11 : memref<!tpu.dma_semaphore, #tpu.memory_space<semaphore_mem>>)
    %dma_wait3A_321 = arith.constant 1 : i32
    %dma_wait3A_322 = arith.constant 0 : i32
    %dma_wait3A_323 = arith.constant 0 : i32
    %dma_wait3A_324 = tpu.memref_slice %arg10[%dma_wait3A_321, %dma_wait3A_322, %dma_wait3A_323] : memref<2x128x128xf32, #tpu.memory_space<vmem>> -> memref<1x128x128xf32, #tpu.memory_space<vmem>>
    %dma_wait3A_325 = tpu.memref_squeeze %dma_wait3A_324 : memref<1x128x128xf32, #tpu.memory_space<vmem>> -> memref<128x128xf32, #tpu.memory_space<vmem>>
    %dma_wait3A_326 = arith.constant 0 : i32
    %dma_wait3A_327 = tpu.memref_slice %arg6[%arg0, %add3A_266, %dma_wait3A_326] : memref<2x10240x128xf32, #tpu.memory_space<hbm>> -> memref<1x128x128xf32, #tpu.memory_space<hbm>>
    %dma_wait3A_328 = tpu.memref_squeeze %dma_wait3A_327 : memref<1x128x128xf32, #tpu.memory_space<hbm>> -> memref<128x128xf32, #tpu.memory_space<hbm>>
    %dma_wait3A_329 = arith.constant 0 : i32
    %dma_wait3A_330 = tpu.memref_slice %arg6[%arg0, %add3A_266, %dma_wait3A_329] : memref<2x10240x128xf32, #tpu.memory_space<hbm>> -> memref<1x128x128xf32, #tpu.memory_space<hbm>>
    %dma_wait3A_331 = tpu.memref_squeeze %dma_wait3A_330 : memref<1x128x128xf32, #tpu.memory_space<hbm>> -> memref<128x128xf32, #tpu.memory_space<hbm>>
    %dma_wait3A_332 = arith.constant 0 : i32
    %dma_wait3A_333 = arith.constant 0 : i32
    %dma_wait3A_334 = tpu.memref_slice %arg10[%dma_wait3A_321, %dma_wait3A_332, %dma_wait3A_333] : memref<2x128x128xf32, #tpu.memory_space<vmem>> -> memref<1x128x128xf32, #tpu.memory_space<vmem>>
    %dma_wait3A_335 = tpu.memref_squeeze %dma_wait3A_334 : memref<1x128x128xf32, #tpu.memory_space<vmem>> -> memref<128x128xf32, #tpu.memory_space<vmem>>
    tpu.wait_dma2 semaphore(%arg12 : memref<!tpu.dma_semaphore, #tpu.memory_space<semaphore_mem>>) src(%dma_wait3A_335 : memref<128x128xf32, #tpu.memory_space<vmem>>) dst(%dma_wait3A_331 : memref<128x128xf32, #tpu.memory_space<hbm>>)
    %dma_wait3A_336 = arith.constant 0 : i32
    %dma_wait3A_337 = arith.constant 0 : i32
    %dma_wait3A_338 = arith.constant 0 : i32
    %dma_wait3A_339 = tpu.memref_slice %arg10[%dma_wait3A_336, %dma_wait3A_337, %dma_wait3A_338] : memref<2x128x128xf32, #tpu.memory_space<vmem>> -> memref<1x128x128xf32, #tpu.memory_space<vmem>>
    %dma_wait3A_340 = tpu.memref_squeeze %dma_wait3A_339 : memref<1x128x128xf32, #tpu.memory_space<vmem>> -> memref<128x128xf32, #tpu.memory_space<vmem>>
    %dma_wait3A_341 = arith.constant 0 : i32
    %dma_wait3A_342 = tpu.memref_slice %arg6[%arg0, %add3A_305, %dma_wait3A_341] : memref<2x10240x128xf32, #tpu.memory_space<hbm>> -> memref<1x128x128xf32, #tpu.memory_space<hbm>>
    %dma_wait3A_343 = tpu.memref_squeeze %dma_wait3A_342 : memref<1x128x128xf32, #tpu.memory_space<hbm>> -> memref<128x128xf32, #tpu.memory_space<hbm>>
    %dma_wait3A_344 = arith.constant 0 : i32
    %dma_wait3A_345 = tpu.memref_slice %arg6[%arg0, %add3A_305, %dma_wait3A_344] : memref<2x10240x128xf32, #tpu.memory_space<hbm>> -> memref<1x128x128xf32, #tpu.memory_space<hbm>>
    %dma_wait3A_346 = tpu.memref_squeeze %dma_wait3A_345 : memref<1x128x128xf32, #tpu.memory_space<hbm>> -> memref<128x128xf32, #tpu.memory_space<hbm>>
    %dma_wait3A_347 = arith.constant 0 : i32
    %dma_wait3A_348 = arith.constant 0 : i32
    %dma_wait3A_349 = tpu.memref_slice %arg10[%dma_wait3A_336, %dma_wait3A_347, %dma_wait3A_348] : memref<2x128x128xf32, #tpu.memory_space<vmem>> -> memref<1x128x128xf32, #tpu.memory_space<vmem>>
    %dma_wait3A_350 = tpu.memref_squeeze %dma_wait3A_349 : memref<1x128x128xf32, #tpu.memory_space<vmem>> -> memref<128x128xf32, #tpu.memory_space<vmem>>
    tpu.wait_dma2 semaphore(%arg11 : memref<!tpu.dma_semaphore, #tpu.memory_space<semaphore_mem>>) src(%dma_wait3A_350 : memref<128x128xf32, #tpu.memory_space<vmem>>) dst(%dma_wait3A_346 : memref<128x128xf32, #tpu.memory_space<hbm>>)
    return
  }
}

#map = affine_map<(d0, d1) -> (0, 0)>
#map1 = affine_map<(d0, d1) -> (0, 0, 0)>
#map2 = affine_map<(d0, d1) -> (0)>
module attributes {stable_mosaic.version = 14 : i64} {
  func.func @k(%arg0: i32, %arg1: i32, %arg2: memref<10000x128xf32, #tpu.memory_space<hbm>>, %arg3: memref<32x80x128xi32, #tpu.memory_space<hbm>>, %arg4: memref<32x80x128xi32, #tpu.memory_space<hbm>>, %arg5: memref<128x128xf32, #tpu.memory_space<hbm>>, %arg6: memref<640xf32, #tpu.memory_space<hbm>>, %arg7: memref<128xf32, #tpu.memory_space<hbm>>, %arg8: memref<2x10240x128xf32, #tpu.memory_space<hbm>>, %arg9: memref<2x10240xf32, #tpu.memory_space<hbm>>, %arg10: memref<10240x128xf32, #tpu.memory_space<vmem_shared>>, %arg11: memref<2x128xi32, #tpu.memory_space<vmem>>, %arg12: memref<2x128xi32, #tpu.memory_space<vmem>>, %arg13: memref<2x128x128xf32, #tpu.memory_space<vmem>>, %arg14: memref<!tpu.dma_semaphore, #tpu.memory_space<semaphore_mem>>, %arg15: memref<!tpu.dma_semaphore, #tpu.memory_space<semaphore_mem>>, %arg16: memref<!tpu.dma_semaphore, #tpu.memory_space<semaphore_mem>>, %arg17: memref<!tpu.dma_semaphore, #tpu.memory_space<semaphore_mem>>, %arg18: memref<10240xf32, #tpu.memory_space<vmem_shared>>, %arg19: memref<128xf32, #tpu.memory_space<vmem>>, %arg20: memref<640xf32, #tpu.memory_space<vmem>>) attributes {dimension_semantics = [#tpu.dimension_semantics<core_parallel>, #tpu.dimension_semantics<subcore_parallel>], iteration_bounds = array<i64: 2, 16>, scalar_prefetch = 0 : i64, scratch_operands = 11 : i64, tpu.core_type = #tpu.core_type<sc_vector_subcore>, window_params = [{transform_indices = #map}, {transform_indices = #map1}, {transform_indices = #map1}, {transform_indices = #map}, {transform_indices = #map2}, {transform_indices = #map2}, {transform_indices = #map1}, {transform_indices = #map}]} {
    %mul3A = arith.constant 16 : i32
    %mul3A_0 = arith.muli %arg0, %mul3A : i32
    %add3A = arith.addi %mul3A_0, %arg1 : i32
    %run_scoped3A = arith.constant 0 : i32
    "tpu.region"() ({
      %run_scoped3A_357 = tpu.sem_alloc : memref<!tpu.dma_semaphore, #tpu.memory_space<semaphore_mem>>
      %dma_start3A_358 = arith.constant 0 : i32
      %dma_start3A_359 = arith.constant 0 : i32
      %dma_start3A_360 = tpu.memref_slice %arg13[%run_scoped3A, %dma_start3A_358, %dma_start3A_359] : memref<2x128x128xf32, #tpu.memory_space<vmem>> -> memref<1x128x128xf32, #tpu.memory_space<vmem>>
      %dma_start3A_361 = tpu.memref_squeeze %dma_start3A_360 : memref<1x128x128xf32, #tpu.memory_space<vmem>> -> memref<128x128xf32, #tpu.memory_space<vmem>>
      %dma_start3A_362 = arith.constant 0 : i32
      %dma_start3A_363 = arith.constant 0 : i32
      %dma_start3A_364 = tpu.memref_slice %arg13[%run_scoped3A, %dma_start3A_362, %dma_start3A_363] : memref<2x128x128xf32, #tpu.memory_space<vmem>> -> memref<1x128x128xf32, #tpu.memory_space<vmem>>
      %dma_start3A_365 = tpu.memref_squeeze %dma_start3A_364 : memref<1x128x128xf32, #tpu.memory_space<vmem>> -> memref<128x128xf32, #tpu.memory_space<vmem>>
      tpu.enqueue_dma source(%arg5 : memref<128x128xf32, #tpu.memory_space<hbm>>) target(%dma_start3A_365 : memref<128x128xf32, #tpu.memory_space<vmem>>) target_semaphore(%run_scoped3A_357 : memref<!tpu.dma_semaphore, #tpu.memory_space<semaphore_mem>>)
      %dma_wait3A_366 = arith.constant 0 : i32
      %dma_wait3A_367 = arith.constant 0 : i32
      %dma_wait3A_368 = tpu.memref_slice %arg13[%run_scoped3A, %dma_wait3A_366, %dma_wait3A_367] : memref<2x128x128xf32, #tpu.memory_space<vmem>> -> memref<1x128x128xf32, #tpu.memory_space<vmem>>
      %dma_wait3A_369 = tpu.memref_squeeze %dma_wait3A_368 : memref<1x128x128xf32, #tpu.memory_space<vmem>> -> memref<128x128xf32, #tpu.memory_space<vmem>>
      %dma_wait3A_370 = arith.constant 0 : i32
      %dma_wait3A_371 = arith.constant 0 : i32
      %dma_wait3A_372 = tpu.memref_slice %arg13[%run_scoped3A, %dma_wait3A_370, %dma_wait3A_371] : memref<2x128x128xf32, #tpu.memory_space<vmem>> -> memref<1x128x128xf32, #tpu.memory_space<vmem>>
      %dma_wait3A_373 = tpu.memref_squeeze %dma_wait3A_372 : memref<1x128x128xf32, #tpu.memory_space<vmem>> -> memref<128x128xf32, #tpu.memory_space<vmem>>
      tpu.wait_dma2 semaphore(%run_scoped3A_357 : memref<!tpu.dma_semaphore, #tpu.memory_space<semaphore_mem>>) src(%arg5 : memref<128x128xf32, #tpu.memory_space<hbm>>) dst(%dma_wait3A_373 : memref<128x128xf32, #tpu.memory_space<vmem>>)
      tpu.yield
    }) : () -> ()
    %mul3A_1 = arith.constant 640 : i32
    %mul3A_2 = arith.muli %arg1, %mul3A_1 : i32
    %add3A_3 = arith.constant 0 : i32
    %add3A_4 = arith.addi %mul3A_2, %add3A_3 : i32
    %dma_start3A = arith.constant 0 : i32
    %dma_start3A_5 = arith.constant 0 : i32
    %dma_start3A_6 = arith.constant 0 : i32
    %dma_start3A_7 = tpu.memref_slice %arg13[%dma_start3A, %dma_start3A_5, %dma_start3A_6] : memref<2x128x128xf32, #tpu.memory_space<vmem>> -> memref<1x128x128xf32, #tpu.memory_space<vmem>>
    %dma_start3A_8 = tpu.memref_squeeze %dma_start3A_7 : memref<1x128x128xf32, #tpu.memory_space<vmem>> -> memref<128x128xf32, #tpu.memory_space<vmem>>
    %dma_start3A_9 = arith.constant 0 : i32
    %dma_start3A_10 = tpu.memref_slice %arg10[%add3A_4, %dma_start3A_9] : memref<10240x128xf32, #tpu.memory_space<vmem_shared>> -> memref<128x128xf32, #tpu.memory_space<vmem_shared>>
    %dma_start3A_11 = arith.constant 0 : i32
    %dma_start3A_12 = tpu.memref_slice %arg10[%add3A_4, %dma_start3A_11] : memref<10240x128xf32, #tpu.memory_space<vmem_shared>> -> memref<128x128xf32, #tpu.memory_space<vmem_shared>>
    %dma_start3A_13 = arith.constant 0 : i32
    %dma_start3A_14 = arith.constant 0 : i32
    %dma_start3A_15 = tpu.memref_slice %arg13[%dma_start3A, %dma_start3A_13, %dma_start3A_14] : memref<2x128x128xf32, #tpu.memory_space<vmem>> -> memref<1x128x128xf32, #tpu.memory_space<vmem>>
    %dma_start3A_16 = tpu.memref_squeeze %dma_start3A_15 : memref<1x128x128xf32, #tpu.memory_space<vmem>> -> memref<128x128xf32, #tpu.memory_space<vmem>>
    tpu.enqueue_dma source(%dma_start3A_16 : memref<128x128xf32, #tpu.memory_space<vmem>>) target(%dma_start3A_12 : memref<128x128xf32, #tpu.memory_space<vmem_shared>>) target_semaphore(%arg16 : memref<!tpu.dma_semaphore, #tpu.memory_space<semaphore_mem>>)
    %mul3A_17 = arith.constant 640 : i32
    %mul3A_18 = arith.muli %arg1, %mul3A_17 : i32
    %add3A_19 = arith.constant 128 : i32
    %add3A_20 = arith.addi %mul3A_18, %add3A_19 : i32
    %dma_start3A_21 = arith.constant 0 : i32
    %dma_start3A_22 = arith.constant 0 : i32
    %dma_start3A_23 = arith.constant 0 : i32
    %dma_start3A_24 = tpu.memref_slice %arg13[%dma_start3A_21, %dma_start3A_22, %dma_start3A_23] : memref<2x128x128xf32, #tpu.memory_space<vmem>> -> memref<1x128x128xf32, #tpu.memory_space<vmem>>
    %dma_start3A_25 = tpu.memref_squeeze %dma_start3A_24 : memref<1x128x128xf32, #tpu.memory_space<vmem>> -> memref<128x128xf32, #tpu.memory_space<vmem>>
    %dma_start3A_26 = arith.constant 0 : i32
    %dma_start3A_27 = tpu.memref_slice %arg10[%add3A_20, %dma_start3A_26] : memref<10240x128xf32, #tpu.memory_space<vmem_shared>> -> memref<128x128xf32, #tpu.memory_space<vmem_shared>>
    %dma_start3A_28 = arith.constant 0 : i32
    %dma_start3A_29 = tpu.memref_slice %arg10[%add3A_20, %dma_start3A_28] : memref<10240x128xf32, #tpu.memory_space<vmem_shared>> -> memref<128x128xf32, #tpu.memory_space<vmem_shared>>
    %dma_start3A_30 = arith.constant 0 : i32
    %dma_start3A_31 = arith.constant 0 : i32
    %dma_start3A_32 = tpu.memref_slice %arg13[%dma_start3A_21, %dma_start3A_30, %dma_start3A_31] : memref<2x128x128xf32, #tpu.memory_space<vmem>> -> memref<1x128x128xf32, #tpu.memory_space<vmem>>
    %dma_start3A_33 = tpu.memref_squeeze %dma_start3A_32 : memref<1x128x128xf32, #tpu.memory_space<vmem>> -> memref<128x128xf32, #tpu.memory_space<vmem>>
    tpu.enqueue_dma source(%dma_start3A_33 : memref<128x128xf32, #tpu.memory_space<vmem>>) target(%dma_start3A_29 : memref<128x128xf32, #tpu.memory_space<vmem_shared>>) target_semaphore(%arg17 : memref<!tpu.dma_semaphore, #tpu.memory_space<semaphore_mem>>)
    %mul3A_34 = arith.constant 640 : i32
    %mul3A_35 = arith.muli %arg1, %mul3A_34 : i32
    %add3A_36 = arith.constant 256 : i32
    %add3A_37 = arith.addi %mul3A_35, %add3A_36 : i32
    %dma_start3A_38 = arith.constant 0 : i32
    %dma_start3A_39 = arith.constant 0 : i32
    %dma_start3A_40 = arith.constant 0 : i32
    %dma_start3A_41 = tpu.memref_slice %arg13[%dma_start3A_38, %dma_start3A_39, %dma_start3A_40] : memref<2x128x128xf32, #tpu.memory_space<vmem>> -> memref<1x128x128xf32, #tpu.memory_space<vmem>>
    %dma_start3A_42 = tpu.memref_squeeze %dma_start3A_41 : memref<1x128x128xf32, #tpu.memory_space<vmem>> -> memref<128x128xf32, #tpu.memory_space<vmem>>
    %dma_start3A_43 = arith.constant 0 : i32
    %dma_start3A_44 = tpu.memref_slice %arg10[%add3A_37, %dma_start3A_43] : memref<10240x128xf32, #tpu.memory_space<vmem_shared>> -> memref<128x128xf32, #tpu.memory_space<vmem_shared>>
    %dma_start3A_45 = arith.constant 0 : i32
    %dma_start3A_46 = tpu.memref_slice %arg10[%add3A_37, %dma_start3A_45] : memref<10240x128xf32, #tpu.memory_space<vmem_shared>> -> memref<128x128xf32, #tpu.memory_space<vmem_shared>>
    %dma_start3A_47 = arith.constant 0 : i32
    %dma_start3A_48 = arith.constant 0 : i32
    %dma_start3A_49 = tpu.memref_slice %arg13[%dma_start3A_38, %dma_start3A_47, %dma_start3A_48] : memref<2x128x128xf32, #tpu.memory_space<vmem>> -> memref<1x128x128xf32, #tpu.memory_space<vmem>>
    %dma_start3A_50 = tpu.memref_squeeze %dma_start3A_49 : memref<1x128x128xf32, #tpu.memory_space<vmem>> -> memref<128x128xf32, #tpu.memory_space<vmem>>
    tpu.enqueue_dma source(%dma_start3A_50 : memref<128x128xf32, #tpu.memory_space<vmem>>) target(%dma_start3A_46 : memref<128x128xf32, #tpu.memory_space<vmem_shared>>) target_semaphore(%arg16 : memref<!tpu.dma_semaphore, #tpu.memory_space<semaphore_mem>>)
    %mul3A_51 = arith.constant 640 : i32
    %mul3A_52 = arith.muli %arg1, %mul3A_51 : i32
    %add3A_53 = arith.constant 384 : i32
    %add3A_54 = arith.addi %mul3A_52, %add3A_53 : i32
    %dma_start3A_55 = arith.constant 0 : i32
    %dma_start3A_56 = arith.constant 0 : i32
    %dma_start3A_57 = arith.constant 0 : i32
    %dma_start3A_58 = tpu.memref_slice %arg13[%dma_start3A_55, %dma_start3A_56, %dma_start3A_57] : memref<2x128x128xf32, #tpu.memory_space<vmem>> -> memref<1x128x128xf32, #tpu.memory_space<vmem>>
    %dma_start3A_59 = tpu.memref_squeeze %dma_start3A_58 : memref<1x128x128xf32, #tpu.memory_space<vmem>> -> memref<128x128xf32, #tpu.memory_space<vmem>>
    %dma_start3A_60 = arith.constant 0 : i32
    %dma_start3A_61 = tpu.memref_slice %arg10[%add3A_54, %dma_start3A_60] : memref<10240x128xf32, #tpu.memory_space<vmem_shared>> -> memref<128x128xf32, #tpu.memory_space<vmem_shared>>
    %dma_start3A_62 = arith.constant 0 : i32
    %dma_start3A_63 = tpu.memref_slice %arg10[%add3A_54, %dma_start3A_62] : memref<10240x128xf32, #tpu.memory_space<vmem_shared>> -> memref<128x128xf32, #tpu.memory_space<vmem_shared>>
    %dma_start3A_64 = arith.constant 0 : i32
    %dma_start3A_65 = arith.constant 0 : i32
    %dma_start3A_66 = tpu.memref_slice %arg13[%dma_start3A_55, %dma_start3A_64, %dma_start3A_65] : memref<2x128x128xf32, #tpu.memory_space<vmem>> -> memref<1x128x128xf32, #tpu.memory_space<vmem>>
    %dma_start3A_67 = tpu.memref_squeeze %dma_start3A_66 : memref<1x128x128xf32, #tpu.memory_space<vmem>> -> memref<128x128xf32, #tpu.memory_space<vmem>>
    tpu.enqueue_dma source(%dma_start3A_67 : memref<128x128xf32, #tpu.memory_space<vmem>>) target(%dma_start3A_63 : memref<128x128xf32, #tpu.memory_space<vmem_shared>>) target_semaphore(%arg17 : memref<!tpu.dma_semaphore, #tpu.memory_space<semaphore_mem>>)
    %mul3A_68 = arith.constant 640 : i32
    %mul3A_69 = arith.muli %arg1, %mul3A_68 : i32
    %add3A_70 = arith.constant 512 : i32
    %add3A_71 = arith.addi %mul3A_69, %add3A_70 : i32
    %dma_start3A_72 = arith.constant 0 : i32
    %dma_start3A_73 = arith.constant 0 : i32
    %dma_start3A_74 = arith.constant 0 : i32
    %dma_start3A_75 = tpu.memref_slice %arg13[%dma_start3A_72, %dma_start3A_73, %dma_start3A_74] : memref<2x128x128xf32, #tpu.memory_space<vmem>> -> memref<1x128x128xf32, #tpu.memory_space<vmem>>
    %dma_start3A_76 = tpu.memref_squeeze %dma_start3A_75 : memref<1x128x128xf32, #tpu.memory_space<vmem>> -> memref<128x128xf32, #tpu.memory_space<vmem>>
    %dma_start3A_77 = arith.constant 0 : i32
    %dma_start3A_78 = tpu.memref_slice %arg10[%add3A_71, %dma_start3A_77] : memref<10240x128xf32, #tpu.memory_space<vmem_shared>> -> memref<128x128xf32, #tpu.memory_space<vmem_shared>>
    %dma_start3A_79 = arith.constant 0 : i32
    %dma_start3A_80 = tpu.memref_slice %arg10[%add3A_71, %dma_start3A_79] : memref<10240x128xf32, #tpu.memory_space<vmem_shared>> -> memref<128x128xf32, #tpu.memory_space<vmem_shared>>
    %dma_start3A_81 = arith.constant 0 : i32
    %dma_start3A_82 = arith.constant 0 : i32
    %dma_start3A_83 = tpu.memref_slice %arg13[%dma_start3A_72, %dma_start3A_81, %dma_start3A_82] : memref<2x128x128xf32, #tpu.memory_space<vmem>> -> memref<1x128x128xf32, #tpu.memory_space<vmem>>
    %dma_start3A_84 = tpu.memref_squeeze %dma_start3A_83 : memref<1x128x128xf32, #tpu.memory_space<vmem>> -> memref<128x128xf32, #tpu.memory_space<vmem>>
    tpu.enqueue_dma source(%dma_start3A_84 : memref<128x128xf32, #tpu.memory_space<vmem>>) target(%dma_start3A_80 : memref<128x128xf32, #tpu.memory_space<vmem_shared>>) target_semaphore(%arg16 : memref<!tpu.dma_semaphore, #tpu.memory_space<semaphore_mem>>)
    "tpu.region"() ({
      %run_scoped3A_357 = tpu.sem_alloc : memref<!tpu.dma_semaphore, #tpu.memory_space<semaphore_mem>>
      tpu.enqueue_dma source(%arg6 : memref<640xf32, #tpu.memory_space<hbm>>) target(%arg20 : memref<640xf32, #tpu.memory_space<vmem>>) target_semaphore(%run_scoped3A_357 : memref<!tpu.dma_semaphore, #tpu.memory_space<semaphore_mem>>)
      tpu.wait_dma2 semaphore(%run_scoped3A_357 : memref<!tpu.dma_semaphore, #tpu.memory_space<semaphore_mem>>) src(%arg6 : memref<640xf32, #tpu.memory_space<hbm>>) dst(%arg20 : memref<640xf32, #tpu.memory_space<vmem>>)
      tpu.yield
    }) : () -> ()
    %mul3A_85 = arith.constant 640 : i32
    %mul3A_86 = arith.muli %arg1, %mul3A_85 : i32
    "tpu.region"() ({
      %run_scoped3A_357 = tpu.sem_alloc : memref<!tpu.dma_semaphore, #tpu.memory_space<semaphore_mem>>
      %dma_start3A_358 = tpu.memref_slice %arg18[%mul3A_86] : memref<10240xf32, #tpu.memory_space<vmem_shared>> -> memref<640xf32, #tpu.memory_space<vmem_shared>>
      %dma_start3A_359 = tpu.memref_slice %arg18[%mul3A_86] : memref<10240xf32, #tpu.memory_space<vmem_shared>> -> memref<640xf32, #tpu.memory_space<vmem_shared>>
      tpu.enqueue_dma source(%arg20 : memref<640xf32, #tpu.memory_space<vmem>>) target(%dma_start3A_359 : memref<640xf32, #tpu.memory_space<vmem_shared>>) target_semaphore(%run_scoped3A_357 : memref<!tpu.dma_semaphore, #tpu.memory_space<semaphore_mem>>)
      %dma_wait3A_360 = tpu.memref_slice %arg18[%mul3A_86] : memref<10240xf32, #tpu.memory_space<vmem_shared>> -> memref<640xf32, #tpu.memory_space<vmem_shared>>
      %dma_wait3A_361 = tpu.memref_slice %arg18[%mul3A_86] : memref<10240xf32, #tpu.memory_space<vmem_shared>> -> memref<640xf32, #tpu.memory_space<vmem_shared>>
      tpu.wait_dma2 semaphore(%run_scoped3A_357 : memref<!tpu.dma_semaphore, #tpu.memory_space<semaphore_mem>>) src(%arg20 : memref<640xf32, #tpu.memory_space<vmem>>) dst(%dma_wait3A_361 : memref<640xf32, #tpu.memory_space<vmem_shared>>)
      tpu.yield
    }) : () -> ()
    "tpu.region"() ({
      %run_scoped3A_357 = tpu.sem_alloc : memref<!tpu.dma_semaphore, #tpu.memory_space<semaphore_mem>>
      tpu.enqueue_dma source(%arg7 : memref<128xf32, #tpu.memory_space<hbm>>) target(%arg19 : memref<128xf32, #tpu.memory_space<vmem>>) target_semaphore(%run_scoped3A_357 : memref<!tpu.dma_semaphore, #tpu.memory_space<semaphore_mem>>)
      tpu.wait_dma2 semaphore(%run_scoped3A_357 : memref<!tpu.dma_semaphore, #tpu.memory_space<semaphore_mem>>) src(%arg7 : memref<128xf32, #tpu.memory_space<hbm>>) dst(%arg19 : memref<128xf32, #tpu.memory_space<vmem>>)
      tpu.yield
    }) : () -> ()
    %dma_wait3A = arith.constant 0 : i32
    %dma_wait3A_87 = arith.constant 0 : i32
    %dma_wait3A_88 = arith.constant 0 : i32
    %dma_wait3A_89 = tpu.memref_slice %arg13[%dma_wait3A, %dma_wait3A_87, %dma_wait3A_88] : memref<2x128x128xf32, #tpu.memory_space<vmem>> -> memref<1x128x128xf32, #tpu.memory_space<vmem>>
    %dma_wait3A_90 = tpu.memref_squeeze %dma_wait3A_89 : memref<1x128x128xf32, #tpu.memory_space<vmem>> -> memref<128x128xf32, #tpu.memory_space<vmem>>
    %dma_wait3A_91 = arith.constant 0 : i32
    %dma_wait3A_92 = tpu.memref_slice %arg10[%add3A_4, %dma_wait3A_91] : memref<10240x128xf32, #tpu.memory_space<vmem_shared>> -> memref<128x128xf32, #tpu.memory_space<vmem_shared>>
    %dma_wait3A_93 = arith.constant 0 : i32
    %dma_wait3A_94 = tpu.memref_slice %arg10[%add3A_4, %dma_wait3A_93] : memref<10240x128xf32, #tpu.memory_space<vmem_shared>> -> memref<128x128xf32, #tpu.memory_space<vmem_shared>>
    %dma_wait3A_95 = arith.constant 0 : i32
    %dma_wait3A_96 = arith.constant 0 : i32
    %dma_wait3A_97 = tpu.memref_slice %arg13[%dma_wait3A, %dma_wait3A_95, %dma_wait3A_96] : memref<2x128x128xf32, #tpu.memory_space<vmem>> -> memref<1x128x128xf32, #tpu.memory_space<vmem>>
    %dma_wait3A_98 = tpu.memref_squeeze %dma_wait3A_97 : memref<1x128x128xf32, #tpu.memory_space<vmem>> -> memref<128x128xf32, #tpu.memory_space<vmem>>
    tpu.wait_dma2 semaphore(%arg16 : memref<!tpu.dma_semaphore, #tpu.memory_space<semaphore_mem>>) src(%dma_wait3A_98 : memref<128x128xf32, #tpu.memory_space<vmem>>) dst(%dma_wait3A_94 : memref<128x128xf32, #tpu.memory_space<vmem_shared>>)
    %dma_wait3A_99 = arith.constant 0 : i32
    %dma_wait3A_100 = arith.constant 0 : i32
    %dma_wait3A_101 = arith.constant 0 : i32
    %dma_wait3A_102 = tpu.memref_slice %arg13[%dma_wait3A_99, %dma_wait3A_100, %dma_wait3A_101] : memref<2x128x128xf32, #tpu.memory_space<vmem>> -> memref<1x128x128xf32, #tpu.memory_space<vmem>>
    %dma_wait3A_103 = tpu.memref_squeeze %dma_wait3A_102 : memref<1x128x128xf32, #tpu.memory_space<vmem>> -> memref<128x128xf32, #tpu.memory_space<vmem>>
    %dma_wait3A_104 = arith.constant 0 : i32
    %dma_wait3A_105 = tpu.memref_slice %arg10[%add3A_20, %dma_wait3A_104] : memref<10240x128xf32, #tpu.memory_space<vmem_shared>> -> memref<128x128xf32, #tpu.memory_space<vmem_shared>>
    %dma_wait3A_106 = arith.constant 0 : i32
    %dma_wait3A_107 = tpu.memref_slice %arg10[%add3A_20, %dma_wait3A_106] : memref<10240x128xf32, #tpu.memory_space<vmem_shared>> -> memref<128x128xf32, #tpu.memory_space<vmem_shared>>
    %dma_wait3A_108 = arith.constant 0 : i32
    %dma_wait3A_109 = arith.constant 0 : i32
    %dma_wait3A_110 = tpu.memref_slice %arg13[%dma_wait3A_99, %dma_wait3A_108, %dma_wait3A_109] : memref<2x128x128xf32, #tpu.memory_space<vmem>> -> memref<1x128x128xf32, #tpu.memory_space<vmem>>
    %dma_wait3A_111 = tpu.memref_squeeze %dma_wait3A_110 : memref<1x128x128xf32, #tpu.memory_space<vmem>> -> memref<128x128xf32, #tpu.memory_space<vmem>>
    tpu.wait_dma2 semaphore(%arg17 : memref<!tpu.dma_semaphore, #tpu.memory_space<semaphore_mem>>) src(%dma_wait3A_111 : memref<128x128xf32, #tpu.memory_space<vmem>>) dst(%dma_wait3A_107 : memref<128x128xf32, #tpu.memory_space<vmem_shared>>)
    %dma_wait3A_112 = arith.constant 0 : i32
    %dma_wait3A_113 = arith.constant 0 : i32
    %dma_wait3A_114 = arith.constant 0 : i32
    %dma_wait3A_115 = tpu.memref_slice %arg13[%dma_wait3A_112, %dma_wait3A_113, %dma_wait3A_114] : memref<2x128x128xf32, #tpu.memory_space<vmem>> -> memref<1x128x128xf32, #tpu.memory_space<vmem>>
    %dma_wait3A_116 = tpu.memref_squeeze %dma_wait3A_115 : memref<1x128x128xf32, #tpu.memory_space<vmem>> -> memref<128x128xf32, #tpu.memory_space<vmem>>
    %dma_wait3A_117 = arith.constant 0 : i32
    %dma_wait3A_118 = tpu.memref_slice %arg10[%add3A_37, %dma_wait3A_117] : memref<10240x128xf32, #tpu.memory_space<vmem_shared>> -> memref<128x128xf32, #tpu.memory_space<vmem_shared>>
    %dma_wait3A_119 = arith.constant 0 : i32
    %dma_wait3A_120 = tpu.memref_slice %arg10[%add3A_37, %dma_wait3A_119] : memref<10240x128xf32, #tpu.memory_space<vmem_shared>> -> memref<128x128xf32, #tpu.memory_space<vmem_shared>>
    %dma_wait3A_121 = arith.constant 0 : i32
    %dma_wait3A_122 = arith.constant 0 : i32
    %dma_wait3A_123 = tpu.memref_slice %arg13[%dma_wait3A_112, %dma_wait3A_121, %dma_wait3A_122] : memref<2x128x128xf32, #tpu.memory_space<vmem>> -> memref<1x128x128xf32, #tpu.memory_space<vmem>>
    %dma_wait3A_124 = tpu.memref_squeeze %dma_wait3A_123 : memref<1x128x128xf32, #tpu.memory_space<vmem>> -> memref<128x128xf32, #tpu.memory_space<vmem>>
    tpu.wait_dma2 semaphore(%arg16 : memref<!tpu.dma_semaphore, #tpu.memory_space<semaphore_mem>>) src(%dma_wait3A_124 : memref<128x128xf32, #tpu.memory_space<vmem>>) dst(%dma_wait3A_120 : memref<128x128xf32, #tpu.memory_space<vmem_shared>>)
    %dma_wait3A_125 = arith.constant 0 : i32
    %dma_wait3A_126 = arith.constant 0 : i32
    %dma_wait3A_127 = arith.constant 0 : i32
    %dma_wait3A_128 = tpu.memref_slice %arg13[%dma_wait3A_125, %dma_wait3A_126, %dma_wait3A_127] : memref<2x128x128xf32, #tpu.memory_space<vmem>> -> memref<1x128x128xf32, #tpu.memory_space<vmem>>
    %dma_wait3A_129 = tpu.memref_squeeze %dma_wait3A_128 : memref<1x128x128xf32, #tpu.memory_space<vmem>> -> memref<128x128xf32, #tpu.memory_space<vmem>>
    %dma_wait3A_130 = arith.constant 0 : i32
    %dma_wait3A_131 = tpu.memref_slice %arg10[%add3A_54, %dma_wait3A_130] : memref<10240x128xf32, #tpu.memory_space<vmem_shared>> -> memref<128x128xf32, #tpu.memory_space<vmem_shared>>
    %dma_wait3A_132 = arith.constant 0 : i32
    %dma_wait3A_133 = tpu.memref_slice %arg10[%add3A_54, %dma_wait3A_132] : memref<10240x128xf32, #tpu.memory_space<vmem_shared>> -> memref<128x128xf32, #tpu.memory_space<vmem_shared>>
    %dma_wait3A_134 = arith.constant 0 : i32
    %dma_wait3A_135 = arith.constant 0 : i32
    %dma_wait3A_136 = tpu.memref_slice %arg13[%dma_wait3A_125, %dma_wait3A_134, %dma_wait3A_135] : memref<2x128x128xf32, #tpu.memory_space<vmem>> -> memref<1x128x128xf32, #tpu.memory_space<vmem>>
    %dma_wait3A_137 = tpu.memref_squeeze %dma_wait3A_136 : memref<1x128x128xf32, #tpu.memory_space<vmem>> -> memref<128x128xf32, #tpu.memory_space<vmem>>
    tpu.wait_dma2 semaphore(%arg17 : memref<!tpu.dma_semaphore, #tpu.memory_space<semaphore_mem>>) src(%dma_wait3A_137 : memref<128x128xf32, #tpu.memory_space<vmem>>) dst(%dma_wait3A_133 : memref<128x128xf32, #tpu.memory_space<vmem_shared>>)
    %dma_wait3A_138 = arith.constant 0 : i32
    %dma_wait3A_139 = arith.constant 0 : i32
    %dma_wait3A_140 = arith.constant 0 : i32
    %dma_wait3A_141 = tpu.memref_slice %arg13[%dma_wait3A_138, %dma_wait3A_139, %dma_wait3A_140] : memref<2x128x128xf32, #tpu.memory_space<vmem>> -> memref<1x128x128xf32, #tpu.memory_space<vmem>>
    %dma_wait3A_142 = tpu.memref_squeeze %dma_wait3A_141 : memref<1x128x128xf32, #tpu.memory_space<vmem>> -> memref<128x128xf32, #tpu.memory_space<vmem>>
    %dma_wait3A_143 = arith.constant 0 : i32
    %dma_wait3A_144 = tpu.memref_slice %arg10[%add3A_71, %dma_wait3A_143] : memref<10240x128xf32, #tpu.memory_space<vmem_shared>> -> memref<128x128xf32, #tpu.memory_space<vmem_shared>>
    %dma_wait3A_145 = arith.constant 0 : i32
    %dma_wait3A_146 = tpu.memref_slice %arg10[%add3A_71, %dma_wait3A_145] : memref<10240x128xf32, #tpu.memory_space<vmem_shared>> -> memref<128x128xf32, #tpu.memory_space<vmem_shared>>
    %dma_wait3A_147 = arith.constant 0 : i32
    %dma_wait3A_148 = arith.constant 0 : i32
    %dma_wait3A_149 = tpu.memref_slice %arg13[%dma_wait3A_138, %dma_wait3A_147, %dma_wait3A_148] : memref<2x128x128xf32, #tpu.memory_space<vmem>> -> memref<1x128x128xf32, #tpu.memory_space<vmem>>
    %dma_wait3A_150 = tpu.memref_squeeze %dma_wait3A_149 : memref<1x128x128xf32, #tpu.memory_space<vmem>> -> memref<128x128xf32, #tpu.memory_space<vmem>>
    tpu.wait_dma2 semaphore(%arg16 : memref<!tpu.dma_semaphore, #tpu.memory_space<semaphore_mem>>) src(%dma_wait3A_150 : memref<128x128xf32, #tpu.memory_space<vmem>>) dst(%dma_wait3A_146 : memref<128x128xf32, #tpu.memory_space<vmem_shared>>)
    %barrier3A = arith.constant 0 : index
    tpu.barrier barrier_id(%barrier3A)
    %scan3A = arith.constant 0 : i32
    %scan3A_151 = arith.constant 0 : i32
    %scan3A_152 = arith.constant 40 : i32
    %scan3A_153 = arith.addi %scan3A_151, %scan3A_152 : i32
    %scan3A_154 = arith.constant 1 : i32
    %scan3A_155 = scf.for %scan3A_357 = %scan3A_151 to %scan3A_153 step %scan3A_154 iter_args(%scan3A_358 = %scan3A) -> (i32)  : i32 {
      %mul3A_359 = arith.constant 2 : i32
      %mul3A_360 = arith.muli %mul3A_359, %scan3A_357 : i32
      %add3A_361 = arith.constant 0 : i32
      %add3A_362 = arith.addi %mul3A_360, %add3A_361 : i32
      %run_scoped3A_363 = arith.constant 0 : i32
      "tpu.region"() ({
        %run_scoped3A_434 = tpu.sem_alloc : memref<!tpu.dma_semaphore, #tpu.memory_space<semaphore_mem>>
        %dma_start3A_435 = arith.constant 0 : i32
        %dma_start3A_436 = tpu.memref_slice %arg11[%run_scoped3A_363, %dma_start3A_435] : memref<2x128xi32, #tpu.memory_space<vmem>> -> memref<1x128xi32, #tpu.memory_space<vmem>>
        %dma_start3A_437 = tpu.memref_squeeze %dma_start3A_436 : memref<1x128xi32, #tpu.memory_space<vmem>> -> memref<128xi32, #tpu.memory_space<vmem>>
        %dma_start3A_438 = arith.constant 0 : i32
        %dma_start3A_439 = tpu.memref_slice %arg3[%add3A, %add3A_362, %dma_start3A_438] : memref<32x80x128xi32, #tpu.memory_space<hbm>> -> memref<1x1x128xi32, #tpu.memory_space<hbm>>
        %dma_start3A_440 = tpu.memref_squeeze %dma_start3A_439 : memref<1x1x128xi32, #tpu.memory_space<hbm>> -> memref<128xi32, #tpu.memory_space<hbm>>
        %dma_start3A_441 = arith.constant 0 : i32
        %dma_start3A_442 = tpu.memref_slice %arg11[%run_scoped3A_363, %dma_start3A_441] : memref<2x128xi32, #tpu.memory_space<vmem>> -> memref<1x128xi32, #tpu.memory_space<vmem>>
        %dma_start3A_443 = tpu.memref_squeeze %dma_start3A_442 : memref<1x128xi32, #tpu.memory_space<vmem>> -> memref<128xi32, #tpu.memory_space<vmem>>
        %dma_start3A_444 = arith.constant 0 : i32
        %dma_start3A_445 = tpu.memref_slice %arg3[%add3A, %add3A_362, %dma_start3A_444] : memref<32x80x128xi32, #tpu.memory_space<hbm>> -> memref<1x1x128xi32, #tpu.memory_space<hbm>>
        %dma_start3A_446 = tpu.memref_squeeze %dma_start3A_445 : memref<1x1x128xi32, #tpu.memory_space<hbm>> -> memref<128xi32, #tpu.memory_space<hbm>>
        tpu.enqueue_dma source(%dma_start3A_446 : memref<128xi32, #tpu.memory_space<hbm>>) target(%dma_start3A_443 : memref<128xi32, #tpu.memory_space<vmem>>) target_semaphore(%run_scoped3A_434 : memref<!tpu.dma_semaphore, #tpu.memory_space<semaphore_mem>>)
        %dma_wait3A_447 = arith.constant 0 : i32
        %dma_wait3A_448 = tpu.memref_slice %arg11[%run_scoped3A_363, %dma_wait3A_447] : memref<2x128xi32, #tpu.memory_space<vmem>> -> memref<1x128xi32, #tpu.memory_space<vmem>>
        %dma_wait3A_449 = tpu.memref_squeeze %dma_wait3A_448 : memref<1x128xi32, #tpu.memory_space<vmem>> -> memref<128xi32, #tpu.memory_space<vmem>>
        %dma_wait3A_450 = arith.constant 0 : i32
        %dma_wait3A_451 = tpu.memref_slice %arg3[%add3A, %add3A_362, %dma_wait3A_450] : memref<32x80x128xi32, #tpu.memory_space<hbm>> -> memref<1x1x128xi32, #tpu.memory_space<hbm>>
        %dma_wait3A_452 = tpu.memref_squeeze %dma_wait3A_451 : memref<1x1x128xi32, #tpu.memory_space<hbm>> -> memref<128xi32, #tpu.memory_space<hbm>>
        %dma_wait3A_453 = arith.constant 0 : i32
        %dma_wait3A_454 = tpu.memref_slice %arg11[%run_scoped3A_363, %dma_wait3A_453] : memref<2x128xi32, #tpu.memory_space<vmem>> -> memref<1x128xi32, #tpu.memory_space<vmem>>
        %dma_wait3A_455 = tpu.memref_squeeze %dma_wait3A_454 : memref<1x128xi32, #tpu.memory_space<vmem>> -> memref<128xi32, #tpu.memory_space<vmem>>
        %dma_wait3A_456 = arith.constant 0 : i32
        %dma_wait3A_457 = tpu.memref_slice %arg3[%add3A, %add3A_362, %dma_wait3A_456] : memref<32x80x128xi32, #tpu.memory_space<hbm>> -> memref<1x1x128xi32, #tpu.memory_space<hbm>>
        %dma_wait3A_458 = tpu.memref_squeeze %dma_wait3A_457 : memref<1x1x128xi32, #tpu.memory_space<hbm>> -> memref<128xi32, #tpu.memory_space<hbm>>
        tpu.wait_dma2 semaphore(%run_scoped3A_434 : memref<!tpu.dma_semaphore, #tpu.memory_space<semaphore_mem>>) src(%dma_wait3A_458 : memref<128xi32, #tpu.memory_space<hbm>>) dst(%dma_wait3A_455 : memref<128xi32, #tpu.memory_space<vmem>>)
        tpu.yield
      }) : () -> ()
      %mul3A_364 = arith.constant 2 : i32
      %mul3A_365 = arith.muli %mul3A_364, %scan3A_357 : i32
      %add3A_366 = arith.constant 0 : i32
      %add3A_367 = arith.addi %mul3A_365, %add3A_366 : i32
      %run_scoped3A_368 = arith.constant 0 : i32
      "tpu.region"() ({
        %run_scoped3A_434 = tpu.sem_alloc : memref<!tpu.dma_semaphore, #tpu.memory_space<semaphore_mem>>
        %dma_start3A_435 = arith.constant 0 : i32
        %dma_start3A_436 = tpu.memref_slice %arg12[%run_scoped3A_368, %dma_start3A_435] : memref<2x128xi32, #tpu.memory_space<vmem>> -> memref<1x128xi32, #tpu.memory_space<vmem>>
        %dma_start3A_437 = tpu.memref_squeeze %dma_start3A_436 : memref<1x128xi32, #tpu.memory_space<vmem>> -> memref<128xi32, #tpu.memory_space<vmem>>
        %dma_start3A_438 = arith.constant 0 : i32
        %dma_start3A_439 = tpu.memref_slice %arg4[%add3A, %add3A_367, %dma_start3A_438] : memref<32x80x128xi32, #tpu.memory_space<hbm>> -> memref<1x1x128xi32, #tpu.memory_space<hbm>>
        %dma_start3A_440 = tpu.memref_squeeze %dma_start3A_439 : memref<1x1x128xi32, #tpu.memory_space<hbm>> -> memref<128xi32, #tpu.memory_space<hbm>>
        %dma_start3A_441 = arith.constant 0 : i32
        %dma_start3A_442 = tpu.memref_slice %arg12[%run_scoped3A_368, %dma_start3A_441] : memref<2x128xi32, #tpu.memory_space<vmem>> -> memref<1x128xi32, #tpu.memory_space<vmem>>
        %dma_start3A_443 = tpu.memref_squeeze %dma_start3A_442 : memref<1x128xi32, #tpu.memory_space<vmem>> -> memref<128xi32, #tpu.memory_space<vmem>>
        %dma_start3A_444 = arith.constant 0 : i32
        %dma_start3A_445 = tpu.memref_slice %arg4[%add3A, %add3A_367, %dma_start3A_444] : memref<32x80x128xi32, #tpu.memory_space<hbm>> -> memref<1x1x128xi32, #tpu.memory_space<hbm>>
        %dma_start3A_446 = tpu.memref_squeeze %dma_start3A_445 : memref<1x1x128xi32, #tpu.memory_space<hbm>> -> memref<128xi32, #tpu.memory_space<hbm>>
        tpu.enqueue_dma source(%dma_start3A_446 : memref<128xi32, #tpu.memory_space<hbm>>) target(%dma_start3A_443 : memref<128xi32, #tpu.memory_space<vmem>>) target_semaphore(%run_scoped3A_434 : memref<!tpu.dma_semaphore, #tpu.memory_space<semaphore_mem>>)
        %dma_wait3A_447 = arith.constant 0 : i32
        %dma_wait3A_448 = tpu.memref_slice %arg12[%run_scoped3A_368, %dma_wait3A_447] : memref<2x128xi32, #tpu.memory_space<vmem>> -> memref<1x128xi32, #tpu.memory_space<vmem>>
        %dma_wait3A_449 = tpu.memref_squeeze %dma_wait3A_448 : memref<1x128xi32, #tpu.memory_space<vmem>> -> memref<128xi32, #tpu.memory_space<vmem>>
        %dma_wait3A_450 = arith.constant 0 : i32
        %dma_wait3A_451 = tpu.memref_slice %arg4[%add3A, %add3A_367, %dma_wait3A_450] : memref<32x80x128xi32, #tpu.memory_space<hbm>> -> memref<1x1x128xi32, #tpu.memory_space<hbm>>
        %dma_wait3A_452 = tpu.memref_squeeze %dma_wait3A_451 : memref<1x1x128xi32, #tpu.memory_space<hbm>> -> memref<128xi32, #tpu.memory_space<hbm>>
        %dma_wait3A_453 = arith.constant 0 : i32
        %dma_wait3A_454 = tpu.memref_slice %arg12[%run_scoped3A_368, %dma_wait3A_453] : memref<2x128xi32, #tpu.memory_space<vmem>> -> memref<1x128xi32, #tpu.memory_space<vmem>>
        %dma_wait3A_455 = tpu.memref_squeeze %dma_wait3A_454 : memref<1x128xi32, #tpu.memory_space<vmem>> -> memref<128xi32, #tpu.memory_space<vmem>>
        %dma_wait3A_456 = arith.constant 0 : i32
        %dma_wait3A_457 = tpu.memref_slice %arg4[%add3A, %add3A_367, %dma_wait3A_456] : memref<32x80x128xi32, #tpu.memory_space<hbm>> -> memref<1x1x128xi32, #tpu.memory_space<hbm>>
        %dma_wait3A_458 = tpu.memref_squeeze %dma_wait3A_457 : memref<1x1x128xi32, #tpu.memory_space<hbm>> -> memref<128xi32, #tpu.memory_space<hbm>>
        tpu.wait_dma2 semaphore(%run_scoped3A_434 : memref<!tpu.dma_semaphore, #tpu.memory_space<semaphore_mem>>) src(%dma_wait3A_458 : memref<128xi32, #tpu.memory_space<hbm>>) dst(%dma_wait3A_455 : memref<128xi32, #tpu.memory_space<vmem>>)
        tpu.yield
      }) : () -> ()
      %mul3A_369 = arith.constant 2 : i32
      %mul3A_370 = arith.muli %mul3A_369, %scan3A_357 : i32
      %add3A_371 = arith.constant 1 : i32
      %add3A_372 = arith.addi %mul3A_370, %add3A_371 : i32
      %run_scoped3A_373 = arith.constant 1 : i32
      "tpu.region"() ({
        %run_scoped3A_434 = tpu.sem_alloc : memref<!tpu.dma_semaphore, #tpu.memory_space<semaphore_mem>>
        %dma_start3A_435 = arith.constant 0 : i32
        %dma_start3A_436 = tpu.memref_slice %arg11[%run_scoped3A_373, %dma_start3A_435] : memref<2x128xi32, #tpu.memory_space<vmem>> -> memref<1x128xi32, #tpu.memory_space<vmem>>
        %dma_start3A_437 = tpu.memref_squeeze %dma_start3A_436 : memref<1x128xi32, #tpu.memory_space<vmem>> -> memref<128xi32, #tpu.memory_space<vmem>>
        %dma_start3A_438 = arith.constant 0 : i32
        %dma_start3A_439 = tpu.memref_slice %arg3[%add3A, %add3A_372, %dma_start3A_438] : memref<32x80x128xi32, #tpu.memory_space<hbm>> -> memref<1x1x128xi32, #tpu.memory_space<hbm>>
        %dma_start3A_440 = tpu.memref_squeeze %dma_start3A_439 : memref<1x1x128xi32, #tpu.memory_space<hbm>> -> memref<128xi32, #tpu.memory_space<hbm>>
        %dma_start3A_441 = arith.constant 0 : i32
        %dma_start3A_442 = tpu.memref_slice %arg11[%run_scoped3A_373, %dma_start3A_441] : memref<2x128xi32, #tpu.memory_space<vmem>> -> memref<1x128xi32, #tpu.memory_space<vmem>>
        %dma_start3A_443 = tpu.memref_squeeze %dma_start3A_442 : memref<1x128xi32, #tpu.memory_space<vmem>> -> memref<128xi32, #tpu.memory_space<vmem>>
        %dma_start3A_444 = arith.constant 0 : i32
        %dma_start3A_445 = tpu.memref_slice %arg3[%add3A, %add3A_372, %dma_start3A_444] : memref<32x80x128xi32, #tpu.memory_space<hbm>> -> memref<1x1x128xi32, #tpu.memory_space<hbm>>
        %dma_start3A_446 = tpu.memref_squeeze %dma_start3A_445 : memref<1x1x128xi32, #tpu.memory_space<hbm>> -> memref<128xi32, #tpu.memory_space<hbm>>
        tpu.enqueue_dma source(%dma_start3A_446 : memref<128xi32, #tpu.memory_space<hbm>>) target(%dma_start3A_443 : memref<128xi32, #tpu.memory_space<vmem>>) target_semaphore(%run_scoped3A_434 : memref<!tpu.dma_semaphore, #tpu.memory_space<semaphore_mem>>)
        %dma_wait3A_447 = arith.constant 0 : i32
        %dma_wait3A_448 = tpu.memref_slice %arg11[%run_scoped3A_373, %dma_wait3A_447] : memref<2x128xi32, #tpu.memory_space<vmem>> -> memref<1x128xi32, #tpu.memory_space<vmem>>
        %dma_wait3A_449 = tpu.memref_squeeze %dma_wait3A_448 : memref<1x128xi32, #tpu.memory_space<vmem>> -> memref<128xi32, #tpu.memory_space<vmem>>
        %dma_wait3A_450 = arith.constant 0 : i32
        %dma_wait3A_451 = tpu.memref_slice %arg3[%add3A, %add3A_372, %dma_wait3A_450] : memref<32x80x128xi32, #tpu.memory_space<hbm>> -> memref<1x1x128xi32, #tpu.memory_space<hbm>>
        %dma_wait3A_452 = tpu.memref_squeeze %dma_wait3A_451 : memref<1x1x128xi32, #tpu.memory_space<hbm>> -> memref<128xi32, #tpu.memory_space<hbm>>
        %dma_wait3A_453 = arith.constant 0 : i32
        %dma_wait3A_454 = tpu.memref_slice %arg11[%run_scoped3A_373, %dma_wait3A_453] : memref<2x128xi32, #tpu.memory_space<vmem>> -> memref<1x128xi32, #tpu.memory_space<vmem>>
        %dma_wait3A_455 = tpu.memref_squeeze %dma_wait3A_454 : memref<1x128xi32, #tpu.memory_space<vmem>> -> memref<128xi32, #tpu.memory_space<vmem>>
        %dma_wait3A_456 = arith.constant 0 : i32
        %dma_wait3A_457 = tpu.memref_slice %arg3[%add3A, %add3A_372, %dma_wait3A_456] : memref<32x80x128xi32, #tpu.memory_space<hbm>> -> memref<1x1x128xi32, #tpu.memory_space<hbm>>
        %dma_wait3A_458 = tpu.memref_squeeze %dma_wait3A_457 : memref<1x1x128xi32, #tpu.memory_space<hbm>> -> memref<128xi32, #tpu.memory_space<hbm>>
        tpu.wait_dma2 semaphore(%run_scoped3A_434 : memref<!tpu.dma_semaphore, #tpu.memory_space<semaphore_mem>>) src(%dma_wait3A_458 : memref<128xi32, #tpu.memory_space<hbm>>) dst(%dma_wait3A_455 : memref<128xi32, #tpu.memory_space<vmem>>)
        tpu.yield
      }) : () -> ()
      %mul3A_374 = arith.constant 2 : i32
      %mul3A_375 = arith.muli %mul3A_374, %scan3A_357 : i32
      %add3A_376 = arith.constant 1 : i32
      %add3A_377 = arith.addi %mul3A_375, %add3A_376 : i32
      %run_scoped3A_378 = arith.constant 1 : i32
      "tpu.region"() ({
        %run_scoped3A_434 = tpu.sem_alloc : memref<!tpu.dma_semaphore, #tpu.memory_space<semaphore_mem>>
        %dma_start3A_435 = arith.constant 0 : i32
        %dma_start3A_436 = tpu.memref_slice %arg12[%run_scoped3A_378, %dma_start3A_435] : memref<2x128xi32, #tpu.memory_space<vmem>> -> memref<1x128xi32, #tpu.memory_space<vmem>>
        %dma_start3A_437 = tpu.memref_squeeze %dma_start3A_436 : memref<1x128xi32, #tpu.memory_space<vmem>> -> memref<128xi32, #tpu.memory_space<vmem>>
        %dma_start3A_438 = arith.constant 0 : i32
        %dma_start3A_439 = tpu.memref_slice %arg4[%add3A, %add3A_377, %dma_start3A_438] : memref<32x80x128xi32, #tpu.memory_space<hbm>> -> memref<1x1x128xi32, #tpu.memory_space<hbm>>
        %dma_start3A_440 = tpu.memref_squeeze %dma_start3A_439 : memref<1x1x128xi32, #tpu.memory_space<hbm>> -> memref<128xi32, #tpu.memory_space<hbm>>
        %dma_start3A_441 = arith.constant 0 : i32
        %dma_start3A_442 = tpu.memref_slice %arg12[%run_scoped3A_378, %dma_start3A_441] : memref<2x128xi32, #tpu.memory_space<vmem>> -> memref<1x128xi32, #tpu.memory_space<vmem>>
        %dma_start3A_443 = tpu.memref_squeeze %dma_start3A_442 : memref<1x128xi32, #tpu.memory_space<vmem>> -> memref<128xi32, #tpu.memory_space<vmem>>
        %dma_start3A_444 = arith.constant 0 : i32
        %dma_start3A_445 = tpu.memref_slice %arg4[%add3A, %add3A_377, %dma_start3A_444] : memref<32x80x128xi32, #tpu.memory_space<hbm>> -> memref<1x1x128xi32, #tpu.memory_space<hbm>>
        %dma_start3A_446 = tpu.memref_squeeze %dma_start3A_445 : memref<1x1x128xi32, #tpu.memory_space<hbm>> -> memref<128xi32, #tpu.memory_space<hbm>>
        tpu.enqueue_dma source(%dma_start3A_446 : memref<128xi32, #tpu.memory_space<hbm>>) target(%dma_start3A_443 : memref<128xi32, #tpu.memory_space<vmem>>) target_semaphore(%run_scoped3A_434 : memref<!tpu.dma_semaphore, #tpu.memory_space<semaphore_mem>>)
        %dma_wait3A_447 = arith.constant 0 : i32
        %dma_wait3A_448 = tpu.memref_slice %arg12[%run_scoped3A_378, %dma_wait3A_447] : memref<2x128xi32, #tpu.memory_space<vmem>> -> memref<1x128xi32, #tpu.memory_space<vmem>>
        %dma_wait3A_449 = tpu.memref_squeeze %dma_wait3A_448 : memref<1x128xi32, #tpu.memory_space<vmem>> -> memref<128xi32, #tpu.memory_space<vmem>>
        %dma_wait3A_450 = arith.constant 0 : i32
        %dma_wait3A_451 = tpu.memref_slice %arg4[%add3A, %add3A_377, %dma_wait3A_450] : memref<32x80x128xi32, #tpu.memory_space<hbm>> -> memref<1x1x128xi32, #tpu.memory_space<hbm>>
        %dma_wait3A_452 = tpu.memref_squeeze %dma_wait3A_451 : memref<1x1x128xi32, #tpu.memory_space<hbm>> -> memref<128xi32, #tpu.memory_space<hbm>>
        %dma_wait3A_453 = arith.constant 0 : i32
        %dma_wait3A_454 = tpu.memref_slice %arg12[%run_scoped3A_378, %dma_wait3A_453] : memref<2x128xi32, #tpu.memory_space<vmem>> -> memref<1x128xi32, #tpu.memory_space<vmem>>
        %dma_wait3A_455 = tpu.memref_squeeze %dma_wait3A_454 : memref<1x128xi32, #tpu.memory_space<vmem>> -> memref<128xi32, #tpu.memory_space<vmem>>
        %dma_wait3A_456 = arith.constant 0 : i32
        %dma_wait3A_457 = tpu.memref_slice %arg4[%add3A, %add3A_377, %dma_wait3A_456] : memref<32x80x128xi32, #tpu.memory_space<hbm>> -> memref<1x1x128xi32, #tpu.memory_space<hbm>>
        %dma_wait3A_458 = tpu.memref_squeeze %dma_wait3A_457 : memref<1x1x128xi32, #tpu.memory_space<hbm>> -> memref<128xi32, #tpu.memory_space<hbm>>
        tpu.wait_dma2 semaphore(%run_scoped3A_434 : memref<!tpu.dma_semaphore, #tpu.memory_space<semaphore_mem>>) src(%dma_wait3A_458 : memref<128xi32, #tpu.memory_space<hbm>>) dst(%dma_wait3A_455 : memref<128xi32, #tpu.memory_space<vmem>>)
        tpu.yield
      }) : () -> ()
      %dma_start3A_379 = arith.constant 0 : i32
      %dma_start3A_380 = arith.constant 0 : i32
      %dma_start3A_381 = arith.constant 0 : i32
      %dma_start3A_382 = arith.constant 0 : i32
      %dma_start3A_383 = tpu.memref_slice %arg13[%dma_start3A_380, %dma_start3A_381, %dma_start3A_382] : memref<2x128x128xf32, #tpu.memory_space<vmem>> -> memref<1x128x128xf32, #tpu.memory_space<vmem>>
      %dma_start3A_384 = tpu.memref_squeeze %dma_start3A_383 : memref<1x128x128xf32, #tpu.memory_space<vmem>> -> memref<128x128xf32, #tpu.memory_space<vmem>>
      %dma_start3A_385 = arith.constant 0 : i32
      %dma_start3A_386 = tpu.memref_slice %arg11[%dma_start3A_379, %dma_start3A_385] : memref<2x128xi32, #tpu.memory_space<vmem>> -> memref<1x128xi32, #tpu.memory_space<vmem>>
      %dma_start3A_387 = tpu.memref_squeeze %dma_start3A_386 : memref<1x128xi32, #tpu.memory_space<vmem>> -> memref<128xi32, #tpu.memory_space<vmem>>
      %dma_start3A_388 = arith.constant 0 : i32
      %dma_start3A_389 = arith.constant 0 : i32
      %dma_start3A_390 = tpu.memref_slice %arg2[%dma_start3A_388, %dma_start3A_389] : memref<10000x128xf32, #tpu.memory_space<hbm>> -> memref<10000x128xf32, #tpu.memory_space<hbm>>
      tpu.enqueue_indirect_dma source(%dma_start3A_390 : memref<10000x128xf32, #tpu.memory_space<hbm>>) target(%dma_start3A_384 : memref<128x128xf32, #tpu.memory_space<vmem>>) offsets(%dma_start3A_387 : memref<128xi32, #tpu.memory_space<vmem>>) semaphore(%arg14 : memref<!tpu.dma_semaphore, #tpu.memory_space<semaphore_mem>>)
      %dma_start3A_391 = arith.constant 1 : i32
      %dma_start3A_392 = arith.constant 1 : i32
      %dma_start3A_393 = arith.constant 0 : i32
      %dma_start3A_394 = arith.constant 0 : i32
      %dma_start3A_395 = tpu.memref_slice %arg13[%dma_start3A_392, %dma_start3A_393, %dma_start3A_394] : memref<2x128x128xf32, #tpu.memory_space<vmem>> -> memref<1x128x128xf32, #tpu.memory_space<vmem>>
      %dma_start3A_396 = tpu.memref_squeeze %dma_start3A_395 : memref<1x128x128xf32, #tpu.memory_space<vmem>> -> memref<128x128xf32, #tpu.memory_space<vmem>>
      %dma_start3A_397 = arith.constant 0 : i32
      %dma_start3A_398 = tpu.memref_slice %arg11[%dma_start3A_391, %dma_start3A_397] : memref<2x128xi32, #tpu.memory_space<vmem>> -> memref<1x128xi32, #tpu.memory_space<vmem>>
      %dma_start3A_399 = tpu.memref_squeeze %dma_start3A_398 : memref<1x128xi32, #tpu.memory_space<vmem>> -> memref<128xi32, #tpu.memory_space<vmem>>
      %dma_start3A_400 = arith.constant 0 : i32
      %dma_start3A_401 = arith.constant 0 : i32
      %dma_start3A_402 = tpu.memref_slice %arg2[%dma_start3A_400, %dma_start3A_401] : memref<10000x128xf32, #tpu.memory_space<hbm>> -> memref<10000x128xf32, #tpu.memory_space<hbm>>
      tpu.enqueue_indirect_dma source(%dma_start3A_402 : memref<10000x128xf32, #tpu.memory_space<hbm>>) target(%dma_start3A_396 : memref<128x128xf32, #tpu.memory_space<vmem>>) offsets(%dma_start3A_399 : memref<128xi32, #tpu.memory_space<vmem>>) semaphore(%arg15 : memref<!tpu.dma_semaphore, #tpu.memory_space<semaphore_mem>>)
      %dma_wait3A_403 = arith.constant 0 : i32
      %dma_wait3A_404 = arith.constant 0 : i32
      %dma_wait3A_405 = arith.constant 0 : i32
      %dma_wait3A_406 = arith.constant 0 : i32
      %dma_wait3A_407 = tpu.memref_slice %arg13[%dma_wait3A_404, %dma_wait3A_405, %dma_wait3A_406] : memref<2x128x128xf32, #tpu.memory_space<vmem>> -> memref<1x128x128xf32, #tpu.memory_space<vmem>>
      %dma_wait3A_408 = tpu.memref_squeeze %dma_wait3A_407 : memref<1x128x128xf32, #tpu.memory_space<vmem>> -> memref<128x128xf32, #tpu.memory_space<vmem>>
      %dma_wait3A_409 = arith.constant 0 : i32
      %dma_wait3A_410 = tpu.memref_slice %arg11[%dma_wait3A_403, %dma_wait3A_409] : memref<2x128xi32, #tpu.memory_space<vmem>> -> memref<1x128xi32, #tpu.memory_space<vmem>>
      %dma_wait3A_411 = tpu.memref_squeeze %dma_wait3A_410 : memref<1x128xi32, #tpu.memory_space<vmem>> -> memref<128xi32, #tpu.memory_space<vmem>>
      %dma_wait3A_412 = arith.constant 0 : i32
      %dma_wait3A_413 = arith.constant 0 : i32
      %dma_wait3A_414 = tpu.memref_slice %arg2[%dma_wait3A_412, %dma_wait3A_413] : memref<10000x128xf32, #tpu.memory_space<hbm>> -> memref<10000x128xf32, #tpu.memory_space<hbm>>
      tpu.wait_indirect_dma semaphore(%arg14 : memref<!tpu.dma_semaphore, #tpu.memory_space<semaphore_mem>>) src(%dma_wait3A_414 : memref<10000x128xf32, #tpu.memory_space<hbm>>) dst(%dma_wait3A_408 : memref<128x128xf32, #tpu.memory_space<vmem>>)
      %run_scoped3A_415 = arith.constant 0 : i32
      %run_scoped3A_416 = arith.constant 0 : i32
      "tpu.region"() ({
        %run_scoped3A_434 = tpu.sem_alloc : memref<!tpu.dma_semaphore, #tpu.memory_space<semaphore_mem>>
        %dma_start3A_435 = arith.constant 0 : i32
        %dma_start3A_436 = arith.constant 0 : i32
        %dma_start3A_437 = tpu.memref_slice %arg13[%run_scoped3A_415, %dma_start3A_435, %dma_start3A_436] : memref<2x128x128xf32, #tpu.memory_space<vmem>> -> memref<1x128x128xf32, #tpu.memory_space<vmem>>
        %dma_start3A_438 = tpu.memref_squeeze %dma_start3A_437 : memref<1x128x128xf32, #tpu.memory_space<vmem>> -> memref<128x128xf32, #tpu.memory_space<vmem>>
        %dma_start3A_439 = arith.constant 0 : i32
        %dma_start3A_440 = tpu.memref_slice %arg12[%run_scoped3A_416, %dma_start3A_439] : memref<2x128xi32, #tpu.memory_space<vmem>> -> memref<1x128xi32, #tpu.memory_space<vmem>>
        %dma_start3A_441 = tpu.memref_squeeze %dma_start3A_440 : memref<1x128xi32, #tpu.memory_space<vmem>> -> memref<128xi32, #tpu.memory_space<vmem>>
        %dma_start3A_442 = arith.constant 0 : i32
        %dma_start3A_443 = arith.constant 0 : i32
        %dma_start3A_444 = tpu.memref_slice %arg10[%dma_start3A_442, %dma_start3A_443] : memref<10240x128xf32, #tpu.memory_space<vmem_shared>> -> memref<10240x128xf32, #tpu.memory_space<vmem_shared>>
        tpu.enqueue_indirect_dma source(%dma_start3A_438 : memref<128x128xf32, #tpu.memory_space<vmem>>) target(%dma_start3A_444 : memref<10240x128xf32, #tpu.memory_space<vmem_shared>>) offsets(%dma_start3A_441 : memref<128xi32, #tpu.memory_space<vmem>>) semaphore(%run_scoped3A_434 : memref<!tpu.dma_semaphore, #tpu.memory_space<semaphore_mem>>) {add = true}
        %dma_wait3A_445 = arith.constant 0 : i32
        %dma_wait3A_446 = arith.constant 0 : i32
        %dma_wait3A_447 = tpu.memref_slice %arg13[%run_scoped3A_415, %dma_wait3A_445, %dma_wait3A_446] : memref<2x128x128xf32, #tpu.memory_space<vmem>> -> memref<1x128x128xf32, #tpu.memory_space<vmem>>
        %dma_wait3A_448 = tpu.memref_squeeze %dma_wait3A_447 : memref<1x128x128xf32, #tpu.memory_space<vmem>> -> memref<128x128xf32, #tpu.memory_space<vmem>>
        %dma_wait3A_449 = arith.constant 0 : i32
        %dma_wait3A_450 = tpu.memref_slice %arg12[%run_scoped3A_416, %dma_wait3A_449] : memref<2x128xi32, #tpu.memory_space<vmem>> -> memref<1x128xi32, #tpu.memory_space<vmem>>
        %dma_wait3A_451 = tpu.memref_squeeze %dma_wait3A_450 : memref<1x128xi32, #tpu.memory_space<vmem>> -> memref<128xi32, #tpu.memory_space<vmem>>
        %dma_wait3A_452 = arith.constant 0 : i32
        %dma_wait3A_453 = arith.constant 0 : i32
        %dma_wait3A_454 = tpu.memref_slice %arg10[%dma_wait3A_452, %dma_wait3A_453] : memref<10240x128xf32, #tpu.memory_space<vmem_shared>> -> memref<10240x128xf32, #tpu.memory_space<vmem_shared>>
        tpu.wait_indirect_dma semaphore(%run_scoped3A_434 : memref<!tpu.dma_semaphore, #tpu.memory_space<semaphore_mem>>) src(%dma_wait3A_448 : memref<128x128xf32, #tpu.memory_space<vmem>>) dst(%dma_wait3A_454 : memref<10240x128xf32, #tpu.memory_space<vmem_shared>>)
        tpu.yield
      }) : () -> ()
      %run_scoped3A_417 = arith.constant 0 : i32
      "tpu.region"() ({
        %run_scoped3A_434 = tpu.sem_alloc : memref<!tpu.dma_semaphore, #tpu.memory_space<semaphore_mem>>
        %dma_start3A_435 = arith.constant 0 : i32
        %dma_start3A_436 = tpu.memref_slice %arg12[%run_scoped3A_417, %dma_start3A_435] : memref<2x128xi32, #tpu.memory_space<vmem>> -> memref<1x128xi32, #tpu.memory_space<vmem>>
        %dma_start3A_437 = tpu.memref_squeeze %dma_start3A_436 : memref<1x128xi32, #tpu.memory_space<vmem>> -> memref<128xi32, #tpu.memory_space<vmem>>
        %dma_start3A_438 = arith.constant 0 : i32
        %dma_start3A_439 = tpu.memref_slice %arg18[%dma_start3A_438] : memref<10240xf32, #tpu.memory_space<vmem_shared>> -> memref<10240xf32, #tpu.memory_space<vmem_shared>>
        tpu.enqueue_indirect_dma source(%arg19 : memref<128xf32, #tpu.memory_space<vmem>>) target(%dma_start3A_439 : memref<10240xf32, #tpu.memory_space<vmem_shared>>) offsets(%dma_start3A_437 : memref<128xi32, #tpu.memory_space<vmem>>) semaphore(%run_scoped3A_434 : memref<!tpu.dma_semaphore, #tpu.memory_space<semaphore_mem>>) {add = true}
        %dma_wait3A_440 = arith.constant 0 : i32
        %dma_wait3A_441 = tpu.memref_slice %arg12[%run_scoped3A_417, %dma_wait3A_440] : memref<2x128xi32, #tpu.memory_space<vmem>> -> memref<1x128xi32, #tpu.memory_space<vmem>>
        %dma_wait3A_442 = tpu.memref_squeeze %dma_wait3A_441 : memref<1x128xi32, #tpu.memory_space<vmem>> -> memref<128xi32, #tpu.memory_space<vmem>>
        %dma_wait3A_443 = arith.constant 0 : i32
        %dma_wait3A_444 = tpu.memref_slice %arg18[%dma_wait3A_443] : memref<10240xf32, #tpu.memory_space<vmem_shared>> -> memref<10240xf32, #tpu.memory_space<vmem_shared>>
        tpu.wait_indirect_dma semaphore(%run_scoped3A_434 : memref<!tpu.dma_semaphore, #tpu.memory_space<semaphore_mem>>) src(%arg19 : memref<128xf32, #tpu.memory_space<vmem>>) dst(%dma_wait3A_444 : memref<10240xf32, #tpu.memory_space<vmem_shared>>)
        tpu.yield
      }) : () -> ()
      %dma_wait3A_418 = arith.constant 1 : i32
      %dma_wait3A_419 = arith.constant 1 : i32
      %dma_wait3A_420 = arith.constant 0 : i32
      %dma_wait3A_421 = arith.constant 0 : i32
      %dma_wait3A_422 = tpu.memref_slice %arg13[%dma_wait3A_419, %dma_wait3A_420, %dma_wait3A_421] : memref<2x128x128xf32, #tpu.memory_space<vmem>> -> memref<1x128x128xf32, #tpu.memory_space<vmem>>
      %dma_wait3A_423 = tpu.memref_squeeze %dma_wait3A_422 : memref<1x128x128xf32, #tpu.memory_space<vmem>> -> memref<128x128xf32, #tpu.memory_space<vmem>>
      %dma_wait3A_424 = arith.constant 0 : i32
      %dma_wait3A_425 = tpu.memref_slice %arg11[%dma_wait3A_418, %dma_wait3A_424] : memref<2x128xi32, #tpu.memory_space<vmem>> -> memref<1x128xi32, #tpu.memory_space<vmem>>
      %dma_wait3A_426 = tpu.memref_squeeze %dma_wait3A_425 : memref<1x128xi32, #tpu.memory_space<vmem>> -> memref<128xi32, #tpu.memory_space<vmem>>
      %dma_wait3A_427 = arith.constant 0 : i32
      %dma_wait3A_428 = arith.constant 0 : i32
      %dma_wait3A_429 = tpu.memref_slice %arg2[%dma_wait3A_427, %dma_wait3A_428] : memref<10000x128xf32, #tpu.memory_space<hbm>> -> memref<10000x128xf32, #tpu.memory_space<hbm>>
      tpu.wait_indirect_dma semaphore(%arg15 : memref<!tpu.dma_semaphore, #tpu.memory_space<semaphore_mem>>) src(%dma_wait3A_429 : memref<10000x128xf32, #tpu.memory_space<hbm>>) dst(%dma_wait3A_423 : memref<128x128xf32, #tpu.memory_space<vmem>>)
      %run_scoped3A_430 = arith.constant 1 : i32
      %run_scoped3A_431 = arith.constant 1 : i32
      "tpu.region"() ({
        %run_scoped3A_434 = tpu.sem_alloc : memref<!tpu.dma_semaphore, #tpu.memory_space<semaphore_mem>>
        %dma_start3A_435 = arith.constant 0 : i32
        %dma_start3A_436 = arith.constant 0 : i32
        %dma_start3A_437 = tpu.memref_slice %arg13[%run_scoped3A_430, %dma_start3A_435, %dma_start3A_436] : memref<2x128x128xf32, #tpu.memory_space<vmem>> -> memref<1x128x128xf32, #tpu.memory_space<vmem>>
        %dma_start3A_438 = tpu.memref_squeeze %dma_start3A_437 : memref<1x128x128xf32, #tpu.memory_space<vmem>> -> memref<128x128xf32, #tpu.memory_space<vmem>>
        %dma_start3A_439 = arith.constant 0 : i32
        %dma_start3A_440 = tpu.memref_slice %arg12[%run_scoped3A_431, %dma_start3A_439] : memref<2x128xi32, #tpu.memory_space<vmem>> -> memref<1x128xi32, #tpu.memory_space<vmem>>
        %dma_start3A_441 = tpu.memref_squeeze %dma_start3A_440 : memref<1x128xi32, #tpu.memory_space<vmem>> -> memref<128xi32, #tpu.memory_space<vmem>>
        %dma_start3A_442 = arith.constant 0 : i32
        %dma_start3A_443 = arith.constant 0 : i32
        %dma_start3A_444 = tpu.memref_slice %arg10[%dma_start3A_442, %dma_start3A_443] : memref<10240x128xf32, #tpu.memory_space<vmem_shared>> -> memref<10240x128xf32, #tpu.memory_space<vmem_shared>>
        tpu.enqueue_indirect_dma source(%dma_start3A_438 : memref<128x128xf32, #tpu.memory_space<vmem>>) target(%dma_start3A_444 : memref<10240x128xf32, #tpu.memory_space<vmem_shared>>) offsets(%dma_start3A_441 : memref<128xi32, #tpu.memory_space<vmem>>) semaphore(%run_scoped3A_434 : memref<!tpu.dma_semaphore, #tpu.memory_space<semaphore_mem>>) {add = true}
        %dma_wait3A_445 = arith.constant 0 : i32
        %dma_wait3A_446 = arith.constant 0 : i32
        %dma_wait3A_447 = tpu.memref_slice %arg13[%run_scoped3A_430, %dma_wait3A_445, %dma_wait3A_446] : memref<2x128x128xf32, #tpu.memory_space<vmem>> -> memref<1x128x128xf32, #tpu.memory_space<vmem>>
        %dma_wait3A_448 = tpu.memref_squeeze %dma_wait3A_447 : memref<1x128x128xf32, #tpu.memory_space<vmem>> -> memref<128x128xf32, #tpu.memory_space<vmem>>
        %dma_wait3A_449 = arith.constant 0 : i32
        %dma_wait3A_450 = tpu.memref_slice %arg12[%run_scoped3A_431, %dma_wait3A_449] : memref<2x128xi32, #tpu.memory_space<vmem>> -> memref<1x128xi32, #tpu.memory_space<vmem>>
        %dma_wait3A_451 = tpu.memref_squeeze %dma_wait3A_450 : memref<1x128xi32, #tpu.memory_space<vmem>> -> memref<128xi32, #tpu.memory_space<vmem>>
        %dma_wait3A_452 = arith.constant 0 : i32
        %dma_wait3A_453 = arith.constant 0 : i32
        %dma_wait3A_454 = tpu.memref_slice %arg10[%dma_wait3A_452, %dma_wait3A_453] : memref<10240x128xf32, #tpu.memory_space<vmem_shared>> -> memref<10240x128xf32, #tpu.memory_space<vmem_shared>>
        tpu.wait_indirect_dma semaphore(%run_scoped3A_434 : memref<!tpu.dma_semaphore, #tpu.memory_space<semaphore_mem>>) src(%dma_wait3A_448 : memref<128x128xf32, #tpu.memory_space<vmem>>) dst(%dma_wait3A_454 : memref<10240x128xf32, #tpu.memory_space<vmem_shared>>)
        tpu.yield
      }) : () -> ()
      %run_scoped3A_432 = arith.constant 1 : i32
      "tpu.region"() ({
        %run_scoped3A_434 = tpu.sem_alloc : memref<!tpu.dma_semaphore, #tpu.memory_space<semaphore_mem>>
        %dma_start3A_435 = arith.constant 0 : i32
        %dma_start3A_436 = tpu.memref_slice %arg12[%run_scoped3A_432, %dma_start3A_435] : memref<2x128xi32, #tpu.memory_space<vmem>> -> memref<1x128xi32, #tpu.memory_space<vmem>>
        %dma_start3A_437 = tpu.memref_squeeze %dma_start3A_436 : memref<1x128xi32, #tpu.memory_space<vmem>> -> memref<128xi32, #tpu.memory_space<vmem>>
        %dma_start3A_438 = arith.constant 0 : i32
        %dma_start3A_439 = tpu.memref_slice %arg18[%dma_start3A_438] : memref<10240xf32, #tpu.memory_space<vmem_shared>> -> memref<10240xf32, #tpu.memory_space<vmem_shared>>
        tpu.enqueue_indirect_dma source(%arg19 : memref<128xf32, #tpu.memory_space<vmem>>) target(%dma_start3A_439 : memref<10240xf32, #tpu.memory_space<vmem_shared>>) offsets(%dma_start3A_437 : memref<128xi32, #tpu.memory_space<vmem>>) semaphore(%run_scoped3A_434 : memref<!tpu.dma_semaphore, #tpu.memory_space<semaphore_mem>>) {add = true}
        %dma_wait3A_440 = arith.constant 0 : i32
        %dma_wait3A_441 = tpu.memref_slice %arg12[%run_scoped3A_432, %dma_wait3A_440] : memref<2x128xi32, #tpu.memory_space<vmem>> -> memref<1x128xi32, #tpu.memory_space<vmem>>
        %dma_wait3A_442 = tpu.memref_squeeze %dma_wait3A_441 : memref<1x128xi32, #tpu.memory_space<vmem>> -> memref<128xi32, #tpu.memory_space<vmem>>
        %dma_wait3A_443 = arith.constant 0 : i32
        %dma_wait3A_444 = tpu.memref_slice %arg18[%dma_wait3A_443] : memref<10240xf32, #tpu.memory_space<vmem_shared>> -> memref<10240xf32, #tpu.memory_space<vmem_shared>>
        tpu.wait_indirect_dma semaphore(%run_scoped3A_434 : memref<!tpu.dma_semaphore, #tpu.memory_space<semaphore_mem>>) src(%arg19 : memref<128xf32, #tpu.memory_space<vmem>>) dst(%dma_wait3A_444 : memref<10240xf32, #tpu.memory_space<vmem_shared>>)
        tpu.yield
      }) : () -> ()
      %scan3A_433 = arith.constant 0 : i32
      scf.yield %scan3A_433 : i32
    }
    %scan3A_156 = arith.constant 40 : i32
    %barrier3A_157 = arith.constant 0 : index
    tpu.barrier barrier_id(%barrier3A_157)
    %mul3A_158 = arith.constant 640 : i32
    %mul3A_159 = arith.muli %arg1, %mul3A_158 : i32
    %add3A_160 = arith.constant 0 : i32
    %add3A_161 = arith.addi %mul3A_159, %add3A_160 : i32
    %run_scoped3A_162 = arith.constant 0 : i32
    "tpu.region"() ({
      %run_scoped3A_357 = tpu.sem_alloc : memref<!tpu.dma_semaphore, #tpu.memory_space<semaphore_mem>>
      %dma_start3A_358 = arith.constant 0 : i32
      %dma_start3A_359 = arith.constant 0 : i32
      %dma_start3A_360 = tpu.memref_slice %arg13[%run_scoped3A_162, %dma_start3A_358, %dma_start3A_359] : memref<2x128x128xf32, #tpu.memory_space<vmem>> -> memref<1x128x128xf32, #tpu.memory_space<vmem>>
      %dma_start3A_361 = tpu.memref_squeeze %dma_start3A_360 : memref<1x128x128xf32, #tpu.memory_space<vmem>> -> memref<128x128xf32, #tpu.memory_space<vmem>>
      %dma_start3A_362 = arith.constant 0 : i32
      %dma_start3A_363 = tpu.memref_slice %arg10[%add3A_161, %dma_start3A_362] : memref<10240x128xf32, #tpu.memory_space<vmem_shared>> -> memref<128x128xf32, #tpu.memory_space<vmem_shared>>
      %dma_start3A_364 = arith.constant 0 : i32
      %dma_start3A_365 = arith.constant 0 : i32
      %dma_start3A_366 = tpu.memref_slice %arg13[%run_scoped3A_162, %dma_start3A_364, %dma_start3A_365] : memref<2x128x128xf32, #tpu.memory_space<vmem>> -> memref<1x128x128xf32, #tpu.memory_space<vmem>>
      %dma_start3A_367 = tpu.memref_squeeze %dma_start3A_366 : memref<1x128x128xf32, #tpu.memory_space<vmem>> -> memref<128x128xf32, #tpu.memory_space<vmem>>
      %dma_start3A_368 = arith.constant 0 : i32
      %dma_start3A_369 = tpu.memref_slice %arg10[%add3A_161, %dma_start3A_368] : memref<10240x128xf32, #tpu.memory_space<vmem_shared>> -> memref<128x128xf32, #tpu.memory_space<vmem_shared>>
      tpu.enqueue_dma source(%dma_start3A_369 : memref<128x128xf32, #tpu.memory_space<vmem_shared>>) target(%dma_start3A_367 : memref<128x128xf32, #tpu.memory_space<vmem>>) target_semaphore(%run_scoped3A_357 : memref<!tpu.dma_semaphore, #tpu.memory_space<semaphore_mem>>)
      %dma_wait3A_370 = arith.constant 0 : i32
      %dma_wait3A_371 = arith.constant 0 : i32
      %dma_wait3A_372 = tpu.memref_slice %arg13[%run_scoped3A_162, %dma_wait3A_370, %dma_wait3A_371] : memref<2x128x128xf32, #tpu.memory_space<vmem>> -> memref<1x128x128xf32, #tpu.memory_space<vmem>>
      %dma_wait3A_373 = tpu.memref_squeeze %dma_wait3A_372 : memref<1x128x128xf32, #tpu.memory_space<vmem>> -> memref<128x128xf32, #tpu.memory_space<vmem>>
      %dma_wait3A_374 = arith.constant 0 : i32
      %dma_wait3A_375 = tpu.memref_slice %arg10[%add3A_161, %dma_wait3A_374] : memref<10240x128xf32, #tpu.memory_space<vmem_shared>> -> memref<128x128xf32, #tpu.memory_space<vmem_shared>>
      %dma_wait3A_376 = arith.constant 0 : i32
      %dma_wait3A_377 = arith.constant 0 : i32
      %dma_wait3A_378 = tpu.memref_slice %arg13[%run_scoped3A_162, %dma_wait3A_376, %dma_wait3A_377] : memref<2x128x128xf32, #tpu.memory_space<vmem>> -> memref<1x128x128xf32, #tpu.memory_space<vmem>>
      %dma_wait3A_379 = tpu.memref_squeeze %dma_wait3A_378 : memref<1x128x128xf32, #tpu.memory_space<vmem>> -> memref<128x128xf32, #tpu.memory_space<vmem>>
      %dma_wait3A_380 = arith.constant 0 : i32
      %dma_wait3A_381 = tpu.memref_slice %arg10[%add3A_161, %dma_wait3A_380] : memref<10240x128xf32, #tpu.memory_space<vmem_shared>> -> memref<128x128xf32, #tpu.memory_space<vmem_shared>>
      tpu.wait_dma2 semaphore(%run_scoped3A_357 : memref<!tpu.dma_semaphore, #tpu.memory_space<semaphore_mem>>) src(%dma_wait3A_381 : memref<128x128xf32, #tpu.memory_space<vmem_shared>>) dst(%dma_wait3A_379 : memref<128x128xf32, #tpu.memory_space<vmem>>)
      tpu.yield
    }) : () -> ()
    %mul3A_163 = arith.constant 640 : i32
    %mul3A_164 = arith.muli %arg1, %mul3A_163 : i32
    %add3A_165 = arith.constant 0 : i32
    %add3A_166 = arith.addi %mul3A_164, %add3A_165 : i32
    %dma_start3A_167 = arith.constant 0 : i32
    %dma_start3A_168 = arith.constant 0 : i32
    %dma_start3A_169 = arith.constant 0 : i32
    %dma_start3A_170 = tpu.memref_slice %arg13[%dma_start3A_167, %dma_start3A_168, %dma_start3A_169] : memref<2x128x128xf32, #tpu.memory_space<vmem>> -> memref<1x128x128xf32, #tpu.memory_space<vmem>>
    %dma_start3A_171 = tpu.memref_squeeze %dma_start3A_170 : memref<1x128x128xf32, #tpu.memory_space<vmem>> -> memref<128x128xf32, #tpu.memory_space<vmem>>
    %dma_start3A_172 = arith.constant 0 : i32
    %dma_start3A_173 = tpu.memref_slice %arg8[%arg0, %add3A_166, %dma_start3A_172] : memref<2x10240x128xf32, #tpu.memory_space<hbm>> -> memref<1x128x128xf32, #tpu.memory_space<hbm>>
    %dma_start3A_174 = tpu.memref_squeeze %dma_start3A_173 : memref<1x128x128xf32, #tpu.memory_space<hbm>> -> memref<128x128xf32, #tpu.memory_space<hbm>>
    %dma_start3A_175 = arith.constant 0 : i32
    %dma_start3A_176 = tpu.memref_slice %arg8[%arg0, %add3A_166, %dma_start3A_175] : memref<2x10240x128xf32, #tpu.memory_space<hbm>> -> memref<1x128x128xf32, #tpu.memory_space<hbm>>
    %dma_start3A_177 = tpu.memref_squeeze %dma_start3A_176 : memref<1x128x128xf32, #tpu.memory_space<hbm>> -> memref<128x128xf32, #tpu.memory_space<hbm>>
    %dma_start3A_178 = arith.constant 0 : i32
    %dma_start3A_179 = arith.constant 0 : i32
    %dma_start3A_180 = tpu.memref_slice %arg13[%dma_start3A_167, %dma_start3A_178, %dma_start3A_179] : memref<2x128x128xf32, #tpu.memory_space<vmem>> -> memref<1x128x128xf32, #tpu.memory_space<vmem>>
    %dma_start3A_181 = tpu.memref_squeeze %dma_start3A_180 : memref<1x128x128xf32, #tpu.memory_space<vmem>> -> memref<128x128xf32, #tpu.memory_space<vmem>>
    tpu.enqueue_dma source(%dma_start3A_181 : memref<128x128xf32, #tpu.memory_space<vmem>>) target(%dma_start3A_177 : memref<128x128xf32, #tpu.memory_space<hbm>>) target_semaphore(%arg14 : memref<!tpu.dma_semaphore, #tpu.memory_space<semaphore_mem>>)
    %mul3A_182 = arith.constant 640 : i32
    %mul3A_183 = arith.muli %arg1, %mul3A_182 : i32
    %add3A_184 = arith.constant 128 : i32
    %add3A_185 = arith.addi %mul3A_183, %add3A_184 : i32
    %run_scoped3A_186 = arith.constant 1 : i32
    "tpu.region"() ({
      %run_scoped3A_357 = tpu.sem_alloc : memref<!tpu.dma_semaphore, #tpu.memory_space<semaphore_mem>>
      %dma_start3A_358 = arith.constant 0 : i32
      %dma_start3A_359 = arith.constant 0 : i32
      %dma_start3A_360 = tpu.memref_slice %arg13[%run_scoped3A_186, %dma_start3A_358, %dma_start3A_359] : memref<2x128x128xf32, #tpu.memory_space<vmem>> -> memref<1x128x128xf32, #tpu.memory_space<vmem>>
      %dma_start3A_361 = tpu.memref_squeeze %dma_start3A_360 : memref<1x128x128xf32, #tpu.memory_space<vmem>> -> memref<128x128xf32, #tpu.memory_space<vmem>>
      %dma_start3A_362 = arith.constant 0 : i32
      %dma_start3A_363 = tpu.memref_slice %arg10[%add3A_185, %dma_start3A_362] : memref<10240x128xf32, #tpu.memory_space<vmem_shared>> -> memref<128x128xf32, #tpu.memory_space<vmem_shared>>
      %dma_start3A_364 = arith.constant 0 : i32
      %dma_start3A_365 = arith.constant 0 : i32
      %dma_start3A_366 = tpu.memref_slice %arg13[%run_scoped3A_186, %dma_start3A_364, %dma_start3A_365] : memref<2x128x128xf32, #tpu.memory_space<vmem>> -> memref<1x128x128xf32, #tpu.memory_space<vmem>>
      %dma_start3A_367 = tpu.memref_squeeze %dma_start3A_366 : memref<1x128x128xf32, #tpu.memory_space<vmem>> -> memref<128x128xf32, #tpu.memory_space<vmem>>
      %dma_start3A_368 = arith.constant 0 : i32
      %dma_start3A_369 = tpu.memref_slice %arg10[%add3A_185, %dma_start3A_368] : memref<10240x128xf32, #tpu.memory_space<vmem_shared>> -> memref<128x128xf32, #tpu.memory_space<vmem_shared>>
      tpu.enqueue_dma source(%dma_start3A_369 : memref<128x128xf32, #tpu.memory_space<vmem_shared>>) target(%dma_start3A_367 : memref<128x128xf32, #tpu.memory_space<vmem>>) target_semaphore(%run_scoped3A_357 : memref<!tpu.dma_semaphore, #tpu.memory_space<semaphore_mem>>)
      %dma_wait3A_370 = arith.constant 0 : i32
      %dma_wait3A_371 = arith.constant 0 : i32
      %dma_wait3A_372 = tpu.memref_slice %arg13[%run_scoped3A_186, %dma_wait3A_370, %dma_wait3A_371] : memref<2x128x128xf32, #tpu.memory_space<vmem>> -> memref<1x128x128xf32, #tpu.memory_space<vmem>>
      %dma_wait3A_373 = tpu.memref_squeeze %dma_wait3A_372 : memref<1x128x128xf32, #tpu.memory_space<vmem>> -> memref<128x128xf32, #tpu.memory_space<vmem>>
      %dma_wait3A_374 = arith.constant 0 : i32
      %dma_wait3A_375 = tpu.memref_slice %arg10[%add3A_185, %dma_wait3A_374] : memref<10240x128xf32, #tpu.memory_space<vmem_shared>> -> memref<128x128xf32, #tpu.memory_space<vmem_shared>>
      %dma_wait3A_376 = arith.constant 0 : i32
      %dma_wait3A_377 = arith.constant 0 : i32
      %dma_wait3A_378 = tpu.memref_slice %arg13[%run_scoped3A_186, %dma_wait3A_376, %dma_wait3A_377] : memref<2x128x128xf32, #tpu.memory_space<vmem>> -> memref<1x128x128xf32, #tpu.memory_space<vmem>>
      %dma_wait3A_379 = tpu.memref_squeeze %dma_wait3A_378 : memref<1x128x128xf32, #tpu.memory_space<vmem>> -> memref<128x128xf32, #tpu.memory_space<vmem>>
      %dma_wait3A_380 = arith.constant 0 : i32
      %dma_wait3A_381 = tpu.memref_slice %arg10[%add3A_185, %dma_wait3A_380] : memref<10240x128xf32, #tpu.memory_space<vmem_shared>> -> memref<128x128xf32, #tpu.memory_space<vmem_shared>>
      tpu.wait_dma2 semaphore(%run_scoped3A_357 : memref<!tpu.dma_semaphore, #tpu.memory_space<semaphore_mem>>) src(%dma_wait3A_381 : memref<128x128xf32, #tpu.memory_space<vmem_shared>>) dst(%dma_wait3A_379 : memref<128x128xf32, #tpu.memory_space<vmem>>)
      tpu.yield
    }) : () -> ()
    %mul3A_187 = arith.constant 640 : i32
    %mul3A_188 = arith.muli %arg1, %mul3A_187 : i32
    %add3A_189 = arith.constant 128 : i32
    %add3A_190 = arith.addi %mul3A_188, %add3A_189 : i32
    %dma_start3A_191 = arith.constant 1 : i32
    %dma_start3A_192 = arith.constant 0 : i32
    %dma_start3A_193 = arith.constant 0 : i32
    %dma_start3A_194 = tpu.memref_slice %arg13[%dma_start3A_191, %dma_start3A_192, %dma_start3A_193] : memref<2x128x128xf32, #tpu.memory_space<vmem>> -> memref<1x128x128xf32, #tpu.memory_space<vmem>>
    %dma_start3A_195 = tpu.memref_squeeze %dma_start3A_194 : memref<1x128x128xf32, #tpu.memory_space<vmem>> -> memref<128x128xf32, #tpu.memory_space<vmem>>
    %dma_start3A_196 = arith.constant 0 : i32
    %dma_start3A_197 = tpu.memref_slice %arg8[%arg0, %add3A_190, %dma_start3A_196] : memref<2x10240x128xf32, #tpu.memory_space<hbm>> -> memref<1x128x128xf32, #tpu.memory_space<hbm>>
    %dma_start3A_198 = tpu.memref_squeeze %dma_start3A_197 : memref<1x128x128xf32, #tpu.memory_space<hbm>> -> memref<128x128xf32, #tpu.memory_space<hbm>>
    %dma_start3A_199 = arith.constant 0 : i32
    %dma_start3A_200 = tpu.memref_slice %arg8[%arg0, %add3A_190, %dma_start3A_199] : memref<2x10240x128xf32, #tpu.memory_space<hbm>> -> memref<1x128x128xf32, #tpu.memory_space<hbm>>
    %dma_start3A_201 = tpu.memref_squeeze %dma_start3A_200 : memref<1x128x128xf32, #tpu.memory_space<hbm>> -> memref<128x128xf32, #tpu.memory_space<hbm>>
    %dma_start3A_202 = arith.constant 0 : i32
    %dma_start3A_203 = arith.constant 0 : i32
    %dma_start3A_204 = tpu.memref_slice %arg13[%dma_start3A_191, %dma_start3A_202, %dma_start3A_203] : memref<2x128x128xf32, #tpu.memory_space<vmem>> -> memref<1x128x128xf32, #tpu.memory_space<vmem>>
    %dma_start3A_205 = tpu.memref_squeeze %dma_start3A_204 : memref<1x128x128xf32, #tpu.memory_space<vmem>> -> memref<128x128xf32, #tpu.memory_space<vmem>>
    tpu.enqueue_dma source(%dma_start3A_205 : memref<128x128xf32, #tpu.memory_space<vmem>>) target(%dma_start3A_201 : memref<128x128xf32, #tpu.memory_space<hbm>>) target_semaphore(%arg15 : memref<!tpu.dma_semaphore, #tpu.memory_space<semaphore_mem>>)
    %dma_wait3A_206 = arith.constant 0 : i32
    %dma_wait3A_207 = arith.constant 0 : i32
    %dma_wait3A_208 = arith.constant 0 : i32
    %dma_wait3A_209 = tpu.memref_slice %arg13[%dma_wait3A_206, %dma_wait3A_207, %dma_wait3A_208] : memref<2x128x128xf32, #tpu.memory_space<vmem>> -> memref<1x128x128xf32, #tpu.memory_space<vmem>>
    %dma_wait3A_210 = tpu.memref_squeeze %dma_wait3A_209 : memref<1x128x128xf32, #tpu.memory_space<vmem>> -> memref<128x128xf32, #tpu.memory_space<vmem>>
    %dma_wait3A_211 = arith.constant 0 : i32
    %dma_wait3A_212 = tpu.memref_slice %arg8[%arg0, %add3A_166, %dma_wait3A_211] : memref<2x10240x128xf32, #tpu.memory_space<hbm>> -> memref<1x128x128xf32, #tpu.memory_space<hbm>>
    %dma_wait3A_213 = tpu.memref_squeeze %dma_wait3A_212 : memref<1x128x128xf32, #tpu.memory_space<hbm>> -> memref<128x128xf32, #tpu.memory_space<hbm>>
    %dma_wait3A_214 = arith.constant 0 : i32
    %dma_wait3A_215 = tpu.memref_slice %arg8[%arg0, %add3A_166, %dma_wait3A_214] : memref<2x10240x128xf32, #tpu.memory_space<hbm>> -> memref<1x128x128xf32, #tpu.memory_space<hbm>>
    %dma_wait3A_216 = tpu.memref_squeeze %dma_wait3A_215 : memref<1x128x128xf32, #tpu.memory_space<hbm>> -> memref<128x128xf32, #tpu.memory_space<hbm>>
    %dma_wait3A_217 = arith.constant 0 : i32
    %dma_wait3A_218 = arith.constant 0 : i32
    %dma_wait3A_219 = tpu.memref_slice %arg13[%dma_wait3A_206, %dma_wait3A_217, %dma_wait3A_218] : memref<2x128x128xf32, #tpu.memory_space<vmem>> -> memref<1x128x128xf32, #tpu.memory_space<vmem>>
    %dma_wait3A_220 = tpu.memref_squeeze %dma_wait3A_219 : memref<1x128x128xf32, #tpu.memory_space<vmem>> -> memref<128x128xf32, #tpu.memory_space<vmem>>
    tpu.wait_dma2 semaphore(%arg14 : memref<!tpu.dma_semaphore, #tpu.memory_space<semaphore_mem>>) src(%dma_wait3A_220 : memref<128x128xf32, #tpu.memory_space<vmem>>) dst(%dma_wait3A_216 : memref<128x128xf32, #tpu.memory_space<hbm>>)
    %mul3A_221 = arith.constant 640 : i32
    %mul3A_222 = arith.muli %arg1, %mul3A_221 : i32
    %add3A_223 = arith.constant 256 : i32
    %add3A_224 = arith.addi %mul3A_222, %add3A_223 : i32
    %run_scoped3A_225 = arith.constant 0 : i32
    "tpu.region"() ({
      %run_scoped3A_357 = tpu.sem_alloc : memref<!tpu.dma_semaphore, #tpu.memory_space<semaphore_mem>>
      %dma_start3A_358 = arith.constant 0 : i32
      %dma_start3A_359 = arith.constant 0 : i32
      %dma_start3A_360 = tpu.memref_slice %arg13[%run_scoped3A_225, %dma_start3A_358, %dma_start3A_359] : memref<2x128x128xf32, #tpu.memory_space<vmem>> -> memref<1x128x128xf32, #tpu.memory_space<vmem>>
      %dma_start3A_361 = tpu.memref_squeeze %dma_start3A_360 : memref<1x128x128xf32, #tpu.memory_space<vmem>> -> memref<128x128xf32, #tpu.memory_space<vmem>>
      %dma_start3A_362 = arith.constant 0 : i32
      %dma_start3A_363 = tpu.memref_slice %arg10[%add3A_224, %dma_start3A_362] : memref<10240x128xf32, #tpu.memory_space<vmem_shared>> -> memref<128x128xf32, #tpu.memory_space<vmem_shared>>
      %dma_start3A_364 = arith.constant 0 : i32
      %dma_start3A_365 = arith.constant 0 : i32
      %dma_start3A_366 = tpu.memref_slice %arg13[%run_scoped3A_225, %dma_start3A_364, %dma_start3A_365] : memref<2x128x128xf32, #tpu.memory_space<vmem>> -> memref<1x128x128xf32, #tpu.memory_space<vmem>>
      %dma_start3A_367 = tpu.memref_squeeze %dma_start3A_366 : memref<1x128x128xf32, #tpu.memory_space<vmem>> -> memref<128x128xf32, #tpu.memory_space<vmem>>
      %dma_start3A_368 = arith.constant 0 : i32
      %dma_start3A_369 = tpu.memref_slice %arg10[%add3A_224, %dma_start3A_368] : memref<10240x128xf32, #tpu.memory_space<vmem_shared>> -> memref<128x128xf32, #tpu.memory_space<vmem_shared>>
      tpu.enqueue_dma source(%dma_start3A_369 : memref<128x128xf32, #tpu.memory_space<vmem_shared>>) target(%dma_start3A_367 : memref<128x128xf32, #tpu.memory_space<vmem>>) target_semaphore(%run_scoped3A_357 : memref<!tpu.dma_semaphore, #tpu.memory_space<semaphore_mem>>)
      %dma_wait3A_370 = arith.constant 0 : i32
      %dma_wait3A_371 = arith.constant 0 : i32
      %dma_wait3A_372 = tpu.memref_slice %arg13[%run_scoped3A_225, %dma_wait3A_370, %dma_wait3A_371] : memref<2x128x128xf32, #tpu.memory_space<vmem>> -> memref<1x128x128xf32, #tpu.memory_space<vmem>>
      %dma_wait3A_373 = tpu.memref_squeeze %dma_wait3A_372 : memref<1x128x128xf32, #tpu.memory_space<vmem>> -> memref<128x128xf32, #tpu.memory_space<vmem>>
      %dma_wait3A_374 = arith.constant 0 : i32
      %dma_wait3A_375 = tpu.memref_slice %arg10[%add3A_224, %dma_wait3A_374] : memref<10240x128xf32, #tpu.memory_space<vmem_shared>> -> memref<128x128xf32, #tpu.memory_space<vmem_shared>>
      %dma_wait3A_376 = arith.constant 0 : i32
      %dma_wait3A_377 = arith.constant 0 : i32
      %dma_wait3A_378 = tpu.memref_slice %arg13[%run_scoped3A_225, %dma_wait3A_376, %dma_wait3A_377] : memref<2x128x128xf32, #tpu.memory_space<vmem>> -> memref<1x128x128xf32, #tpu.memory_space<vmem>>
      %dma_wait3A_379 = tpu.memref_squeeze %dma_wait3A_378 : memref<1x128x128xf32, #tpu.memory_space<vmem>> -> memref<128x128xf32, #tpu.memory_space<vmem>>
      %dma_wait3A_380 = arith.constant 0 : i32
      %dma_wait3A_381 = tpu.memref_slice %arg10[%add3A_224, %dma_wait3A_380] : memref<10240x128xf32, #tpu.memory_space<vmem_shared>> -> memref<128x128xf32, #tpu.memory_space<vmem_shared>>
      tpu.wait_dma2 semaphore(%run_scoped3A_357 : memref<!tpu.dma_semaphore, #tpu.memory_space<semaphore_mem>>) src(%dma_wait3A_381 : memref<128x128xf32, #tpu.memory_space<vmem_shared>>) dst(%dma_wait3A_379 : memref<128x128xf32, #tpu.memory_space<vmem>>)
      tpu.yield
    }) : () -> ()
    %mul3A_226 = arith.constant 640 : i32
    %mul3A_227 = arith.muli %arg1, %mul3A_226 : i32
    %add3A_228 = arith.constant 256 : i32
    %add3A_229 = arith.addi %mul3A_227, %add3A_228 : i32
    %dma_start3A_230 = arith.constant 0 : i32
    %dma_start3A_231 = arith.constant 0 : i32
    %dma_start3A_232 = arith.constant 0 : i32
    %dma_start3A_233 = tpu.memref_slice %arg13[%dma_start3A_230, %dma_start3A_231, %dma_start3A_232] : memref<2x128x128xf32, #tpu.memory_space<vmem>> -> memref<1x128x128xf32, #tpu.memory_space<vmem>>
    %dma_start3A_234 = tpu.memref_squeeze %dma_start3A_233 : memref<1x128x128xf32, #tpu.memory_space<vmem>> -> memref<128x128xf32, #tpu.memory_space<vmem>>
    %dma_start3A_235 = arith.constant 0 : i32
    %dma_start3A_236 = tpu.memref_slice %arg8[%arg0, %add3A_229, %dma_start3A_235] : memref<2x10240x128xf32, #tpu.memory_space<hbm>> -> memref<1x128x128xf32, #tpu.memory_space<hbm>>
    %dma_start3A_237 = tpu.memref_squeeze %dma_start3A_236 : memref<1x128x128xf32, #tpu.memory_space<hbm>> -> memref<128x128xf32, #tpu.memory_space<hbm>>
    %dma_start3A_238 = arith.constant 0 : i32
    %dma_start3A_239 = tpu.memref_slice %arg8[%arg0, %add3A_229, %dma_start3A_238] : memref<2x10240x128xf32, #tpu.memory_space<hbm>> -> memref<1x128x128xf32, #tpu.memory_space<hbm>>
    %dma_start3A_240 = tpu.memref_squeeze %dma_start3A_239 : memref<1x128x128xf32, #tpu.memory_space<hbm>> -> memref<128x128xf32, #tpu.memory_space<hbm>>
    %dma_start3A_241 = arith.constant 0 : i32
    %dma_start3A_242 = arith.constant 0 : i32
    %dma_start3A_243 = tpu.memref_slice %arg13[%dma_start3A_230, %dma_start3A_241, %dma_start3A_242] : memref<2x128x128xf32, #tpu.memory_space<vmem>> -> memref<1x128x128xf32, #tpu.memory_space<vmem>>
    %dma_start3A_244 = tpu.memref_squeeze %dma_start3A_243 : memref<1x128x128xf32, #tpu.memory_space<vmem>> -> memref<128x128xf32, #tpu.memory_space<vmem>>
    tpu.enqueue_dma source(%dma_start3A_244 : memref<128x128xf32, #tpu.memory_space<vmem>>) target(%dma_start3A_240 : memref<128x128xf32, #tpu.memory_space<hbm>>) target_semaphore(%arg14 : memref<!tpu.dma_semaphore, #tpu.memory_space<semaphore_mem>>)
    %dma_wait3A_245 = arith.constant 1 : i32
    %dma_wait3A_246 = arith.constant 0 : i32
    %dma_wait3A_247 = arith.constant 0 : i32
    %dma_wait3A_248 = tpu.memref_slice %arg13[%dma_wait3A_245, %dma_wait3A_246, %dma_wait3A_247] : memref<2x128x128xf32, #tpu.memory_space<vmem>> -> memref<1x128x128xf32, #tpu.memory_space<vmem>>
    %dma_wait3A_249 = tpu.memref_squeeze %dma_wait3A_248 : memref<1x128x128xf32, #tpu.memory_space<vmem>> -> memref<128x128xf32, #tpu.memory_space<vmem>>
    %dma_wait3A_250 = arith.constant 0 : i32
    %dma_wait3A_251 = tpu.memref_slice %arg8[%arg0, %add3A_190, %dma_wait3A_250] : memref<2x10240x128xf32, #tpu.memory_space<hbm>> -> memref<1x128x128xf32, #tpu.memory_space<hbm>>
    %dma_wait3A_252 = tpu.memref_squeeze %dma_wait3A_251 : memref<1x128x128xf32, #tpu.memory_space<hbm>> -> memref<128x128xf32, #tpu.memory_space<hbm>>
    %dma_wait3A_253 = arith.constant 0 : i32
    %dma_wait3A_254 = tpu.memref_slice %arg8[%arg0, %add3A_190, %dma_wait3A_253] : memref<2x10240x128xf32, #tpu.memory_space<hbm>> -> memref<1x128x128xf32, #tpu.memory_space<hbm>>
    %dma_wait3A_255 = tpu.memref_squeeze %dma_wait3A_254 : memref<1x128x128xf32, #tpu.memory_space<hbm>> -> memref<128x128xf32, #tpu.memory_space<hbm>>
    %dma_wait3A_256 = arith.constant 0 : i32
    %dma_wait3A_257 = arith.constant 0 : i32
    %dma_wait3A_258 = tpu.memref_slice %arg13[%dma_wait3A_245, %dma_wait3A_256, %dma_wait3A_257] : memref<2x128x128xf32, #tpu.memory_space<vmem>> -> memref<1x128x128xf32, #tpu.memory_space<vmem>>
    %dma_wait3A_259 = tpu.memref_squeeze %dma_wait3A_258 : memref<1x128x128xf32, #tpu.memory_space<vmem>> -> memref<128x128xf32, #tpu.memory_space<vmem>>
    tpu.wait_dma2 semaphore(%arg15 : memref<!tpu.dma_semaphore, #tpu.memory_space<semaphore_mem>>) src(%dma_wait3A_259 : memref<128x128xf32, #tpu.memory_space<vmem>>) dst(%dma_wait3A_255 : memref<128x128xf32, #tpu.memory_space<hbm>>)
    %mul3A_260 = arith.constant 640 : i32
    %mul3A_261 = arith.muli %arg1, %mul3A_260 : i32
    %add3A_262 = arith.constant 384 : i32
    %add3A_263 = arith.addi %mul3A_261, %add3A_262 : i32
    %run_scoped3A_264 = arith.constant 1 : i32
    "tpu.region"() ({
      %run_scoped3A_357 = tpu.sem_alloc : memref<!tpu.dma_semaphore, #tpu.memory_space<semaphore_mem>>
      %dma_start3A_358 = arith.constant 0 : i32
      %dma_start3A_359 = arith.constant 0 : i32
      %dma_start3A_360 = tpu.memref_slice %arg13[%run_scoped3A_264, %dma_start3A_358, %dma_start3A_359] : memref<2x128x128xf32, #tpu.memory_space<vmem>> -> memref<1x128x128xf32, #tpu.memory_space<vmem>>
      %dma_start3A_361 = tpu.memref_squeeze %dma_start3A_360 : memref<1x128x128xf32, #tpu.memory_space<vmem>> -> memref<128x128xf32, #tpu.memory_space<vmem>>
      %dma_start3A_362 = arith.constant 0 : i32
      %dma_start3A_363 = tpu.memref_slice %arg10[%add3A_263, %dma_start3A_362] : memref<10240x128xf32, #tpu.memory_space<vmem_shared>> -> memref<128x128xf32, #tpu.memory_space<vmem_shared>>
      %dma_start3A_364 = arith.constant 0 : i32
      %dma_start3A_365 = arith.constant 0 : i32
      %dma_start3A_366 = tpu.memref_slice %arg13[%run_scoped3A_264, %dma_start3A_364, %dma_start3A_365] : memref<2x128x128xf32, #tpu.memory_space<vmem>> -> memref<1x128x128xf32, #tpu.memory_space<vmem>>
      %dma_start3A_367 = tpu.memref_squeeze %dma_start3A_366 : memref<1x128x128xf32, #tpu.memory_space<vmem>> -> memref<128x128xf32, #tpu.memory_space<vmem>>
      %dma_start3A_368 = arith.constant 0 : i32
      %dma_start3A_369 = tpu.memref_slice %arg10[%add3A_263, %dma_start3A_368] : memref<10240x128xf32, #tpu.memory_space<vmem_shared>> -> memref<128x128xf32, #tpu.memory_space<vmem_shared>>
      tpu.enqueue_dma source(%dma_start3A_369 : memref<128x128xf32, #tpu.memory_space<vmem_shared>>) target(%dma_start3A_367 : memref<128x128xf32, #tpu.memory_space<vmem>>) target_semaphore(%run_scoped3A_357 : memref<!tpu.dma_semaphore, #tpu.memory_space<semaphore_mem>>)
      %dma_wait3A_370 = arith.constant 0 : i32
      %dma_wait3A_371 = arith.constant 0 : i32
      %dma_wait3A_372 = tpu.memref_slice %arg13[%run_scoped3A_264, %dma_wait3A_370, %dma_wait3A_371] : memref<2x128x128xf32, #tpu.memory_space<vmem>> -> memref<1x128x128xf32, #tpu.memory_space<vmem>>
      %dma_wait3A_373 = tpu.memref_squeeze %dma_wait3A_372 : memref<1x128x128xf32, #tpu.memory_space<vmem>> -> memref<128x128xf32, #tpu.memory_space<vmem>>
      %dma_wait3A_374 = arith.constant 0 : i32
      %dma_wait3A_375 = tpu.memref_slice %arg10[%add3A_263, %dma_wait3A_374] : memref<10240x128xf32, #tpu.memory_space<vmem_shared>> -> memref<128x128xf32, #tpu.memory_space<vmem_shared>>
      %dma_wait3A_376 = arith.constant 0 : i32
      %dma_wait3A_377 = arith.constant 0 : i32
      %dma_wait3A_378 = tpu.memref_slice %arg13[%run_scoped3A_264, %dma_wait3A_376, %dma_wait3A_377] : memref<2x128x128xf32, #tpu.memory_space<vmem>> -> memref<1x128x128xf32, #tpu.memory_space<vmem>>
      %dma_wait3A_379 = tpu.memref_squeeze %dma_wait3A_378 : memref<1x128x128xf32, #tpu.memory_space<vmem>> -> memref<128x128xf32, #tpu.memory_space<vmem>>
      %dma_wait3A_380 = arith.constant 0 : i32
      %dma_wait3A_381 = tpu.memref_slice %arg10[%add3A_263, %dma_wait3A_380] : memref<10240x128xf32, #tpu.memory_space<vmem_shared>> -> memref<128x128xf32, #tpu.memory_space<vmem_shared>>
      tpu.wait_dma2 semaphore(%run_scoped3A_357 : memref<!tpu.dma_semaphore, #tpu.memory_space<semaphore_mem>>) src(%dma_wait3A_381 : memref<128x128xf32, #tpu.memory_space<vmem_shared>>) dst(%dma_wait3A_379 : memref<128x128xf32, #tpu.memory_space<vmem>>)
      tpu.yield
    }) : () -> ()
    %mul3A_265 = arith.constant 640 : i32
    %mul3A_266 = arith.muli %arg1, %mul3A_265 : i32
    %add3A_267 = arith.constant 384 : i32
    %add3A_268 = arith.addi %mul3A_266, %add3A_267 : i32
    %dma_start3A_269 = arith.constant 1 : i32
    %dma_start3A_270 = arith.constant 0 : i32
    %dma_start3A_271 = arith.constant 0 : i32
    %dma_start3A_272 = tpu.memref_slice %arg13[%dma_start3A_269, %dma_start3A_270, %dma_start3A_271] : memref<2x128x128xf32, #tpu.memory_space<vmem>> -> memref<1x128x128xf32, #tpu.memory_space<vmem>>
    %dma_start3A_273 = tpu.memref_squeeze %dma_start3A_272 : memref<1x128x128xf32, #tpu.memory_space<vmem>> -> memref<128x128xf32, #tpu.memory_space<vmem>>
    %dma_start3A_274 = arith.constant 0 : i32
    %dma_start3A_275 = tpu.memref_slice %arg8[%arg0, %add3A_268, %dma_start3A_274] : memref<2x10240x128xf32, #tpu.memory_space<hbm>> -> memref<1x128x128xf32, #tpu.memory_space<hbm>>
    %dma_start3A_276 = tpu.memref_squeeze %dma_start3A_275 : memref<1x128x128xf32, #tpu.memory_space<hbm>> -> memref<128x128xf32, #tpu.memory_space<hbm>>
    %dma_start3A_277 = arith.constant 0 : i32
    %dma_start3A_278 = tpu.memref_slice %arg8[%arg0, %add3A_268, %dma_start3A_277] : memref<2x10240x128xf32, #tpu.memory_space<hbm>> -> memref<1x128x128xf32, #tpu.memory_space<hbm>>
    %dma_start3A_279 = tpu.memref_squeeze %dma_start3A_278 : memref<1x128x128xf32, #tpu.memory_space<hbm>> -> memref<128x128xf32, #tpu.memory_space<hbm>>
    %dma_start3A_280 = arith.constant 0 : i32
    %dma_start3A_281 = arith.constant 0 : i32
    %dma_start3A_282 = tpu.memref_slice %arg13[%dma_start3A_269, %dma_start3A_280, %dma_start3A_281] : memref<2x128x128xf32, #tpu.memory_space<vmem>> -> memref<1x128x128xf32, #tpu.memory_space<vmem>>
    %dma_start3A_283 = tpu.memref_squeeze %dma_start3A_282 : memref<1x128x128xf32, #tpu.memory_space<vmem>> -> memref<128x128xf32, #tpu.memory_space<vmem>>
    tpu.enqueue_dma source(%dma_start3A_283 : memref<128x128xf32, #tpu.memory_space<vmem>>) target(%dma_start3A_279 : memref<128x128xf32, #tpu.memory_space<hbm>>) target_semaphore(%arg15 : memref<!tpu.dma_semaphore, #tpu.memory_space<semaphore_mem>>)
    %dma_wait3A_284 = arith.constant 0 : i32
    %dma_wait3A_285 = arith.constant 0 : i32
    %dma_wait3A_286 = arith.constant 0 : i32
    %dma_wait3A_287 = tpu.memref_slice %arg13[%dma_wait3A_284, %dma_wait3A_285, %dma_wait3A_286] : memref<2x128x128xf32, #tpu.memory_space<vmem>> -> memref<1x128x128xf32, #tpu.memory_space<vmem>>
    %dma_wait3A_288 = tpu.memref_squeeze %dma_wait3A_287 : memref<1x128x128xf32, #tpu.memory_space<vmem>> -> memref<128x128xf32, #tpu.memory_space<vmem>>
    %dma_wait3A_289 = arith.constant 0 : i32
    %dma_wait3A_290 = tpu.memref_slice %arg8[%arg0, %add3A_229, %dma_wait3A_289] : memref<2x10240x128xf32, #tpu.memory_space<hbm>> -> memref<1x128x128xf32, #tpu.memory_space<hbm>>
    %dma_wait3A_291 = tpu.memref_squeeze %dma_wait3A_290 : memref<1x128x128xf32, #tpu.memory_space<hbm>> -> memref<128x128xf32, #tpu.memory_space<hbm>>
    %dma_wait3A_292 = arith.constant 0 : i32
    %dma_wait3A_293 = tpu.memref_slice %arg8[%arg0, %add3A_229, %dma_wait3A_292] : memref<2x10240x128xf32, #tpu.memory_space<hbm>> -> memref<1x128x128xf32, #tpu.memory_space<hbm>>
    %dma_wait3A_294 = tpu.memref_squeeze %dma_wait3A_293 : memref<1x128x128xf32, #tpu.memory_space<hbm>> -> memref<128x128xf32, #tpu.memory_space<hbm>>
    %dma_wait3A_295 = arith.constant 0 : i32
    %dma_wait3A_296 = arith.constant 0 : i32
    %dma_wait3A_297 = tpu.memref_slice %arg13[%dma_wait3A_284, %dma_wait3A_295, %dma_wait3A_296] : memref<2x128x128xf32, #tpu.memory_space<vmem>> -> memref<1x128x128xf32, #tpu.memory_space<vmem>>
    %dma_wait3A_298 = tpu.memref_squeeze %dma_wait3A_297 : memref<1x128x128xf32, #tpu.memory_space<vmem>> -> memref<128x128xf32, #tpu.memory_space<vmem>>
    tpu.wait_dma2 semaphore(%arg14 : memref<!tpu.dma_semaphore, #tpu.memory_space<semaphore_mem>>) src(%dma_wait3A_298 : memref<128x128xf32, #tpu.memory_space<vmem>>) dst(%dma_wait3A_294 : memref<128x128xf32, #tpu.memory_space<hbm>>)
    %mul3A_299 = arith.constant 640 : i32
    %mul3A_300 = arith.muli %arg1, %mul3A_299 : i32
    %add3A_301 = arith.constant 512 : i32
    %add3A_302 = arith.addi %mul3A_300, %add3A_301 : i32
    %run_scoped3A_303 = arith.constant 0 : i32
    "tpu.region"() ({
      %run_scoped3A_357 = tpu.sem_alloc : memref<!tpu.dma_semaphore, #tpu.memory_space<semaphore_mem>>
      %dma_start3A_358 = arith.constant 0 : i32
      %dma_start3A_359 = arith.constant 0 : i32
      %dma_start3A_360 = tpu.memref_slice %arg13[%run_scoped3A_303, %dma_start3A_358, %dma_start3A_359] : memref<2x128x128xf32, #tpu.memory_space<vmem>> -> memref<1x128x128xf32, #tpu.memory_space<vmem>>
      %dma_start3A_361 = tpu.memref_squeeze %dma_start3A_360 : memref<1x128x128xf32, #tpu.memory_space<vmem>> -> memref<128x128xf32, #tpu.memory_space<vmem>>
      %dma_start3A_362 = arith.constant 0 : i32
      %dma_start3A_363 = tpu.memref_slice %arg10[%add3A_302, %dma_start3A_362] : memref<10240x128xf32, #tpu.memory_space<vmem_shared>> -> memref<128x128xf32, #tpu.memory_space<vmem_shared>>
      %dma_start3A_364 = arith.constant 0 : i32
      %dma_start3A_365 = arith.constant 0 : i32
      %dma_start3A_366 = tpu.memref_slice %arg13[%run_scoped3A_303, %dma_start3A_364, %dma_start3A_365] : memref<2x128x128xf32, #tpu.memory_space<vmem>> -> memref<1x128x128xf32, #tpu.memory_space<vmem>>
      %dma_start3A_367 = tpu.memref_squeeze %dma_start3A_366 : memref<1x128x128xf32, #tpu.memory_space<vmem>> -> memref<128x128xf32, #tpu.memory_space<vmem>>
      %dma_start3A_368 = arith.constant 0 : i32
      %dma_start3A_369 = tpu.memref_slice %arg10[%add3A_302, %dma_start3A_368] : memref<10240x128xf32, #tpu.memory_space<vmem_shared>> -> memref<128x128xf32, #tpu.memory_space<vmem_shared>>
      tpu.enqueue_dma source(%dma_start3A_369 : memref<128x128xf32, #tpu.memory_space<vmem_shared>>) target(%dma_start3A_367 : memref<128x128xf32, #tpu.memory_space<vmem>>) target_semaphore(%run_scoped3A_357 : memref<!tpu.dma_semaphore, #tpu.memory_space<semaphore_mem>>)
      %dma_wait3A_370 = arith.constant 0 : i32
      %dma_wait3A_371 = arith.constant 0 : i32
      %dma_wait3A_372 = tpu.memref_slice %arg13[%run_scoped3A_303, %dma_wait3A_370, %dma_wait3A_371] : memref<2x128x128xf32, #tpu.memory_space<vmem>> -> memref<1x128x128xf32, #tpu.memory_space<vmem>>
      %dma_wait3A_373 = tpu.memref_squeeze %dma_wait3A_372 : memref<1x128x128xf32, #tpu.memory_space<vmem>> -> memref<128x128xf32, #tpu.memory_space<vmem>>
      %dma_wait3A_374 = arith.constant 0 : i32
      %dma_wait3A_375 = tpu.memref_slice %arg10[%add3A_302, %dma_wait3A_374] : memref<10240x128xf32, #tpu.memory_space<vmem_shared>> -> memref<128x128xf32, #tpu.memory_space<vmem_shared>>
      %dma_wait3A_376 = arith.constant 0 : i32
      %dma_wait3A_377 = arith.constant 0 : i32
      %dma_wait3A_378 = tpu.memref_slice %arg13[%run_scoped3A_303, %dma_wait3A_376, %dma_wait3A_377] : memref<2x128x128xf32, #tpu.memory_space<vmem>> -> memref<1x128x128xf32, #tpu.memory_space<vmem>>
      %dma_wait3A_379 = tpu.memref_squeeze %dma_wait3A_378 : memref<1x128x128xf32, #tpu.memory_space<vmem>> -> memref<128x128xf32, #tpu.memory_space<vmem>>
      %dma_wait3A_380 = arith.constant 0 : i32
      %dma_wait3A_381 = tpu.memref_slice %arg10[%add3A_302, %dma_wait3A_380] : memref<10240x128xf32, #tpu.memory_space<vmem_shared>> -> memref<128x128xf32, #tpu.memory_space<vmem_shared>>
      tpu.wait_dma2 semaphore(%run_scoped3A_357 : memref<!tpu.dma_semaphore, #tpu.memory_space<semaphore_mem>>) src(%dma_wait3A_381 : memref<128x128xf32, #tpu.memory_space<vmem_shared>>) dst(%dma_wait3A_379 : memref<128x128xf32, #tpu.memory_space<vmem>>)
      tpu.yield
    }) : () -> ()
    %mul3A_304 = arith.constant 640 : i32
    %mul3A_305 = arith.muli %arg1, %mul3A_304 : i32
    %add3A_306 = arith.constant 512 : i32
    %add3A_307 = arith.addi %mul3A_305, %add3A_306 : i32
    %dma_start3A_308 = arith.constant 0 : i32
    %dma_start3A_309 = arith.constant 0 : i32
    %dma_start3A_310 = arith.constant 0 : i32
    %dma_start3A_311 = tpu.memref_slice %arg13[%dma_start3A_308, %dma_start3A_309, %dma_start3A_310] : memref<2x128x128xf32, #tpu.memory_space<vmem>> -> memref<1x128x128xf32, #tpu.memory_space<vmem>>
    %dma_start3A_312 = tpu.memref_squeeze %dma_start3A_311 : memref<1x128x128xf32, #tpu.memory_space<vmem>> -> memref<128x128xf32, #tpu.memory_space<vmem>>
    %dma_start3A_313 = arith.constant 0 : i32
    %dma_start3A_314 = tpu.memref_slice %arg8[%arg0, %add3A_307, %dma_start3A_313] : memref<2x10240x128xf32, #tpu.memory_space<hbm>> -> memref<1x128x128xf32, #tpu.memory_space<hbm>>
    %dma_start3A_315 = tpu.memref_squeeze %dma_start3A_314 : memref<1x128x128xf32, #tpu.memory_space<hbm>> -> memref<128x128xf32, #tpu.memory_space<hbm>>
    %dma_start3A_316 = arith.constant 0 : i32
    %dma_start3A_317 = tpu.memref_slice %arg8[%arg0, %add3A_307, %dma_start3A_316] : memref<2x10240x128xf32, #tpu.memory_space<hbm>> -> memref<1x128x128xf32, #tpu.memory_space<hbm>>
    %dma_start3A_318 = tpu.memref_squeeze %dma_start3A_317 : memref<1x128x128xf32, #tpu.memory_space<hbm>> -> memref<128x128xf32, #tpu.memory_space<hbm>>
    %dma_start3A_319 = arith.constant 0 : i32
    %dma_start3A_320 = arith.constant 0 : i32
    %dma_start3A_321 = tpu.memref_slice %arg13[%dma_start3A_308, %dma_start3A_319, %dma_start3A_320] : memref<2x128x128xf32, #tpu.memory_space<vmem>> -> memref<1x128x128xf32, #tpu.memory_space<vmem>>
    %dma_start3A_322 = tpu.memref_squeeze %dma_start3A_321 : memref<1x128x128xf32, #tpu.memory_space<vmem>> -> memref<128x128xf32, #tpu.memory_space<vmem>>
    tpu.enqueue_dma source(%dma_start3A_322 : memref<128x128xf32, #tpu.memory_space<vmem>>) target(%dma_start3A_318 : memref<128x128xf32, #tpu.memory_space<hbm>>) target_semaphore(%arg14 : memref<!tpu.dma_semaphore, #tpu.memory_space<semaphore_mem>>)
    %dma_wait3A_323 = arith.constant 1 : i32
    %dma_wait3A_324 = arith.constant 0 : i32
    %dma_wait3A_325 = arith.constant 0 : i32
    %dma_wait3A_326 = tpu.memref_slice %arg13[%dma_wait3A_323, %dma_wait3A_324, %dma_wait3A_325] : memref<2x128x128xf32, #tpu.memory_space<vmem>> -> memref<1x128x128xf32, #tpu.memory_space<vmem>>
    %dma_wait3A_327 = tpu.memref_squeeze %dma_wait3A_326 : memref<1x128x128xf32, #tpu.memory_space<vmem>> -> memref<128x128xf32, #tpu.memory_space<vmem>>
    %dma_wait3A_328 = arith.constant 0 : i32
    %dma_wait3A_329 = tpu.memref_slice %arg8[%arg0, %add3A_268, %dma_wait3A_328] : memref<2x10240x128xf32, #tpu.memory_space<hbm>> -> memref<1x128x128xf32, #tpu.memory_space<hbm>>
    %dma_wait3A_330 = tpu.memref_squeeze %dma_wait3A_329 : memref<1x128x128xf32, #tpu.memory_space<hbm>> -> memref<128x128xf32, #tpu.memory_space<hbm>>
    %dma_wait3A_331 = arith.constant 0 : i32
    %dma_wait3A_332 = tpu.memref_slice %arg8[%arg0, %add3A_268, %dma_wait3A_331] : memref<2x10240x128xf32, #tpu.memory_space<hbm>> -> memref<1x128x128xf32, #tpu.memory_space<hbm>>
    %dma_wait3A_333 = tpu.memref_squeeze %dma_wait3A_332 : memref<1x128x128xf32, #tpu.memory_space<hbm>> -> memref<128x128xf32, #tpu.memory_space<hbm>>
    %dma_wait3A_334 = arith.constant 0 : i32
    %dma_wait3A_335 = arith.constant 0 : i32
    %dma_wait3A_336 = tpu.memref_slice %arg13[%dma_wait3A_323, %dma_wait3A_334, %dma_wait3A_335] : memref<2x128x128xf32, #tpu.memory_space<vmem>> -> memref<1x128x128xf32, #tpu.memory_space<vmem>>
    %dma_wait3A_337 = tpu.memref_squeeze %dma_wait3A_336 : memref<1x128x128xf32, #tpu.memory_space<vmem>> -> memref<128x128xf32, #tpu.memory_space<vmem>>
    tpu.wait_dma2 semaphore(%arg15 : memref<!tpu.dma_semaphore, #tpu.memory_space<semaphore_mem>>) src(%dma_wait3A_337 : memref<128x128xf32, #tpu.memory_space<vmem>>) dst(%dma_wait3A_333 : memref<128x128xf32, #tpu.memory_space<hbm>>)
    %dma_wait3A_338 = arith.constant 0 : i32
    %dma_wait3A_339 = arith.constant 0 : i32
    %dma_wait3A_340 = arith.constant 0 : i32
    %dma_wait3A_341 = tpu.memref_slice %arg13[%dma_wait3A_338, %dma_wait3A_339, %dma_wait3A_340] : memref<2x128x128xf32, #tpu.memory_space<vmem>> -> memref<1x128x128xf32, #tpu.memory_space<vmem>>
    %dma_wait3A_342 = tpu.memref_squeeze %dma_wait3A_341 : memref<1x128x128xf32, #tpu.memory_space<vmem>> -> memref<128x128xf32, #tpu.memory_space<vmem>>
    %dma_wait3A_343 = arith.constant 0 : i32
    %dma_wait3A_344 = tpu.memref_slice %arg8[%arg0, %add3A_307, %dma_wait3A_343] : memref<2x10240x128xf32, #tpu.memory_space<hbm>> -> memref<1x128x128xf32, #tpu.memory_space<hbm>>
    %dma_wait3A_345 = tpu.memref_squeeze %dma_wait3A_344 : memref<1x128x128xf32, #tpu.memory_space<hbm>> -> memref<128x128xf32, #tpu.memory_space<hbm>>
    %dma_wait3A_346 = arith.constant 0 : i32
    %dma_wait3A_347 = tpu.memref_slice %arg8[%arg0, %add3A_307, %dma_wait3A_346] : memref<2x10240x128xf32, #tpu.memory_space<hbm>> -> memref<1x128x128xf32, #tpu.memory_space<hbm>>
    %dma_wait3A_348 = tpu.memref_squeeze %dma_wait3A_347 : memref<1x128x128xf32, #tpu.memory_space<hbm>> -> memref<128x128xf32, #tpu.memory_space<hbm>>
    %dma_wait3A_349 = arith.constant 0 : i32
    %dma_wait3A_350 = arith.constant 0 : i32
    %dma_wait3A_351 = tpu.memref_slice %arg13[%dma_wait3A_338, %dma_wait3A_349, %dma_wait3A_350] : memref<2x128x128xf32, #tpu.memory_space<vmem>> -> memref<1x128x128xf32, #tpu.memory_space<vmem>>
    %dma_wait3A_352 = tpu.memref_squeeze %dma_wait3A_351 : memref<1x128x128xf32, #tpu.memory_space<vmem>> -> memref<128x128xf32, #tpu.memory_space<vmem>>
    tpu.wait_dma2 semaphore(%arg14 : memref<!tpu.dma_semaphore, #tpu.memory_space<semaphore_mem>>) src(%dma_wait3A_352 : memref<128x128xf32, #tpu.memory_space<vmem>>) dst(%dma_wait3A_348 : memref<128x128xf32, #tpu.memory_space<hbm>>)
    %mul3A_353 = arith.constant 640 : i32
    %mul3A_354 = arith.muli %arg1, %mul3A_353 : i32
    "tpu.region"() ({
      %run_scoped3A_357 = tpu.sem_alloc : memref<!tpu.dma_semaphore, #tpu.memory_space<semaphore_mem>>
      %dma_start3A_358 = tpu.memref_slice %arg18[%mul3A_354] : memref<10240xf32, #tpu.memory_space<vmem_shared>> -> memref<640xf32, #tpu.memory_space<vmem_shared>>
      %dma_start3A_359 = tpu.memref_slice %arg18[%mul3A_354] : memref<10240xf32, #tpu.memory_space<vmem_shared>> -> memref<640xf32, #tpu.memory_space<vmem_shared>>
      tpu.enqueue_dma source(%dma_start3A_359 : memref<640xf32, #tpu.memory_space<vmem_shared>>) target(%arg20 : memref<640xf32, #tpu.memory_space<vmem>>) target_semaphore(%run_scoped3A_357 : memref<!tpu.dma_semaphore, #tpu.memory_space<semaphore_mem>>)
      %dma_wait3A_360 = tpu.memref_slice %arg18[%mul3A_354] : memref<10240xf32, #tpu.memory_space<vmem_shared>> -> memref<640xf32, #tpu.memory_space<vmem_shared>>
      %dma_wait3A_361 = tpu.memref_slice %arg18[%mul3A_354] : memref<10240xf32, #tpu.memory_space<vmem_shared>> -> memref<640xf32, #tpu.memory_space<vmem_shared>>
      tpu.wait_dma2 semaphore(%run_scoped3A_357 : memref<!tpu.dma_semaphore, #tpu.memory_space<semaphore_mem>>) src(%dma_wait3A_361 : memref<640xf32, #tpu.memory_space<vmem_shared>>) dst(%arg20 : memref<640xf32, #tpu.memory_space<vmem>>)
      tpu.yield
    }) : () -> ()
    %mul3A_355 = arith.constant 640 : i32
    %mul3A_356 = arith.muli %arg1, %mul3A_355 : i32
    "tpu.region"() ({
      %run_scoped3A_357 = tpu.sem_alloc : memref<!tpu.dma_semaphore, #tpu.memory_space<semaphore_mem>>
      %dma_start3A_358 = tpu.memref_slice %arg9[%arg0, %mul3A_356] : memref<2x10240xf32, #tpu.memory_space<hbm>> -> memref<1x640xf32, #tpu.memory_space<hbm>>
      %dma_start3A_359 = tpu.memref_squeeze %dma_start3A_358 : memref<1x640xf32, #tpu.memory_space<hbm>> -> memref<640xf32, #tpu.memory_space<hbm>>
      %dma_start3A_360 = tpu.memref_slice %arg9[%arg0, %mul3A_356] : memref<2x10240xf32, #tpu.memory_space<hbm>> -> memref<1x640xf32, #tpu.memory_space<hbm>>
      %dma_start3A_361 = tpu.memref_squeeze %dma_start3A_360 : memref<1x640xf32, #tpu.memory_space<hbm>> -> memref<640xf32, #tpu.memory_space<hbm>>
      tpu.enqueue_dma source(%arg20 : memref<640xf32, #tpu.memory_space<vmem>>) target(%dma_start3A_361 : memref<640xf32, #tpu.memory_space<hbm>>) target_semaphore(%run_scoped3A_357 : memref<!tpu.dma_semaphore, #tpu.memory_space<semaphore_mem>>)
      %dma_wait3A_362 = tpu.memref_slice %arg9[%arg0, %mul3A_356] : memref<2x10240xf32, #tpu.memory_space<hbm>> -> memref<1x640xf32, #tpu.memory_space<hbm>>
      %dma_wait3A_363 = tpu.memref_squeeze %dma_wait3A_362 : memref<1x640xf32, #tpu.memory_space<hbm>> -> memref<640xf32, #tpu.memory_space<hbm>>
      %dma_wait3A_364 = tpu.memref_slice %arg9[%arg0, %mul3A_356] : memref<2x10240xf32, #tpu.memory_space<hbm>> -> memref<1x640xf32, #tpu.memory_space<hbm>>
      %dma_wait3A_365 = tpu.memref_squeeze %dma_wait3A_364 : memref<1x640xf32, #tpu.memory_space<hbm>> -> memref<640xf32, #tpu.memory_space<hbm>>
      tpu.wait_dma2 semaphore(%run_scoped3A_357 : memref<!tpu.dma_semaphore, #tpu.memory_space<semaphore_mem>>) src(%arg20 : memref<640xf32, #tpu.memory_space<vmem>>) dst(%dma_wait3A_365 : memref<640xf32, #tpu.memory_space<hbm>>)
      tpu.yield
    }) : () -> ()
    return
  }
}

module attributes {stable_mosaic.version = 14 : i64} {
  func.func @_tc1_body(%arg0: i32, %arg1: memref<2000x128xf32, #tpu.memory_space<vmem>>, %arg2: memref<128x128xf32, #tpu.memory_space<vmem>>, %arg3: memref<128x128xf32, #tpu.memory_space<vmem>>, %arg4: memref<1x128xf32, #tpu.memory_space<vmem>>, %arg5: memref<2000x128xf32, #tpu.memory_space<vmem>>, %arg6: memref<2000x128xf32, #tpu.memory_space<vmem>>) attributes {dimension_semantics = [#tpu.dimension_semantics<arbitrary>], iteration_bounds = array<i64: 5>, scalar_prefetch = 0 : i64, scratch_operands = 0 : i64, tpu.core_type = #tpu.core_type<tc>, window_params = [{transform_indices = @transform_0, window_bounds = array<i64: 2000, 128>}, {pipeline_mode = #tpu.pipeline_mode<synchronous>, transform_indices = @transform_1, window_bounds = array<i64: 128, 128>}, {pipeline_mode = #tpu.pipeline_mode<synchronous>, transform_indices = @transform_2, window_bounds = array<i64: 128, 128>}, {pipeline_mode = #tpu.pipeline_mode<synchronous>, transform_indices = @transform_3, window_bounds = array<i64: 1, 128>}, {transform_indices = @transform_4, window_bounds = array<i64: 2000, 128>}, {transform_indices = @transform_5, window_bounds = array<i64: 2000, 128>}]} {
    %get3A = arith.constant 0 : index
    %get3A_0 = arith.constant 0 : index
    %get3A_1 = vector.load %arg1[%get3A, %get3A_0] : memref<2000x128xf32, #tpu.memory_space<vmem>>, vector<2000x128xf32>
    %get3A_2 = arith.constant 0 : index
    %get3A_3 = arith.constant 0 : index
    %get3A_4 = vector.load %arg2[%get3A_2, %get3A_3] : memref<128x128xf32, #tpu.memory_space<vmem>>, vector<128x128xf32>
    %dot_general3A = arith.constant dense<0.000000e+00> : vector<2000x128xf32>
    %dot_general3A_5 = tpu.matmul %get3A_1, %get3A_4, %dot_general3A {dimension_numbers = #tpu.dot_dimension_numbers<[1], [1], [0], [0], [0, 0, 1, 0], [], []>, precision = #tpu.contract_precision<fp32>, transpose_lhs_hint = false} : vector<2000x128xf32>, vector<128x128xf32>, vector<2000x128xf32> -> vector<2000x128xf32>
    %swap3A = arith.constant 0 : index
    %swap3A_6 = arith.constant 0 : index
    %swap3A_7 = vector.load %arg5[%swap3A, %swap3A_6] : memref<2000x128xf32, #tpu.memory_space<vmem>>, vector<2000x128xf32>
    tpu.vector_store %arg5[%swap3A, %swap3A_6], %dot_general3A_5 {strides = array<i32>} : memref<2000x128xf32, #tpu.memory_space<vmem>>, vector<2000x128xf32>,
    %get3A_8 = arith.constant 0 : index
    %get3A_9 = arith.constant 0 : index
    %get3A_10 = vector.load %arg3[%get3A_8, %get3A_9] : memref<128x128xf32, #tpu.memory_space<vmem>>, vector<128x128xf32>
    %dot_general3A_11 = arith.constant dense<0.000000e+00> : vector<2000x128xf32>
    %dot_general3A_12 = tpu.matmul %get3A_1, %get3A_10, %dot_general3A_11 {dimension_numbers = #tpu.dot_dimension_numbers<[1], [1], [0], [0], [0, 0, 1, 0], [], []>, precision = #tpu.contract_precision<fp32>, transpose_lhs_hint = false} : vector<2000x128xf32>, vector<128x128xf32>, vector<2000x128xf32> -> vector<2000x128xf32>
    %get3A_13 = arith.constant 0 : index
    %get3A_14 = arith.constant 0 : index
    %get3A_15 = vector.load %arg4[%get3A_13, %get3A_14] : memref<1x128xf32, #tpu.memory_space<vmem>>, vector<1x128xf32>
    %add3A = vector.broadcast %get3A_15 : vector<1x128xf32> to vector<2000x128xf32>
    %add3A_16 = arith.addf %dot_general3A_12, %add3A : vector<2000x128xf32>
    %swap3A_17 = arith.constant 0 : index
    %swap3A_18 = arith.constant 0 : index
    %swap3A_19 = vector.load %arg6[%swap3A_17, %swap3A_18] : memref<2000x128xf32, #tpu.memory_space<vmem>>, vector<2000x128xf32>
    tpu.vector_store %arg6[%swap3A_17, %swap3A_18], %add3A_16 {strides = array<i32>} : memref<2000x128xf32, #tpu.memory_space<vmem>>, vector<2000x128xf32>,
    return
  }
  func.func @transform_0(%arg0: i32) -> (i32, i32) {
    %c0_i32 = arith.constant 0 : i32
    %c0_i32_0 = arith.constant 0 : i32
    return %arg0, %c0_i32 : i32, i32
  }
  func.func @transform_1(%arg0: i32) -> (i32, i32) {
    %c0_i32 = arith.constant 0 : i32
    %c0_i32_0 = arith.constant 0 : i32
    %c0_i32_1 = arith.constant 0 : i32
    return %c0_i32, %c0_i32_0 : i32, i32
  }
  func.func @transform_2(%arg0: i32) -> (i32, i32) {
    %c0_i32 = arith.constant 0 : i32
    %c0_i32_0 = arith.constant 0 : i32
    %c0_i32_1 = arith.constant 0 : i32
    return %c0_i32, %c0_i32_0 : i32, i32
  }
  func.func @transform_3(%arg0: i32) -> (i32, i32) {
    %c0_i32 = arith.constant 0 : i32
    %c0_i32_0 = arith.constant 0 : i32
    %c0_i32_1 = arith.constant 0 : i32
    return %c0_i32, %c0_i32_0 : i32, i32
  }
  func.func @transform_4(%arg0: i32) -> (i32, i32) {
    %c0_i32 = arith.constant 0 : i32
    %c0_i32_0 = arith.constant 0 : i32
    return %arg0, %c0_i32 : i32, i32
  }
  func.func @transform_5(%arg0: i32) -> (i32, i32) {
    %c0_i32 = arith.constant 0 : i32
    %c0_i32_0 = arith.constant 0 : i32
    return %arg0, %c0_i32 : i32, i32
  }
}

module attributes {stable_mosaic.version = 14 : i64} {
  func.func @_tc2_body(%arg0: i32, %arg1: memref<2x2000x128xf32, #tpu.memory_space<vmem>>, %arg2: memref<2000x2xf32, #tpu.memory_space<vmem>>, %arg3: memref<2000x128xf32, #tpu.memory_space<vmem>>, %arg4: memref<128x128xf32, #tpu.memory_space<vmem>>, %arg5: memref<128x128xf32, #tpu.memory_space<vmem>>, %arg6: memref<1x128xf32, #tpu.memory_space<vmem>>, %arg7: memref<2000x128xf32, #tpu.memory_space<vmem>>, %arg8: memref<2000x128xf32, #tpu.memory_space<vmem>>) attributes {dimension_semantics = [#tpu.dimension_semantics<arbitrary>], iteration_bounds = array<i64: 5>, scalar_prefetch = 0 : i64, scratch_operands = 0 : i64, tpu.core_type = #tpu.core_type<tc>, window_params = [{transform_indices = @transform_0, window_bounds = array<i64: 2, 2000, 128>}, {transform_indices = @transform_1, window_bounds = array<i64: 2000, 2>}, {transform_indices = @transform_2, window_bounds = array<i64: 2000, 128>}, {pipeline_mode = #tpu.pipeline_mode<synchronous>, transform_indices = @transform_3, window_bounds = array<i64: 128, 128>}, {pipeline_mode = #tpu.pipeline_mode<synchronous>, transform_indices = @transform_4, window_bounds = array<i64: 128, 128>}, {pipeline_mode = #tpu.pipeline_mode<synchronous>, transform_indices = @transform_5, window_bounds = array<i64: 1, 128>}, {transform_indices = @transform_6, window_bounds = array<i64: 2000, 128>}, {transform_indices = @transform_7, window_bounds = array<i64: 2000, 128>}]} {
    %get3A = arith.constant 0 : index
    %get3A_0 = arith.constant 0 : index
    %get3A_1 = vector.load %arg2[%get3A, %get3A_0] : memref<2000x2xf32, #tpu.memory_space<vmem>>, vector<2000x1xf32>
    %get3A_2 = vector.shape_cast %get3A_1 : vector<2000x1xf32> to vector<2000xf32>
    %get3A_3 = arith.constant 0 : index
    %get3A_4 = arith.constant 1 : index
    %get3A_5 = vector.load %arg2[%get3A_3, %get3A_4] : memref<2000x2xf32, #tpu.memory_space<vmem>>, vector<2000x1xf32>
    %get3A_6 = vector.shape_cast %get3A_5 : vector<2000x1xf32> to vector<2000xf32>
    %add3A = arith.addf %get3A_2, %get3A_6 : vector<2000xf32>
    %max3A = arith.constant 1.000000e+00 : f32
    %max3A_7 = vector.broadcast %max3A : f32 to vector<2000xf32>
    %max3A_8 = arith.maximumf %add3A, %max3A_7 : vector<2000xf32>
    %div3A = arith.constant 1.000000e+00 : f32
    %div3A_9 = vector.broadcast %div3A : f32 to vector<2000xf32>
    %div3A_10 = arith.divf %div3A_9, %max3A_8 : vector<2000xf32>
    %get3A_11 = arith.constant 0 : index
    %get3A_12 = arith.constant 0 : index
    %get3A_13 = arith.constant 0 : index
    %get3A_14 = vector.load %arg1[%get3A_11, %get3A_12, %get3A_13] : memref<2x2000x128xf32, #tpu.memory_space<vmem>>, vector<1x2000x128xf32>
    %get3A_15 = vector.shape_cast %get3A_14 : vector<1x2000x128xf32> to vector<2000x128xf32>
    %get3A_16 = arith.constant 1 : index
    %get3A_17 = arith.constant 0 : index
    %get3A_18 = arith.constant 0 : index
    %get3A_19 = vector.load %arg1[%get3A_16, %get3A_17, %get3A_18] : memref<2x2000x128xf32, #tpu.memory_space<vmem>>, vector<1x2000x128xf32>
    %get3A_20 = vector.shape_cast %get3A_19 : vector<1x2000x128xf32> to vector<2000x128xf32>
    %add3A_21 = arith.addf %get3A_15, %get3A_20 : vector<2000x128xf32>
    %broadcast_in_dim3A = vector.shape_cast %div3A_10 : vector<2000xf32> to vector<2000x1xf32>
    %mul3A = vector.broadcast %broadcast_in_dim3A : vector<2000x1xf32> to vector<2000x128xf32>
    %mul3A_22 = arith.mulf %add3A_21, %mul3A : vector<2000x128xf32>
    %get3A_23 = arith.constant 0 : index
    %get3A_24 = arith.constant 0 : index
    %get3A_25 = vector.load %arg3[%get3A_23, %get3A_24] : memref<2000x128xf32, #tpu.memory_space<vmem>>, vector<2000x128xf32>
    %add3A_26 = arith.addf %mul3A_22, %get3A_25 : vector<2000x128xf32>
    %max3A_27 = arith.constant 0.000000e+00 : f32
    %max3A_28 = vector.broadcast %max3A_27 : f32 to vector<2000x128xf32>
    %max3A_29 = arith.maximumf %add3A_26, %max3A_28 : vector<2000x128xf32>
    %get3A_30 = arith.constant 0 : index
    %get3A_31 = arith.constant 0 : index
    %get3A_32 = vector.load %arg4[%get3A_30, %get3A_31] : memref<128x128xf32, #tpu.memory_space<vmem>>, vector<128x128xf32>
    %dot_general3A = arith.constant dense<0.000000e+00> : vector<2000x128xf32>
    %dot_general3A_33 = tpu.matmul %max3A_29, %get3A_32, %dot_general3A {dimension_numbers = #tpu.dot_dimension_numbers<[1], [1], [0], [0], [0, 0, 1, 0], [], []>, precision = #tpu.contract_precision<fp32>, transpose_lhs_hint = false} : vector<2000x128xf32>, vector<128x128xf32>, vector<2000x128xf32> -> vector<2000x128xf32>
    %swap3A = arith.constant 0 : index
    %swap3A_34 = arith.constant 0 : index
    %swap3A_35 = vector.load %arg7[%swap3A, %swap3A_34] : memref<2000x128xf32, #tpu.memory_space<vmem>>, vector<2000x128xf32>
    tpu.vector_store %arg7[%swap3A, %swap3A_34], %dot_general3A_33 {strides = array<i32>} : memref<2000x128xf32, #tpu.memory_space<vmem>>, vector<2000x128xf32>,
    %get3A_36 = arith.constant 0 : index
    %get3A_37 = arith.constant 0 : index
    %get3A_38 = vector.load %arg5[%get3A_36, %get3A_37] : memref<128x128xf32, #tpu.memory_space<vmem>>, vector<128x128xf32>
    %dot_general3A_39 = arith.constant dense<0.000000e+00> : vector<2000x128xf32>
    %dot_general3A_40 = tpu.matmul %max3A_29, %get3A_38, %dot_general3A_39 {dimension_numbers = #tpu.dot_dimension_numbers<[1], [1], [0], [0], [0, 0, 1, 0], [], []>, precision = #tpu.contract_precision<fp32>, transpose_lhs_hint = false} : vector<2000x128xf32>, vector<128x128xf32>, vector<2000x128xf32> -> vector<2000x128xf32>
    %get3A_41 = arith.constant 0 : index
    %get3A_42 = arith.constant 0 : index
    %get3A_43 = vector.load %arg6[%get3A_41, %get3A_42] : memref<1x128xf32, #tpu.memory_space<vmem>>, vector<1x128xf32>
    %add3A_44 = vector.broadcast %get3A_43 : vector<1x128xf32> to vector<2000x128xf32>
    %add3A_45 = arith.addf %dot_general3A_40, %add3A_44 : vector<2000x128xf32>
    %swap3A_46 = arith.constant 0 : index
    %swap3A_47 = arith.constant 0 : index
    %swap3A_48 = vector.load %arg8[%swap3A_46, %swap3A_47] : memref<2000x128xf32, #tpu.memory_space<vmem>>, vector<2000x128xf32>
    tpu.vector_store %arg8[%swap3A_46, %swap3A_47], %add3A_45 {strides = array<i32>} : memref<2000x128xf32, #tpu.memory_space<vmem>>, vector<2000x128xf32>,
    return
  }
  func.func @transform_0(%arg0: i32) -> (i32, i32, i32) {
    %c0_i32 = arith.constant 0 : i32
    %c0_i32_0 = arith.constant 0 : i32
    %c0_i32_1 = arith.constant 0 : i32
    return %c0_i32, %arg0, %c0_i32_0 : i32, i32, i32
  }
  func.func @transform_1(%arg0: i32) -> (i32, i32) {
    %c0_i32 = arith.constant 0 : i32
    %c0_i32_0 = arith.constant 0 : i32
    return %arg0, %c0_i32 : i32, i32
  }
  func.func @transform_2(%arg0: i32) -> (i32, i32) {
    %c0_i32 = arith.constant 0 : i32
    %c0_i32_0 = arith.constant 0 : i32
    return %arg0, %c0_i32 : i32, i32
  }
  func.func @transform_3(%arg0: i32) -> (i32, i32) {
    %c0_i32 = arith.constant 0 : i32
    %c0_i32_0 = arith.constant 0 : i32
    %c0_i32_1 = arith.constant 0 : i32
    return %c0_i32, %c0_i32_0 : i32, i32
  }
  func.func @transform_4(%arg0: i32) -> (i32, i32) {
    %c0_i32 = arith.constant 0 : i32
    %c0_i32_0 = arith.constant 0 : i32
    %c0_i32_1 = arith.constant 0 : i32
    return %c0_i32, %c0_i32_0 : i32, i32
  }
  func.func @transform_5(%arg0: i32) -> (i32, i32) {
    %c0_i32 = arith.constant 0 : i32
    %c0_i32_0 = arith.constant 0 : i32
    %c0_i32_1 = arith.constant 0 : i32
    return %c0_i32, %c0_i32_0 : i32, i32
  }
  func.func @transform_6(%arg0: i32) -> (i32, i32) {
    %c0_i32 = arith.constant 0 : i32
    %c0_i32_0 = arith.constant 0 : i32
    return %arg0, %c0_i32 : i32, i32
  }
  func.func @transform_7(%arg0: i32) -> (i32, i32) {
    %c0_i32 = arith.constant 0 : i32
    %c0_i32_0 = arith.constant 0 : i32
    return %arg0, %c0_i32 : i32, i32
  }
}

module attributes {stable_mosaic.version = 14 : i64} {
  func.func @_tc3_body(%arg0: i32, %arg1: memref<2x2000x128xf32, #tpu.memory_space<vmem>>, %arg2: memref<2000x2xf32, #tpu.memory_space<vmem>>, %arg3: memref<2000x128xf32, #tpu.memory_space<vmem>>, %arg4: memref<128x128xf32, #tpu.memory_space<vmem>>, %arg5: memref<1x128xf32, #tpu.memory_space<vmem>>, %arg6: memref<2000x128xf32, #tpu.memory_space<vmem>>) attributes {dimension_semantics = [#tpu.dimension_semantics<arbitrary>], iteration_bounds = array<i64: 5>, scalar_prefetch = 0 : i64, scratch_operands = 0 : i64, tpu.core_type = #tpu.core_type<tc>, window_params = [{transform_indices = @transform_0, window_bounds = array<i64: 2, 2000, 128>}, {transform_indices = @transform_1, window_bounds = array<i64: 2000, 2>}, {transform_indices = @transform_2, window_bounds = array<i64: 2000, 128>}, {pipeline_mode = #tpu.pipeline_mode<synchronous>, transform_indices = @transform_3, window_bounds = array<i64: 128, 128>}, {pipeline_mode = #tpu.pipeline_mode<synchronous>, transform_indices = @transform_4, window_bounds = array<i64: 1, 128>}, {transform_indices = @transform_5, window_bounds = array<i64: 2000, 128>}]} {
    %get3A = arith.constant 0 : index
    %get3A_0 = arith.constant 0 : index
    %get3A_1 = vector.load %arg2[%get3A, %get3A_0] : memref<2000x2xf32, #tpu.memory_space<vmem>>, vector<2000x1xf32>
    %get3A_2 = vector.shape_cast %get3A_1 : vector<2000x1xf32> to vector<2000xf32>
    %get3A_3 = arith.constant 0 : index
    %get3A_4 = arith.constant 1 : index
    %get3A_5 = vector.load %arg2[%get3A_3, %get3A_4] : memref<2000x2xf32, #tpu.memory_space<vmem>>, vector<2000x1xf32>
    %get3A_6 = vector.shape_cast %get3A_5 : vector<2000x1xf32> to vector<2000xf32>
    %add3A = arith.addf %get3A_2, %get3A_6 : vector<2000xf32>
    %max3A = arith.constant 1.000000e+00 : f32
    %max3A_7 = vector.broadcast %max3A : f32 to vector<2000xf32>
    %max3A_8 = arith.maximumf %add3A, %max3A_7 : vector<2000xf32>
    %div3A = arith.constant 1.000000e+00 : f32
    %div3A_9 = vector.broadcast %div3A : f32 to vector<2000xf32>
    %div3A_10 = arith.divf %div3A_9, %max3A_8 : vector<2000xf32>
    %get3A_11 = arith.constant 0 : index
    %get3A_12 = arith.constant 0 : index
    %get3A_13 = arith.constant 0 : index
    %get3A_14 = vector.load %arg1[%get3A_11, %get3A_12, %get3A_13] : memref<2x2000x128xf32, #tpu.memory_space<vmem>>, vector<1x2000x128xf32>
    %get3A_15 = vector.shape_cast %get3A_14 : vector<1x2000x128xf32> to vector<2000x128xf32>
    %get3A_16 = arith.constant 1 : index
    %get3A_17 = arith.constant 0 : index
    %get3A_18 = arith.constant 0 : index
    %get3A_19 = vector.load %arg1[%get3A_16, %get3A_17, %get3A_18] : memref<2x2000x128xf32, #tpu.memory_space<vmem>>, vector<1x2000x128xf32>
    %get3A_20 = vector.shape_cast %get3A_19 : vector<1x2000x128xf32> to vector<2000x128xf32>
    %add3A_21 = arith.addf %get3A_15, %get3A_20 : vector<2000x128xf32>
    %broadcast_in_dim3A = vector.shape_cast %div3A_10 : vector<2000xf32> to vector<2000x1xf32>
    %mul3A = vector.broadcast %broadcast_in_dim3A : vector<2000x1xf32> to vector<2000x128xf32>
    %mul3A_22 = arith.mulf %add3A_21, %mul3A : vector<2000x128xf32>
    %get3A_23 = arith.constant 0 : index
    %get3A_24 = arith.constant 0 : index
    %get3A_25 = vector.load %arg3[%get3A_23, %get3A_24] : memref<2000x128xf32, #tpu.memory_space<vmem>>, vector<2000x128xf32>
    %add3A_26 = arith.addf %mul3A_22, %get3A_25 : vector<2000x128xf32>
    %max3A_27 = arith.constant 0.000000e+00 : f32
    %max3A_28 = vector.broadcast %max3A_27 : f32 to vector<2000x128xf32>
    %max3A_29 = arith.maximumf %add3A_26, %max3A_28 : vector<2000x128xf32>
    %get3A_30 = arith.constant 0 : index
    %get3A_31 = arith.constant 0 : index
    %get3A_32 = vector.load %arg4[%get3A_30, %get3A_31] : memref<128x128xf32, #tpu.memory_space<vmem>>, vector<128x128xf32>
    %dot_general3A = arith.constant dense<0.000000e+00> : vector<2000x128xf32>
    %dot_general3A_33 = tpu.matmul %max3A_29, %get3A_32, %dot_general3A {dimension_numbers = #tpu.dot_dimension_numbers<[1], [1], [0], [0], [0, 0, 1, 0], [], []>, precision = #tpu.contract_precision<fp32>, transpose_lhs_hint = false} : vector<2000x128xf32>, vector<128x128xf32>, vector<2000x128xf32> -> vector<2000x128xf32>
    %get3A_34 = arith.constant 0 : index
    %get3A_35 = arith.constant 0 : index
    %get3A_36 = vector.load %arg5[%get3A_34, %get3A_35] : memref<1x128xf32, #tpu.memory_space<vmem>>, vector<1x128xf32>
    %add3A_37 = vector.broadcast %get3A_36 : vector<1x128xf32> to vector<2000x128xf32>
    %add3A_38 = arith.addf %dot_general3A_33, %add3A_37 : vector<2000x128xf32>
    %neg3A = arith.constant 0.000000e+00 : f32
    %neg3A_39 = vector.broadcast %neg3A : f32 to vector<2000x128xf32>
    %neg3A_40 = arith.subf %neg3A_39, %add3A_38 : vector<2000x128xf32>
    %exp3A = math.exp %neg3A_40 : vector<2000x128xf32>
    %add3A_41 = arith.constant 1.000000e+00 : f32
    %add3A_42 = vector.broadcast %add3A_41 : f32 to vector<2000x128xf32>
    %add3A_43 = arith.addf %add3A_42, %exp3A : vector<2000x128xf32>
    %div3A_44 = arith.constant 1.000000e+00 : f32
    %div3A_45 = vector.broadcast %div3A_44 : f32 to vector<2000x128xf32>
    %div3A_46 = arith.divf %div3A_45, %add3A_43 : vector<2000x128xf32>
    %swap3A = arith.constant 0 : index
    %swap3A_47 = arith.constant 0 : index
    %swap3A_48 = vector.load %arg6[%swap3A, %swap3A_47] : memref<2000x128xf32, #tpu.memory_space<vmem>>, vector<2000x128xf32>
    tpu.vector_store %arg6[%swap3A, %swap3A_47], %div3A_46 {strides = array<i32>} : memref<2000x128xf32, #tpu.memory_space<vmem>>, vector<2000x128xf32>,
    return
  }
  func.func @transform_0(%arg0: i32) -> (i32, i32, i32) {
    %c0_i32 = arith.constant 0 : i32
    %c0_i32_0 = arith.constant 0 : i32
    %c0_i32_1 = arith.constant 0 : i32
    return %c0_i32, %arg0, %c0_i32_0 : i32, i32, i32
  }
  func.func @transform_1(%arg0: i32) -> (i32, i32) {
    %c0_i32 = arith.constant 0 : i32
    %c0_i32_0 = arith.constant 0 : i32
    return %arg0, %c0_i32 : i32, i32
  }
  func.func @transform_2(%arg0: i32) -> (i32, i32) {
    %c0_i32 = arith.constant 0 : i32
    %c0_i32_0 = arith.constant 0 : i32
    return %arg0, %c0_i32 : i32, i32
  }
  func.func @transform_3(%arg0: i32) -> (i32, i32) {
    %c0_i32 = arith.constant 0 : i32
    %c0_i32_0 = arith.constant 0 : i32
    %c0_i32_1 = arith.constant 0 : i32
    return %c0_i32, %c0_i32_0 : i32, i32
  }
  func.func @transform_4(%arg0: i32) -> (i32, i32) {
    %c0_i32 = arith.constant 0 : i32
    %c0_i32_0 = arith.constant 0 : i32
    %c0_i32_1 = arith.constant 0 : i32
    return %c0_i32, %c0_i32_0 : i32, i32
  }
  func.func @transform_5(%arg0: i32) -> (i32, i32) {
    %c0_i32 = arith.constant 0 : i32
    %c0_i32_0 = arith.constant 0 : i32
    return %arg0, %c0_i32 : i32, i32
  }
}

</mosaic_0001>

<sc_bundles>
// kernel: kernel.10.cloned.1.call-start
scs
__scs_entry_jumppad:
0x0: {  	(pc) =	sbr.rel $0x88, $3  }
0x1: {  	(tag) =	ssettag $0x0;
	lr =	simm.s32 $0x1  }
0x2: {  	[smem:$0x3F97] =	sst lr;
	_ =	strace $0xD0000000  }
0x3: {  	_ = 	snop  }
0x4: {  	_ = 	snop  }
0x5: {  	_ = 	snop  }
0x6: {  	_ = 	snop  }
0x7: {  	_ = 	snop  }
__scs_overlays_trampoline_lowered:
0x8: {  	[smem:$0x3FA6] =	sst s0  }
0x9: {  	[smem:$0x3FA7] =	sst s1  }
0xa: {  	[smem:$0x3FA8] =	sst s2  }
0xb: {  	[smem:$0x3FA9] =	sst s3  }
0xc: {  	[smem:$0x3FAA] =	sst s4  }
0xd: {  	[smem:$0x3FAB] =	sst s5  }
0xe: {  	[smem:$0x3FAC] =	sst s6  }
0xf: {  	[smem:$0x3FAD] =	sst s7  }
0x10: {  	[smem:$0x3FAE] =	sst s8  }
0x11: {  	[smem:$0x3FAF] =	sst s9;
	s0 =	simm.s32 @!p0 $0x0  }
0x12: {  	s1 =	sld [smem:$0x3F95];
	s0 =	simm.s32 @p0 $0x1  }
0x13: {  	[smem:$0x3FB0] =	sst s0;
	s0 =	simm.s32 @!p1 $0x0  }
0x14: {  	s2 =	sld [smem:$0x3F94];
	s0 =	simm.s32 @p1 $0x1  }
0x15: {  	[smem:$0x3FB1] =	sst s0;
	s0 =	simm.s32 @!p2 $0x0  }
0x16: {  	s3 =	sld [smem:$0x3FDB];
	s0 =	simm.s32 @p2 $0x1  }
0x17: {  	s4 =	simm.s32 $0x1BF5;
	[smem:$0x3FB3] =	sst s0  }
0x18: {  	s0 =	sld [smem:$0x3F96];
	_ =	swait.ge [sflag:s4], $0x0  }
0x19: {  	s7 =	sld [smem:$0x3F97]  }
0x1a: {  	s8 =	sadd.s32 $0xFFFFE003, lr  }
0x1b: {  	s9 =	sadd.s32 $0xFFFFFEF7, lr;
	s5 =	simm.s32 $0xFFFFFFFF;
	p2 =	slt.u32 s8, $0xFFFFF086  }
0x1c: {  	p1 =	slt.u32 s9, $0xF7A;
	s5 =	simm.s32 @!p2 $0x0  }
0x1d: {  	s5 =	simm.s32 @p1 $0x1;
	p0 =	seq.s32 s7, s2  }
0x1e: {  	s7 =	smul.u32 @!p0 $0xF7A, s2;
	p2 =	seq.s32 @!p0 s5, $0x0  }
0x1f: {  	s9 =	smul.u32 $0xF7A, s1;
	s8 =	simm.s32 @!p0 $0x1BF5;
	p2 =	por !p2, p0  }
0x20: {  	[sflag:s8] =	ssyncset.s32 @!p0 $0xFFFFF086;
	s6 =	sadd.s32 @!p0 s3, s7;
	s7 =	simm.s32 @!p0 $0x108  }
0x21: {  	s3 =	sadd.s32 s3, s9;
	s6 =	sadd.s32 @!p0 $0x88, s6;
	s7 =	simm.s32 @p2 $0x1082  }
0x22: {  	[simem:s7], [sflag:s8] =	dma.local @!p0 [hbm:s6], $0xF7A  }
0x23: {  	s9 =	sor.u32 $0xD0000000, s2;
	s6 =	simm.s32 $0x108;
	_ =	swait.ge @!p0 [sflag:s8], $0x0  }
0x24: {  	s3 =	sadd.s32 $0x88, s3;
	s6 =	simm.s32 @!p1 $0x1082;
	[sflag:s4] =	ssyncset.s32 $0xFFFFF086  }
0x25: {  	[simem:s6], [sflag:s4] =	dma.local [hbm:s3], $0xF7A  }
0x26: {  	[smem:$0x3F97] =	sst s1;
	(tag) =	ssettag s2;
	_ =	strace s9  }
0x27: {  	s1 =	sld [smem:$0x3FA7]  }
0x28: {  	s2 =	sld [smem:$0x3FA8]  }
0x29: {  	s4 =	sld [smem:$0x3FAA]  }
0x2a: {  	p0 =	seq.s32 s5, $0x0;
	s5 =	sld [smem:$0x3FAB]  }
0x2b: {  	s6 =	sld [smem:$0x3FAC]  }
0x2c: {  	s7 =	sld [smem:$0x3FAD]  }
0x2d: {  	s3 =	simm.s32 $0x108;
	s8 =	sld [smem:$0x3FAE]  }
0x2e: {  	s3 =	simm.s32 @!p0 $0x1082;
	s9 =	sld [smem:$0x3FAF]  }
0x2f: {  	lr =	sadd.s32 s0, s3;
	s0 =	sld [smem:$0x3FA6]  }
0x30: {  	s3 =	sld [smem:$0x3FA9]  }
0x31: {  	[smem:$0x3FB2] =	sst s10  }
0x32: {  	s10 =	sld [smem:$0x3FB0];
	_ =	sdelay $0x3  }
0x33: {  	p0 =	seq.s32 s10, $0x1;
	s10 =	sld [smem:$0x3FB2];
	_ =	sdelay $0x3  }
0x34: {  	[smem:$0x3FB2] =	sst s10  }
0x35: {  	s10 =	sld [smem:$0x3FB1];
	_ =	sdelay $0x3  }
0x36: {  	p1 =	seq.s32 s10, $0x1;
	s10 =	sld [smem:$0x3FB2];
	_ =	sdelay $0x3  }
0x37: {  	[smem:$0x3FB2] =	sst s10  }
0x38: {  	s10 =	sld [smem:$0x3FB3]  }
0x39: {  	_ = 	snop;
	(pc) =	sbr.ind lr, $3  }
0x3a: {  	_ = 	snop  }
0x3b: {  	_ = 	snop  }
0x3c: {  	p2 =	seq.s32 s10, $0x1;
	s10 =	sld [smem:$0x3FB2]  }
0x3d: {  	_ =	shalt  }
0x3e: {  	_ =	shalt  }
0x3f: {  	_ =	shalt  }
0x40: {  	_ =	shalt  }
0x41: {  	_ =	shalt  }
0x42: {  	_ =	shalt  }
0x43: {  	_ =	shalt  }
0x44: {  	_ =	shalt  }
0x45: {  	_ =	shalt  }
0x46: {  	_ =	shalt  }
0x47: {  	_ =	shalt  }
0x48: {  	_ =	shalt  }
0x49: {  	_ =	shalt  }
0x4a: {  	_ =	shalt  }
0x4b: {  	_ =	shalt  }
0x4c: {  	_ =	shalt  }
0x4d: {  	_ =	shalt  }
0x4e: {  	_ =	shalt  }
0x4f: {  	_ =	shalt  }
0x50: {  	_ =	shalt  }
0x51: {  	_ =	shalt  }
0x52: {  	_ =	shalt  }
0x53: {  	_ =	shalt  }
0x54: {  	_ =	shalt  }
0x55: {  	_ =	shalt  }
0x56: {  	_ =	shalt  }
0x57: {  	_ =	shalt  }
0x58: {  	_ =	shalt  }
0x59: {  	_ =	shalt  }
0x5a: {  	_ =	shalt  }
0x5b: {  	_ =	shalt  }
0x5c: {  	_ =	shalt  }
0x5d: {  	_ =	shalt  }
0x5e: {  	_ =	shalt  }
0x5f: {  	_ =	shalt  }
0x60: {  	_ =	shalt  }
0x61: {  	_ =	shalt  }
0x62: {  	_ =	shalt  }
0x63: {  	_ =	shalt  }
0x64: {  	_ =	shalt  }
0x65: {  	_ =	shalt  }
0x66: {  	_ =	shalt  }
0x67: {  	_ =	shalt  }
0x68: {  	_ =	shalt  }
0x69: {  	_ =	shalt  }
0x6a: {  	_ =	shalt  }
0x6b: {  	_ =	shalt  }
0x6c: {  	_ =	shalt  }
0x6d: {  	_ =	shalt  }
0x6e: {  	_ =	shalt  }
0x6f: {  	_ =	shalt  }
0x70: {  	_ =	shalt  }
0x71: {  	_ =	shalt  }
0x72: {  	_ =	shalt  }
0x73: {  	_ =	shalt  }
0x74: {  	_ =	shalt  }
0x75: {  	_ =	shalt  }
0x76: {  	_ =	shalt  }
0x77: {  	_ =	shalt  }
0x78: {  	_ =	shalt  }
0x79: {  	_ =	shalt  }
0x7a: {  	_ =	shalt  }
0x7b: {  	_ =	shalt  }
0x7c: {  	_ =	shalt  }
0x7d: {  	_ =	shalt  }
0x7e: {  	_ =	shalt  }
0x7f: {  	_ =	shalt  }
0x80: {  	_ =	shalt  }
0x81: {  	_ =	shalt  }
0x82: {  	_ =	shalt  }
0x83: {  	_ =	shalt  }
0x84: {  	_ =	shalt  }
0x85: {  	_ =	shalt  }
0x86: {  	_ =	shalt  }
0x87: {  	_ =	shalt  }
.Lfunc_end0:
.L_simem_size_0:
called_computation.1_lowered:
.L_overlay_start_0:
0x88: {  	s2 =	sld [smem:$0x3FD9]  }
0x89: {  	s3 =	sld [smem:$0x3FFE];
	_ =	sdelay $0x1  }
0x8a: {  	s1 =	srdreg.scid  }
0x8b: {  	s0 =	sand.u32 $0x1, s1  }
0x8c: {  	s17 =	sshll.u32 s0, $0xA;
	s2 =	sadd.s32 s3, s2  }
0x8d: {  	s2 =	sadd.s32 s2, s17  }
0x8e: {  	[smem:$0x3FBE] =	sst s2  }
0x8f: {  	_ = 	snop  }
0x90: {  	s2 =	sld [smem:$0x3FD0];
	(tm) =	ssettm $0x1  }
0x91: {  	s18 =	sld [smem:$0x3FFB];
	_ =	sdelay $0x3  }
0x92: {  	_ =	strace s18  }
0x93: {  	s3 =	sld [smem:$0x3FFC];
	_ =	sdelay $0x3  }
0x94: {  	_ =	strace s3  }
0x95: {  	s3 =	sld [smem:$0x3FFD];
	_ =	sdelay $0x3  }
0x96: {  	_ =	strace s3  }
0x97: {  	_ =	strace $0x8FFFFFFF  }
0x98: {  	s19 =	sld [smem:$0x3FDB];
	_ =	sdelay $0x1  }
0x99: {  	s4 =	simm.s32 $_scs_section_size  }
0x9a: {  	s5 =	simm.s32 $_size__tile_overlayer_lowered;
	s6 =	simm.s32 $_tile_overlayer_lowered  }
0x9b: {  	s22 =	simm.s32 $0x1BFF;
	s21 =	sshll.u32 s6, $0x1;
	s3 =	sadd.s32 s4, s19  }
0x9c: {  	s7 =	simm.s32 $0x0;
	s20 =	sshll.u32 s5, $0x1;
	s5 =	sadd.s32 s21, s3  }
0x9d: {  	[timem:s7], [sflag:s22] =	dma.local [hbm:s5], s20  }
0x9e: {  	_ =	swait.ge [sflag:s22], s20  }
0x9f: {  	s4 =	ssub.s32 $0x0, s20;
	[sflag:s22] =	ssyncset.done $0x0  }
0xa0: {  	[sflag:s22] =	ssyncadd.s32 s4;
	_ =	sdelay $0x1  }
0xa1: {  	s23 =	simm.s32 $0x1B8B  }
0xa2: {  	_ =	swait.ge [sflag:s23], $0x1  }
0xa3: {  	[sflag:s23] =	ssyncset.done $0x0  }
0xa4: {  	s25 =	simm.s32 $0x1B8E;
	s24 =	sld [smem:$0x3FFE];
	[sflag:s23] =	ssyncadd.s32 $0xFFFFFFFF  }
0xa5: {  	s26 =	simm.s32 $execute0_lowered;
	[smem:$0x3FD2] =	sst s25  }
0xa6: {  	s5 =	sshll.u32 s26, $0x1;
	_ =	strace $0x80000049;
	[dreg:$0x1] =	wrdreg $0xFFFFFFFF  }
0xa7: {  	s28 =	simm.s32 $_size_execute0_lowered;
	s3 =	sadd.s32 s3, s5;
	[dreg:$0x0] =	wrdreg $0x0  }
0xa8: {  	s5 =	sshll.u32 s28, $0x1;
	[dreg:$0x2] =	wrdreg s3  }
0xa9: {  	[dreg:$0x3] =	wrdreg s5  }
0xaa: {  	[dreg:$0x4] =	wrdreg $0xC0  }
0xab: {  	_ =	task [dreg:s7], $0x5FFFF  }
0xac: {  	[dreg:$0x1] =	wrdreg $0xFFFFFFFF  }
0xad: {  	[dreg:$0x0] =	wrdreg $0x60  }
0xae: {  	[dreg:$0x2] =	wrdreg s2  }
0xaf: {  	[dreg:$0x3] =	wrdreg s24  }
0xb0: {  	[dreg:$0x4] =	wrdreg $0x0  }
0xb1: {  	[dreg:$0x5] =	wrdreg $0x9  }
0xb2: {  	_ =	task.clear_ibuf [dreg:s7], $0x6FFFF;
	_ =	strace $0x90000049  }
0xb3: {  	s29 =	simm.s32 $0x9;
	_ =	strace $0x8000004B  }
0xb4: {  	_ =	swait.ge [sflag:s29], $0x1  }
0xb5: {  	[sflag:s29] =	ssyncadd.s32 $0xFFFFFFFF  }
0xb6: {  	_ =	strace $0x9000004B  }
0xb7: {  	_ =	sfence  }
0xb8: {  	s30 =	sld [smem:$0x0];
	_ =	sdelay $0x2  }
0xb9: {  	s31 =	sshll.u32 s1, $0xD;
	s1 =	sshrl.u32 s1, $0x2  }
0xba: {  	s3 =	sand.u32 $0x4000, s31;
	s1 =	sadd.s32 s1, s30  }
0xbb: {  	s0 =	sor.u32 s3, s0;
	s1 =	sshll.u32 s1, $0x11  }
0xbc: {  	s0 =	sor.u32 s1, s0  }
0xbd: {  	s0 =	sadd.s32 $0x8F2B, s0  }
0xbe: {  	[sflag:s0] =	ssyncadd.remote.s32 $0x1  }
0xbf: {  	_ =	sfence.sel $0xFFFF  }
0xc0: {  	[dreg:$0x0] =	wrdreg $0xFFFFFFFF;
	(pc) =	sbr.abs _section_cstart, $3  }
0xc1: {  	[dreg:$0x1] =	wrdreg $0xFFFFFFFF  }
0xc2: {  	_ =	task.clear_ibuf [dreg:s7], $0x2FFFF;
	_ =	strace $0x9FFFFFFF  }
0xc3: {  	(tm) =	ssettm $0x7FFFFFFF  }
tec
execute0_lowered:
.L_overlay_start_1:
0x0: {  	(tag) =	ssettag $0x1  }
0x1: {  	s1 =	rddreg [dreg:$0x0]  }
0x2: {  	s0 =	rddreg [dreg:$0x1]  }
0x3: {  	s2 =	rddreg [dreg:$0x2];
	s3 =	simm.s32 $0x0;
	s4 =	srdreg.scid  }
0x4: {  	s11 =	stileid.u32;
	s20 =	simm.s32 $0x14200;
	s21 =	simm.s32 $0x5  }
0x5: {  	s22 =	simm.s32 $0x3;
	s23 =	simm.s32 $0x4;
	s28 =	simm.s32 $0x14180  }
0x6: {  	s29 =	simm.s32 $0x80;
	s30 =	simm.s32 $0x18200;
	s31 =	simm.s32 $0x1  }
0x7: {  	[smem:$0x7FF] =	sst s3;
	s5 =	sadd.s32 $0xC000, s0;
	s4 =	sand.u32 $0x1, s4  }
0x8: {  	s6 =	sadd.s32 $0x2000, s0;
	s8 =	smul.u32 $0x50000, s11;
	s9 =	sadd.s32 $0x16400, s0  }
0x9: {  	s0 =	sadd.s32 $0x16C00, s0;
	s12 =	smul.u32 $0x14000, s11;
	_ =	strace $0x8000004A  }
0xa: {  	s7 =	ssub.s32 $0x2, s4;
	[dreg:$0x4] =	wrdreg s9;
	s10 =	sshll.u32 s4, $0x4  }
0xb: {  	s4 =	smul.u32 $0x140000, s4;
	s24 =	sshrl.u32 s7, $0x1;
	s8 =	sshrl.u32 s8, $0x2  }
0xc: {  	s13 =	sor.u32 s11, s10;
	s14 =	sadd.s32 $0x4000, s12;
	s15 =	sadd.s32 $0x8000, s12  }
0xd: {  	s16 =	sadd.s32 $0xC000, s12;
	s17 =	sadd.s32 $0x10000, s12;
	s7 =	ssub.s32 s7, s24  }
0xe: {  	s8 =	sadd.s32 s8, s2;
	s9 =	sadd.s32 s14, s2;
	s10 =	sadd.s32 s15, s2  }
0xf: {  	s11 =	sadd.s32 s16, s2;
	s18 =	sadd.s32 s12, s4;
	s12 =	sadd.s32 s17, s2  }
0x10: {  	s14 =	sadd.s32 s4, s14;
	s13 =	smul.u32 $0x2800, s13;
	s25 =	sadd.s32 s4, s15  }
0x11: {  	s26 =	sadd.s32 s4, s16;
	s4 =	sadd.s32 s4, s17;
	s24 =	simm.s32 $0x14000  }
0x12: {  	s18 =	sshrl.u32 s18, $0x3;
	s14 =	sshrl.u32 s14, $0x3;
	s15 =	sshrl.u32 s26, $0x3  }
0x13: {  	s4 =	sshrl.u32 s4, $0x3;
	s19 =	smax.u32 s7, $0x1;
	s18 =	sadd.s32 s0, s18  }
0x14: {  	s26 =	simm.s32 $0x14080;
	s14 =	sadd.s32 s0, s14;
	[dreg:$0x5] =	wrdreg s18  }
0x15: {  	s17 =	sadd.s32 s0, s15;
	[dreg:$0x6] =	wrdreg s14;
	s14 =	sshrl.u32 s25, $0x3  }
0x16: {  	s18 =	sadd.s32 s0, s4;
	s25 =	simm.s32 $0x14100;
	s14 =	sadd.s32 s0, s14  }
0x17: {  	s4 =	simm.s32 $0x0;
	s0 =	simm.s32 $0x2;
	[dreg:$0x7] =	wrdreg s14  }
.LBB2_1:
0x18: {  	s7 =	rddreg [dreg:$0x4]  }
0x19: {  	[tilespmem:s20], [sflag:$0x5] =	stream.linear.gather [hbm4b:s7+s3], $0x4000, $0x38;
	[tilespmem:$0x1C200] =	vst v63  }
0x1a: {  	_ =	swait.ge [sflag:s21], $0x4000  }
0x1b: {  	[sflag:s21] =	ssyncset.done $0x0  }
0x1c: {  	[sflag:s21] =	ssyncadd.s32 $0xFFFFC000  }
0x1d: {  	[spmem:s8] =	stream.linear.scatter [tilespmem:s20], [sflag:$0x3], $0x4000, $0x38;
	[tilespmem:$0x1C200] =	vst v63  }
0x1e: {  	_ = 	snop  }
0x1f: {  	[spmem:s9] =	stream.linear.scatter [tilespmem:s20], [sflag:$0x4], $0x4000, $0x38;
	[tilespmem:$0x1C200] =	vst v63  }
0x20: {  	_ = 	snop  }
0x21: {  	[spmem:s10] =	stream.linear.scatter [tilespmem:s20], [sflag:$0x3], $0x4000, $0x38;
	[tilespmem:$0x1C200] =	vst v63  }
0x22: {  	_ = 	snop  }
0x23: {  	[spmem:s11] =	stream.linear.scatter [tilespmem:s20], [sflag:$0x4], $0x4000, $0x38;
	[tilespmem:$0x1C200] =	vst v63  }
0x24: {  	_ = 	snop  }
0x25: {  	[spmem:s12] =	stream.linear.scatter [tilespmem:s20], [sflag:$0x3], $0x4000, $0x38;
	[tilespmem:$0x1C200] =	vst v63  }
0x26: {  	_ =	swait.ge [sflag:s22], $0x4000  }
0x27: {  	[sflag:s22] =	ssyncset.done $0x0  }
0x28: {  	[sflag:s22] =	ssyncadd.s32 $0xFFFFC000  }
0x29: {  	_ =	swait.ge [sflag:s23], $0x4000  }
0x2a: {  	[sflag:s23] =	ssyncset.done $0x0  }
0x2b: {  	[sflag:s23] =	ssyncadd.s32 $0xFFFFC000  }
0x2c: {  	_ =	swait.ge [sflag:s22], $0x4000  }
0x2d: {  	[sflag:s22] =	ssyncset.done $0x0  }
0x2e: {  	[sflag:s22] =	ssyncadd.s32 $0xFFFFC000  }
0x2f: {  	_ =	swait.ge [sflag:s23], $0x4000  }
0x30: {  	[sflag:s23] =	ssyncset.done $0x0  }
0x31: {  	s15 =	sand.u32 $0x3C00, s3;
	[sflag:s23] =	ssyncadd.s32 $0xFFFFC000  }
0x32: {  	s14 =	sand.u32 $0x300, s3;
	s7 =	sadd.s32 s13, s15;
	_ =	swait.ge [sflag:s22], $0x4000  }
0x33: {  	s7 =	sor.u32 s14, s7;
	[sflag:s22] =	ssyncset.done $0x0  }
0x34: {  	s7 =	sshrl.u32 s7, $0x3;
	[sflag:s22] =	ssyncadd.s32 $0xFFFFC000  }
0x35: {  	s16 =	sadd.s32 s5, s7;
	[bflag:$0x0] =	sbarrier.arrive $0xFFFF  }
0x36: {  	[tilespmem:s24], [sflag:$0x5] =	stream.linear.gather [hbm4b:s16+s3], $0x80, $0x38;
	[tilespmem:$0x1C200] =	vst v63  }
0x37: {  	_ =	swait.ge [sflag:s21], $0x80  }
0x38: {  	[sflag:s21] =	ssyncset.done $0x0  }
0x39: {  	s15 =	sadd.s32 s6, s7;
	[sflag:s21] =	ssyncadd.s32 $0xFFFFFF80  }
0x3a: {  	[tilespmem:s25], [sflag:$0x5] =	stream.linear.gather [hbm4b:s15+s3], $0x80, $0x38;
	[tilespmem:$0x1C200] =	vst v63  }
0x3b: {  	_ =	swait.ge [sflag:s21], $0x80  }
0x3c: {  	s7 =	sor.u32 $0x10, s7;
	[sflag:s21] =	ssyncset.done $0x0  }
0x3d: {  	s16 =	sadd.s32 s5, s7;
	[sflag:s21] =	ssyncadd.s32 $0xFFFFFF80  }
0x3e: {  	[tilespmem:s26], [sflag:$0x5] =	stream.linear.gather [hbm4b:s16+s3], $0x80, $0x38;
	[tilespmem:$0x1C200] =	vst v63  }
0x3f: {  	_ =	swait.ge [sflag:s21], $0x80  }
0x40: {  	[sflag:s21] =	ssyncset.done $0x0  }
0x41: {  	s7 =	sadd.s32 s6, s7;
	[sflag:s21] =	ssyncadd.s32 $0xFFFFFF80  }
0x42: {  	[tilespmem:s28], [sflag:$0x5] =	stream.linear.gather [hbm4b:s7+s3], $0x80, $0x38;
	[tilespmem:$0x1C200] =	vst v63  }
0x43: {  	_ =	swait.ge [sflag:s21], $0x80  }
0x44: {  	[sflag:s21] =	ssyncset.done $0x0  }
0x45: {  	[sflag:s21] =	ssyncadd.s32 $0xFFFFFF80  }
0x46: {  	[tilespmem:s20], [sflag:$0x1] =	stream.indirect.gather [hbm4b:s1+s29], $0x80, s24, s29, $0xb8;
	[tilespmem:$0x1C200] =	vst v63  }
0x47: {  	_ = 	snop  }
0x48: {  	[tilespmem:s30], [sflag:$0x2] =	stream.indirect.gather [hbm4b:s1+s29], $0x80, s26, s29, $0xb8;
	[tilespmem:$0x1C200] =	vst v63  }
0x49: {  	_ =	swait.ge [sflag:s31], $0x4000  }
0x4a: {  	[sflag:s31] =	ssyncset.done $0x0  }
0x4b: {  	[sflag:s31] =	ssyncadd.s32 $0xFFFFC000  }
0x4c: {  	[spmem:s2] =	stream.indirect.scatter.add.f32 [tilespmem:s20], [sflag:$0x5], $0x80, s25, s29, $0xb8;
	[tilespmem:$0x1C200] =	vst v63  }
0x4d: {  	_ =	swait.ge [sflag:s21], $0x4000  }
0x4e: {  	s15 =	simm.s32 $0x100;
	[sflag:s21] =	ssyncset.done $0x0  }
0x4f: {  	s16 =	sand.u32 $0x3C00, s15;
	[sflag:s21] =	ssyncadd.s32 $0xFFFFC000  }
0x50: {  	s14 =	sadd.s32 s13, s16;
	s7 =	sand.u32 $0x300, s15;
	_ =	swait.ge [sflag:s0], $0x4000  }
0x51: {  	s14 =	sor.u32 s7, s14;
	[sflag:s0] =	ssyncset.done $0x0  }
0x52: {  	s7 =	simm.s32 $0x200;
	s15 =	sshrl.u32 s14, $0x3;
	[sflag:s0] =	ssyncadd.s32 $0xFFFFC000  }
.LBB2_2:
0x53: {  	[spmem:s2] =	stream.indirect.scatter.add.f32 [tilespmem:s30], [sflag:$0x5], $0x80, s28, s29, $0xb8;
	[tilespmem:$0x1C200] =	vst v63  }
0x54: {  	s14 =	smov.u32 s7  }
0x55: {  	p0 =	sne.s32 s7, $0x2700;
	s7 =	sadd.s32 $0x100, s7;
	_ =	swait.ge [sflag:s21], $0x4000  }
0x56: {  	[sflag:s21] =	ssyncset.done $0x0  }
0x57: {  	s16 =	sadd.s32 s5, s15;
	[sflag:s21] =	ssyncadd.s32 $0xFFFFC000  }
0x58: {  	[tilespmem:s24], [sflag:$0x5] =	stream.linear.gather [hbm4b:s16+s3], $0x80, $0x38;
	[tilespmem:$0x1C200] =	vst v63  }
0x59: {  	_ =	swait.ge [sflag:s21], $0x80  }
0x5a: {  	[sflag:s21] =	ssyncset.done $0x0  }
0x5b: {  	s16 =	sadd.s32 s6, s15;
	[sflag:s21] =	ssyncadd.s32 $0xFFFFFF80  }
0x5c: {  	[tilespmem:s25], [sflag:$0x5] =	stream.linear.gather [hbm4b:s16+s3], $0x80, $0x38;
	[tilespmem:$0x1C200] =	vst v63  }
0x5d: {  	_ =	swait.ge [sflag:s21], $0x80  }
0x5e: {  	s15 =	sor.u32 $0x10, s15;
	[sflag:s21] =	ssyncset.done $0x0  }
0x5f: {  	s16 =	sadd.s32 s5, s15;
	[sflag:s21] =	ssyncadd.s32 $0xFFFFFF80  }
0x60: {  	[tilespmem:s26], [sflag:$0x5] =	stream.linear.gather [hbm4b:s16+s3], $0x80, $0x38;
	[tilespmem:$0x1C200] =	vst v63  }
0x61: {  	_ =	swait.ge [sflag:s21], $0x80  }
0x62: {  	[sflag:s21] =	ssyncset.done $0x0  }
0x63: {  	s15 =	sadd.s32 s6, s15;
	[sflag:s21] =	ssyncadd.s32 $0xFFFFFF80  }
0x64: {  	[tilespmem:s28], [sflag:$0x5] =	stream.linear.gather [hbm4b:s15+s3], $0x80, $0x38;
	[tilespmem:$0x1C200] =	vst v63  }
0x65: {  	_ =	swait.ge [sflag:s21], $0x80  }
0x66: {  	[sflag:s21] =	ssyncset.done $0x0  }
0x67: {  	[sflag:s21] =	ssyncadd.s32 $0xFFFFFF80  }
0x68: {  	[tilespmem:s20], [sflag:$0x1] =	stream.indirect.gather [hbm4b:s1+s29], $0x80, s24, s29, $0xb8;
	[tilespmem:$0x1C200] =	vst v63  }
0x69: {  	_ = 	snop  }
0x6a: {  	[tilespmem:s30], [sflag:$0x2] =	stream.indirect.gather [hbm4b:s1+s29], $0x80, s26, s29, $0xb8;
	[tilespmem:$0x1C200] =	vst v63  }
0x6b: {  	_ =	swait.ge [sflag:s31], $0x4000  }
0x6c: {  	[sflag:s31] =	ssyncset.done $0x0  }
0x6d: {  	[sflag:s31] =	ssyncadd.s32 $0xFFFFC000  }
0x6e: {  	[spmem:s2] =	stream.indirect.scatter.add.f32 [tilespmem:s20], [sflag:$0x5], $0x80, s25, s29, $0xb8;
	[tilespmem:$0x1C200] =	vst v63  }
0x6f: {  	_ =	swait.ge [sflag:s21], $0x4000  }
.Ltmp0:
0x70: {  	[sflag:s21] =	ssyncset.done $0x0;
	(pc) =	sbr.rel @p0 .LBB2_2-.Ltmp0, $4  }
0x71: {  	s15 =	sand.u32 $0x3C00, s14;
	[sflag:s21] =	ssyncadd.s32 $0xFFFFC000  }
0x72: {  	s14 =	sand.u32 $0x300, s14;
	s15 =	sadd.s32 s13, s15;
	_ =	swait.ge [sflag:s0], $0x4000  }
0x73: {  	s14 =	sor.u32 s14, s15;
	[sflag:s0] =	ssyncset.done $0x0  }
0x74: {  	s15 =	sshrl.u32 s14, $0x3;
	[sflag:s0] =	ssyncadd.s32 $0xFFFFC000  }
0x75: {  	[spmem:s2] =	stream.indirect.scatter.add.f32 [tilespmem:s30], [sflag:$0x5], $0x80, s28, s29, $0xb8;
	[tilespmem:$0x1C200] =	vst v63  }
0x76: {  	_ =	swait.ge [sflag:s21], $0x4000  }
0x77: {  	[sflag:s21] =	ssyncset.done $0x0  }
0x78: {  	s7 =	sadd.s32 s5, s15;
	[sflag:s21] =	ssyncadd.s32 $0xFFFFC000  }
0x79: {  	[tilespmem:s24], [sflag:$0x5] =	stream.linear.gather [hbm4b:s7+s3], $0x80, $0x38;
	[tilespmem:$0x1C200] =	vst v63  }
0x7a: {  	_ =	swait.ge [sflag:s21], $0x80  }
0x7b: {  	[sflag:s21] =	ssyncset.done $0x0  }
0x7c: {  	s14 =	sadd.s32 s6, s15;
	[sflag:s21] =	ssyncadd.s32 $0xFFFFFF80  }
0x7d: {  	[tilespmem:s25], [sflag:$0x5] =	stream.linear.gather [hbm4b:s14+s3], $0x80, $0x38;
	[tilespmem:$0x1C200] =	vst v63  }
0x7e: {  	_ =	swait.ge [sflag:s21], $0x80  }
0x7f: {  	s16 =	sor.u32 $0x10, s15;
	[sflag:s21] =	ssyncset.done $0x0  }
0x80: {  	s14 =	sadd.s32 s5, s16;
	[sflag:s21] =	ssyncadd.s32 $0xFFFFFF80  }
0x81: {  	[tilespmem:s26], [sflag:$0x5] =	stream.linear.gather [hbm4b:s14+s3], $0x80, $0x38;
	[tilespmem:$0x1C200] =	vst v63  }
0x82: {  	_ =	swait.ge [sflag:s21], $0x80  }
0x83: {  	[sflag:s21] =	ssyncset.done $0x0  }
0x84: {  	s7 =	sadd.s32 s6, s16;
	[sflag:s21] =	ssyncadd.s32 $0xFFFFFF80  }
0x85: {  	[tilespmem:s28], [sflag:$0x5] =	stream.linear.gather [hbm4b:s7+s3], $0x80, $0x38;
	[tilespmem:$0x1C200] =	vst v63  }
0x86: {  	_ =	swait.ge [sflag:s21], $0x80  }
0x87: {  	[sflag:s21] =	ssyncset.done $0x0  }
0x88: {  	[sflag:s21] =	ssyncadd.s32 $0xFFFFFF80  }
0x89: {  	[tilespmem:s20], [sflag:$0x1] =	stream.indirect.gather [hbm4b:s1+s29], $0x80, s24, s29, $0xb8;
	[tilespmem:$0x1C200] =	vst v63  }
0x8a: {  	_ = 	snop  }
0x8b: {  	[tilespmem:s30], [sflag:$0x2] =	stream.indirect.gather [hbm4b:s1+s29], $0x80, s26, s29, $0xb8;
	[tilespmem:$0x1C200] =	vst v63  }
0x8c: {  	_ =	swait.ge [sflag:s31], $0x4000  }
0x8d: {  	[sflag:s31] =	ssyncset.done $0x0  }
0x8e: {  	[sflag:s31] =	ssyncadd.s32 $0xFFFFC000  }
0x8f: {  	[spmem:s2] =	stream.indirect.scatter.add.f32 [tilespmem:s20], [sflag:$0x5], $0x80, s25, s29, $0xb8;
	[tilespmem:$0x1C200] =	vst v63  }
0x90: {  	_ =	swait.ge [sflag:s21], $0x4000  }
0x91: {  	[sflag:s21] =	ssyncset.done $0x0  }
0x92: {  	[sflag:s21] =	ssyncadd.s32 $0xFFFFC000  }
0x93: {  	_ =	swait.ge [sflag:s0], $0x4000  }
0x94: {  	[sflag:s0] =	ssyncset.done $0x0  }
0x95: {  	[sflag:s0] =	ssyncadd.s32 $0xFFFFC000  }
0x96: {  	[spmem:s2] =	stream.indirect.scatter.add.f32 [tilespmem:s30], [sflag:$0x5], $0x80, s28, s29, $0xb8;
	[tilespmem:$0x1C200] =	vst v63  }
0x97: {  	_ =	swait.ge [sflag:s21], $0x4000  }
0x98: {  	[sflag:s21] =	ssyncset.done $0x0  }
0x99: {  	[sflag:s21] =	ssyncadd.s32 $0xFFFFC000  }
0x9a: {  	[bflag:$0x0] =	sbarrier.arrive $0xFFFF  }
0x9b: {  	[tilespmem:s20], [sflag:$0x5] =	stream.linear.gather [spmem:s8], $0x4000, $0x38;
	[tilespmem:$0x1C200] =	vst v63  }
0x9c: {  	_ =	swait.ge [sflag:s21], $0x4000  }
0x9d: {  	[sflag:s21] =	ssyncset.done $0x0  }
0x9e: {  	s14 =	rddreg [dreg:$0x5];
	[sflag:s21] =	ssyncadd.s32 $0xFFFFC000  }
0x9f: {  	[hbm4b:s14+s3] =	stream.linear.scatter [tilespmem:s20], [sflag:$0x1], $0x4000, $0x38;
	[tilespmem:$0x1C200] =	vst v63  }
0xa0: {  	_ = 	snop  }
0xa1: {  	[tilespmem:s30], [sflag:$0x5] =	stream.linear.gather [spmem:s9], $0x4000, $0x38;
	[tilespmem:$0x1C200] =	vst v63  }
0xa2: {  	_ =	swait.ge [sflag:s21], $0x4000  }
0xa3: {  	[sflag:s21] =	ssyncset.done $0x0  }
0xa4: {  	s15 =	rddreg [dreg:$0x6];
	[sflag:s21] =	ssyncadd.s32 $0xFFFFC000  }
0xa5: {  	[hbm4b:s15+s3] =	stream.linear.scatter [tilespmem:s30], [sflag:$0x2], $0x4000, $0x38;
	[tilespmem:$0x1C200] =	vst v63  }
0xa6: {  	_ =	swait.ge [sflag:s31], $0x4000  }
0xa7: {  	[sflag:s31] =	ssyncset.done $0x0  }
0xa8: {  	[sflag:s31] =	ssyncadd.s32 $0xFFFFC000  }
0xa9: {  	[tilespmem:s20], [sflag:$0x5] =	stream.linear.gather [spmem:s10], $0x4000, $0x38;
	[tilespmem:$0x1C200] =	vst v63  }
0xaa: {  	_ =	swait.ge [sflag:s21], $0x4000  }
0xab: {  	[sflag:s21] =	ssyncset.done $0x0  }
0xac: {  	s16 =	rddreg [dreg:$0x7];
	[sflag:s21] =	ssyncadd.s32 $0xFFFFC000  }
0xad: {  	[hbm4b:s16+s3] =	stream.linear.scatter [tilespmem:s20], [sflag:$0x1], $0x4000, $0x38;
	[tilespmem:$0x1C200] =	vst v63  }
0xae: {  	_ =	swait.ge [sflag:s0], $0x4000  }
0xaf: {  	[sflag:s0] =	ssyncset.done $0x0  }
0xb0: {  	[sflag:s0] =	ssyncadd.s32 $0xFFFFC000  }
0xb1: {  	[tilespmem:s30], [sflag:$0x5] =	stream.linear.gather [spmem:s11], $0x4000, $0x38;
	[tilespmem:$0x1C200] =	vst v63  }
0xb2: {  	_ =	swait.ge [sflag:s21], $0x4000  }
0xb3: {  	[sflag:s21] =	ssyncset.done $0x0  }
0xb4: {  	[sflag:s21] =	ssyncadd.s32 $0xFFFFC000  }
0xb5: {  	[hbm4b:s17+s3] =	stream.linear.scatter [tilespmem:s30], [sflag:$0x2], $0x4000, $0x38;
	[tilespmem:$0x1C200] =	vst v63  }
0xb6: {  	_ =	swait.ge [sflag:s31], $0x4000  }
0xb7: {  	[sflag:s31] =	ssyncset.done $0x0  }
0xb8: {  	[sflag:s31] =	ssyncadd.s32 $0xFFFFC000  }
0xb9: {  	[tilespmem:s20], [sflag:$0x5] =	stream.linear.gather [spmem:s12], $0x4000, $0x38;
	[tilespmem:$0x1C200] =	vst v63  }
0xba: {  	_ =	swait.ge [sflag:s21], $0x4000  }
0xbb: {  	[sflag:s21] =	ssyncset.done $0x0  }
0xbc: {  	s4 =	sadd.s32 $0x1, s4;
	[sflag:s21] =	ssyncadd.s32 $0xFFFFC000  }
0xbd: {  	[hbm4b:s18+s3] =	stream.linear.scatter [tilespmem:s20], [sflag:$0x1], $0x4000, $0x38;
	[tilespmem:$0x1C200] =	vst v63  }
0xbe: {  	p0 =	sne.s32 s4, s19;
	_ =	swait.ge [sflag:s0], $0x4000  }
.Ltmp1:
0xbf: {  	[sflag:s0] =	ssyncset.done $0x0;
	(pc) =	sbr.rel @p0 .LBB2_1-.Ltmp1, $4  }
0xc0: {  	[sflag:s0] =	ssyncadd.s32 $0xFFFFC000  }
0xc1: {  	_ =	swait.ge [sflag:s31], $0x4000  }
0xc2: {  	[sflag:s31] =	ssyncset.done $0x0  }
0xc3: {  	[sflag:s31] =	ssyncadd.s32 $0xFFFFC000  }
0xc4: {  	_ =	sfence.sel $0x180000  }
0xc5: {  	[bflag:$0x0] =	sbarrier.arrive $0xFFFF  }
0xc6: {  	_ =	strace $0x9000004A  }
0xc7: {  	s0 =	stileid.u32;
	[bflag:$0x2] =	sbarrier.arrive $0xFFFF  }
0xc8: {  	p0 =	sne.s32 s0, $0x0;
	s0 =	rddreg [dreg:$0x3]  }
0xc9: {  	s0 =	sadd.s32 @!p0 $0x100000, s0  }
0xca: {  	[sflag:s0] =	ssyncadd.tile.s32 @!p0 $0x1;
	_ =	shalt  }
.Lfunc_end2:
_tile_overlayer_lowered:
.L_overlay_start_2:
0xcb: {  	(tag) =	ssettag $0x2  }
0xcc: {  	s0 =	rddreg [dreg:$0x0];
	s2 =	stileid.u32  }
0xcd: {  	s1 =	rddreg [dreg:$0x1];
	p0 =	sne.s32 s2, $0x0  }
0xce: {  	s3 =	rddreg [dreg:$0x2];
	[bflag:$0x3] =	sbarrier.arrive $0xFFFF;
	s2 =	simm.s32 @!p0 $0x1C05  }
0xcf: {  	[timem:s3], [sflag:s2] =	dma.local @!p0 [hbm:s0], s1  }
0xd0: {  	s0 =	simm.s32 @!p0 $0x5  }
0xd1: {  	_ =	swait.ge @!p0 [sflag:s0], s1  }
0xd2: {  	s1 =	ssub.s32 @!p0 $0x0, s1;
	[sflag:s0] =	ssyncset.done @!p0 $0x0  }
0xd3: {  	[sflag:s0] =	ssyncadd.s32 @!p0 s1  }
0xd4: {  	[bflag:$0x3] =	sbarrier.arrive $0xFFFF  }
0xd5: {  	_ =	shalt  }

// kernel: kernel.7.cloned.1.call-start
scs
__scs_entry_jumppad:
0x0: {  	(pc) =	sbr.rel $0x88, $3  }
0x1: {  	(tag) =	ssettag $0x0;
	lr =	simm.s32 $0x1  }
0x2: {  	[smem:$0x3F97] =	sst lr;
	_ =	strace $0xD0000000  }
0x3: {  	_ = 	snop  }
0x4: {  	_ = 	snop  }
0x5: {  	_ = 	snop  }
0x6: {  	_ = 	snop  }
0x7: {  	_ = 	snop  }
__scs_overlays_trampoline_lowered:
0x8: {  	[smem:$0x3FA6] =	sst s0  }
0x9: {  	[smem:$0x3FA7] =	sst s1  }
0xa: {  	[smem:$0x3FA8] =	sst s2  }
0xb: {  	[smem:$0x3FA9] =	sst s3  }
0xc: {  	[smem:$0x3FAA] =	sst s4  }
0xd: {  	[smem:$0x3FAB] =	sst s5  }
0xe: {  	[smem:$0x3FAC] =	sst s6  }
0xf: {  	[smem:$0x3FAD] =	sst s7  }
0x10: {  	[smem:$0x3FAE] =	sst s8  }
0x11: {  	[smem:$0x3FAF] =	sst s9;
	s0 =	simm.s32 @!p0 $0x0  }
0x12: {  	s1 =	sld [smem:$0x3F95];
	s0 =	simm.s32 @p0 $0x1  }
0x13: {  	[smem:$0x3FB0] =	sst s0;
	s0 =	simm.s32 @!p1 $0x0  }
0x14: {  	s2 =	sld [smem:$0x3F94];
	s0 =	simm.s32 @p1 $0x1  }
0x15: {  	[smem:$0x3FB1] =	sst s0;
	s0 =	simm.s32 @!p2 $0x0  }
0x16: {  	s3 =	sld [smem:$0x3FDB];
	s0 =	simm.s32 @p2 $0x1  }
0x17: {  	s4 =	simm.s32 $0x1BF5;
	[smem:$0x3FB3] =	sst s0  }
0x18: {  	s0 =	sld [smem:$0x3F96];
	_ =	swait.ge [sflag:s4], $0x0  }
0x19: {  	s7 =	sld [smem:$0x3F97]  }
0x1a: {  	s8 =	sadd.s32 $0xFFFFE003, lr  }
0x1b: {  	s9 =	sadd.s32 $0xFFFFFEF7, lr;
	s5 =	simm.s32 $0xFFFFFFFF;
	p2 =	slt.u32 s8, $0xFFFFF086  }
0x1c: {  	p1 =	slt.u32 s9, $0xF7A;
	s5 =	simm.s32 @!p2 $0x0  }
0x1d: {  	s5 =	simm.s32 @p1 $0x1;
	p0 =	seq.s32 s7, s2  }
0x1e: {  	s7 =	smul.u32 @!p0 $0xF7A, s2;
	p2 =	seq.s32 @!p0 s5, $0x0  }
0x1f: {  	s9 =	smul.u32 $0xF7A, s1;
	s8 =	simm.s32 @!p0 $0x1BF5;
	p2 =	por !p2, p0  }
0x20: {  	[sflag:s8] =	ssyncset.s32 @!p0 $0xFFFFF086;
	s6 =	sadd.s32 @!p0 s3, s7;
	s7 =	simm.s32 @!p0 $0x108  }
0x21: {  	s3 =	sadd.s32 s3, s9;
	s6 =	sadd.s32 @!p0 $0x88, s6;
	s7 =	simm.s32 @p2 $0x1082  }
0x22: {  	[simem:s7], [sflag:s8] =	dma.local @!p0 [hbm:s6], $0xF7A  }
0x23: {  	s9 =	sor.u32 $0xD0000000, s2;
	s6 =	simm.s32 $0x108;
	_ =	swait.ge @!p0 [sflag:s8], $0x0  }
0x24: {  	s3 =	sadd.s32 $0x88, s3;
	s6 =	simm.s32 @!p1 $0x1082;
	[sflag:s4] =	ssyncset.s32 $0xFFFFF086  }
0x25: {  	[simem:s6], [sflag:s4] =	dma.local [hbm:s3], $0xF7A  }
0x26: {  	[smem:$0x3F97] =	sst s1;
	(tag) =	ssettag s2;
	_ =	strace s9  }
0x27: {  	s1 =	sld [smem:$0x3FA7]  }
0x28: {  	s2 =	sld [smem:$0x3FA8]  }
0x29: {  	s4 =	sld [smem:$0x3FAA]  }
0x2a: {  	p0 =	seq.s32 s5, $0x0;
	s5 =	sld [smem:$0x3FAB]  }
0x2b: {  	s6 =	sld [smem:$0x3FAC]  }
0x2c: {  	s7 =	sld [smem:$0x3FAD]  }
0x2d: {  	s3 =	simm.s32 $0x108;
	s8 =	sld [smem:$0x3FAE]  }
0x2e: {  	s3 =	simm.s32 @!p0 $0x1082;
	s9 =	sld [smem:$0x3FAF]  }
0x2f: {  	lr =	sadd.s32 s0, s3;
	s0 =	sld [smem:$0x3FA6]  }
0x30: {  	s3 =	sld [smem:$0x3FA9]  }
0x31: {  	[smem:$0x3FB2] =	sst s10  }
0x32: {  	s10 =	sld [smem:$0x3FB0];
	_ =	sdelay $0x3  }
0x33: {  	p0 =	seq.s32 s10, $0x1;
	s10 =	sld [smem:$0x3FB2];
	_ =	sdelay $0x3  }
0x34: {  	[smem:$0x3FB2] =	sst s10  }
0x35: {  	s10 =	sld [smem:$0x3FB1];
	_ =	sdelay $0x3  }
0x36: {  	p1 =	seq.s32 s10, $0x1;
	s10 =	sld [smem:$0x3FB2];
	_ =	sdelay $0x3  }
0x37: {  	[smem:$0x3FB2] =	sst s10  }
0x38: {  	s10 =	sld [smem:$0x3FB3]  }
0x39: {  	_ = 	snop;
	(pc) =	sbr.ind lr, $3  }
0x3a: {  	_ = 	snop  }
0x3b: {  	_ = 	snop  }
0x3c: {  	p2 =	seq.s32 s10, $0x1;
	s10 =	sld [smem:$0x3FB2]  }
0x3d: {  	_ =	shalt  }
0x3e: {  	_ =	shalt  }
0x3f: {  	_ =	shalt  }
0x40: {  	_ =	shalt  }
0x41: {  	_ =	shalt  }
0x42: {  	_ =	shalt  }
0x43: {  	_ =	shalt  }
0x44: {  	_ =	shalt  }
0x45: {  	_ =	shalt  }
0x46: {  	_ =	shalt  }
0x47: {  	_ =	shalt  }
0x48: {  	_ =	shalt  }
0x49: {  	_ =	shalt  }
0x4a: {  	_ =	shalt  }
0x4b: {  	_ =	shalt  }
0x4c: {  	_ =	shalt  }
0x4d: {  	_ =	shalt  }
0x4e: {  	_ =	shalt  }
0x4f: {  	_ =	shalt  }
0x50: {  	_ =	shalt  }
0x51: {  	_ =	shalt  }
0x52: {  	_ =	shalt  }
0x53: {  	_ =	shalt  }
0x54: {  	_ =	shalt  }
0x55: {  	_ =	shalt  }
0x56: {  	_ =	shalt  }
0x57: {  	_ =	shalt  }
0x58: {  	_ =	shalt  }
0x59: {  	_ =	shalt  }
0x5a: {  	_ =	shalt  }
0x5b: {  	_ =	shalt  }
0x5c: {  	_ =	shalt  }
0x5d: {  	_ =	shalt  }
0x5e: {  	_ =	shalt  }
0x5f: {  	_ =	shalt  }
0x60: {  	_ =	shalt  }
0x61: {  	_ =	shalt  }
0x62: {  	_ =	shalt  }
0x63: {  	_ =	shalt  }
0x64: {  	_ =	shalt  }
0x65: {  	_ =	shalt  }
0x66: {  	_ =	shalt  }
0x67: {  	_ =	shalt  }
0x68: {  	_ =	shalt  }
0x69: {  	_ =	shalt  }
0x6a: {  	_ =	shalt  }
0x6b: {  	_ =	shalt  }
0x6c: {  	_ =	shalt  }
0x6d: {  	_ =	shalt  }
0x6e: {  	_ =	shalt  }
0x6f: {  	_ =	shalt  }
0x70: {  	_ =	shalt  }
0x71: {  	_ =	shalt  }
0x72: {  	_ =	shalt  }
0x73: {  	_ =	shalt  }
0x74: {  	_ =	shalt  }
0x75: {  	_ =	shalt  }
0x76: {  	_ =	shalt  }
0x77: {  	_ =	shalt  }
0x78: {  	_ =	shalt  }
0x79: {  	_ =	shalt  }
0x7a: {  	_ =	shalt  }
0x7b: {  	_ =	shalt  }
0x7c: {  	_ =	shalt  }
0x7d: {  	_ =	shalt  }
0x7e: {  	_ =	shalt  }
0x7f: {  	_ =	shalt  }
0x80: {  	_ =	shalt  }
0x81: {  	_ =	shalt  }
0x82: {  	_ =	shalt  }
0x83: {  	_ =	shalt  }
0x84: {  	_ =	shalt  }
0x85: {  	_ =	shalt  }
0x86: {  	_ =	shalt  }
0x87: {  	_ =	shalt  }
.Lfunc_end0:
.L_simem_size_0:
called_computation_lowered:
.L_overlay_start_0:
0x88: {  	s2 =	sld [smem:$0x3FD9]  }
0x89: {  	s3 =	sld [smem:$0x3FFE];
	_ =	sdelay $0x1  }
0x8a: {  	s1 =	srdreg.scid  }
0x8b: {  	s0 =	sand.u32 $0x1, s1  }
0x8c: {  	s17 =	sshll.u32 s0, $0xA;
	s2 =	sadd.s32 s3, s2  }
0x8d: {  	s2 =	sadd.s32 s2, s17  }
0x8e: {  	[smem:$0x3FBE] =	sst s2  }
0x8f: {  	_ = 	snop  }
0x90: {  	s2 =	sld [smem:$0x3FD0];
	(tm) =	ssettm $0x1  }
0x91: {  	s18 =	sld [smem:$0x3FFB];
	_ =	sdelay $0x3  }
0x92: {  	_ =	strace s18  }
0x93: {  	s3 =	sld [smem:$0x3FFC];
	_ =	sdelay $0x3  }
0x94: {  	_ =	strace s3  }
0x95: {  	s3 =	sld [smem:$0x3FFD];
	_ =	sdelay $0x3  }
0x96: {  	_ =	strace s3  }
0x97: {  	_ =	strace $0x8FFFFFFF  }
0x98: {  	s19 =	sld [smem:$0x3FDB];
	_ =	sdelay $0x1  }
0x99: {  	s4 =	simm.s32 $_scs_section_size  }
0x9a: {  	s5 =	simm.s32 $_size__tile_overlayer_lowered;
	s6 =	simm.s32 $_tile_overlayer_lowered  }
0x9b: {  	s22 =	simm.s32 $0x1BFF;
	s21 =	sshll.u32 s6, $0x1;
	s3 =	sadd.s32 s4, s19  }
0x9c: {  	s7 =	simm.s32 $0x0;
	s20 =	sshll.u32 s5, $0x1;
	s5 =	sadd.s32 s21, s3  }
0x9d: {  	[timem:s7], [sflag:s22] =	dma.local [hbm:s5], s20  }
0x9e: {  	_ =	swait.ge [sflag:s22], s20  }
0x9f: {  	s4 =	ssub.s32 $0x0, s20;
	[sflag:s22] =	ssyncset.done $0x0  }
0xa0: {  	[sflag:s22] =	ssyncadd.s32 s4;
	_ =	sdelay $0x1  }
0xa1: {  	s23 =	simm.s32 $0x1B8B  }
0xa2: {  	_ =	swait.ge [sflag:s23], $0x1  }
0xa3: {  	[sflag:s23] =	ssyncset.done $0x0  }
0xa4: {  	s25 =	simm.s32 $0x1B8E;
	s24 =	sld [smem:$0x3FFE];
	[sflag:s23] =	ssyncadd.s32 $0xFFFFFFFF  }
0xa5: {  	s26 =	simm.s32 $execute0_lowered;
	[smem:$0x3FD2] =	sst s25  }
0xa6: {  	s5 =	sshll.u32 s26, $0x1;
	_ =	strace $0x80000046;
	[dreg:$0x1] =	wrdreg $0xFFFFFFFF  }
0xa7: {  	s28 =	simm.s32 $_size_execute0_lowered;
	s3 =	sadd.s32 s3, s5;
	[dreg:$0x0] =	wrdreg $0x0  }
0xa8: {  	s5 =	sshll.u32 s28, $0x1;
	[dreg:$0x2] =	wrdreg s3  }
0xa9: {  	[dreg:$0x3] =	wrdreg s5  }
0xaa: {  	[dreg:$0x4] =	wrdreg $0xC0  }
0xab: {  	_ =	task [dreg:s7], $0x5FFFF  }
0xac: {  	[dreg:$0x1] =	wrdreg $0xFFFFFFFF  }
0xad: {  	[dreg:$0x0] =	wrdreg $0x60  }
0xae: {  	[dreg:$0x2] =	wrdreg s2  }
0xaf: {  	[dreg:$0x3] =	wrdreg s24  }
0xb0: {  	[dreg:$0x4] =	wrdreg $0x0  }
0xb1: {  	[dreg:$0x5] =	wrdreg $0x1C2000  }
0xb2: {  	[dreg:$0x6] =	wrdreg $0x9  }
0xb3: {  	_ =	task.clear_ibuf [dreg:s7], $0x7FFFF;
	_ =	strace $0x90000046  }
0xb4: {  	s29 =	simm.s32 $0x9;
	_ =	strace $0x80000048  }
0xb5: {  	_ =	swait.ge [sflag:s29], $0x1  }
0xb6: {  	[sflag:s29] =	ssyncadd.s32 $0xFFFFFFFF  }
0xb7: {  	_ =	strace $0x90000048  }
0xb8: {  	_ =	sfence  }
0xb9: {  	s30 =	sld [smem:$0x0];
	_ =	sdelay $0x2  }
0xba: {  	s31 =	sshll.u32 s1, $0xD;
	s1 =	sshrl.u32 s1, $0x2  }
0xbb: {  	s3 =	sand.u32 $0x4000, s31;
	s1 =	sadd.s32 s1, s30  }
0xbc: {  	s0 =	sor.u32 s3, s0;
	s1 =	sshll.u32 s1, $0x11  }
0xbd: {  	s0 =	sor.u32 s1, s0  }
0xbe: {  	s0 =	sadd.s32 $0x8F2B, s0  }
0xbf: {  	[sflag:s0] =	ssyncadd.remote.s32 $0x1  }
0xc0: {  	_ =	sfence.sel $0xFFFF  }
0xc1: {  	[dreg:$0x0] =	wrdreg $0xFFFFFFFF;
	(pc) =	sbr.abs _section_cstart, $3  }
0xc2: {  	[dreg:$0x1] =	wrdreg $0xFFFFFFFF  }
0xc3: {  	_ =	task.clear_ibuf [dreg:s7], $0x2FFFF;
	_ =	strace $0x9FFFFFFF  }
0xc4: {  	(tm) =	ssettm $0x7FFFFFFF  }
0xc5: {  	_ =	shalt  }
tec
execute0_lowered:
.L_overlay_start_1:
0x0: {  	(tag) =	ssettag $0x1  }
0x1: {  	s1 =	rddreg [dreg:$0x0]  }
0x2: {  	s0 =	rddreg [dreg:$0x1]  }
0x3: {  	s2 =	rddreg [dreg:$0x2]  }
0x4: {  	s3 =	rddreg [dreg:$0x3];
	s4 =	simm.s32 $0x0  }
0x5: {  	s5 =	srdreg.scid;
	s12 =	stileid.u32;
	s29 =	simm.s32 $0x1C480  }
0x6: {  	s30 =	simm.s32 $0x3;
	s31 =	simm.s32 $0x4;
	[smem:$0x7FF] =	sst s4  }
0x7: {  	s6 =	sadd.s32 $0xC000, s0;
	s7 =	sadd.s32 $0x2000, s0;
	s5 =	sand.u32 $0x1, s5  }
0x8: {  	s8 =	smul.u32 $0x500, s12;
	s9 =	sadd.s32 $0x16400, s0;
	s24 =	sadd.s32 $0x16200, s0  }
0x9: {  	s16 =	smul.u32 $0x280, s12;
	_ =	strace $0x80000047;
	[dreg:$0x5] =	wrdreg s9  }
0xa: {  	s10 =	sadd.s32 $0x16000, s0;
	s11 =	smul.u32 $0x50000, s12;
	[dreg:$0x6] =	wrdreg s24  }
0xb: {  	s20 =	smul.u32 $0x14000, s12;
	s25 =	sshll.u32 s5, $0x7;
	[dreg:$0x7] =	wrdreg s10  }
0xc: {  	s10 =	sadd.s32 $0x17600, s0;
	s26 =	ssub.s32 $0x2, s5;
	s14 =	sshll.u32 s5, $0x4  }
0xd: {  	s5 =	smul.u32 $0x140000, s5;
	s8 =	sor.u32 s25, s8;
	s13 =	sshrl.u32 s26, $0x1  }
0xe: {  	s15 =	sshll.u32 s16, $0x7;
	s9 =	sor.u32 s12, s14;
	s11 =	sshrl.u32 s11, $0x2  }
0xf: {  	s8 =	sshrl.u32 s8, $0x3;
	s17 =	sadd.s32 $0x4000, s15;
	s22 =	sadd.s32 s11, s2  }
0x10: {  	s18 =	sadd.s32 $0x8000, s15;
	s19 =	sadd.s32 $0xC000, s15;
	s15 =	sadd.s32 $0x10000, s15  }
0x11: {  	s20 =	sadd.s32 s20, s5;
	s11 =	sadd.s32 s16, s3;
	s0 =	sadd.s32 s8, s0  }
0x12: {  	s8 =	ssub.s32 s26, s13;
	s23 =	sadd.s32 s17, s2;
	s12 =	sadd.s32 s18, s2  }
0x13: {  	s24 =	sadd.s32 s19, s2;
	s17 =	sadd.s32 s5, s17;
	s18 =	sadd.s32 s5, s18  }
0x14: {  	s19 =	sadd.s32 s5, s19;
	s5 =	sadd.s32 s5, s15;
	s28 =	sadd.s32 s15, s2  }
0x15: {  	s20 =	sshrl.u32 s20, $0x3;
	[dreg:$0x9] =	wrdreg s11;
	s21 =	sshrl.u32 s17, $0x3  }
0x16: {  	s17 =	smul.u32 $0x2800, s9;
	s15 =	sadd.s32 s10, s20;
	[dreg:$0x8] =	wrdreg s28  }
0x17: {  	s20 =	sshrl.u32 s18, $0x3;
	s5 =	sshrl.u32 s5, $0x3;
	[dreg:$0xa] =	wrdreg s24  }
0x18: {  	s0 =	sadd.s32 $0x16C00, s0;
	s26 =	smax.u32 s8, $0x1;
	[dreg:$0x12] =	wrdreg s12  }
0x19: {  	s8 =	simm.s32 $0x14080;
	s18 =	simm.s32 $0x18200;
	[dreg:$0xb] =	wrdreg s15  }
0x1a: {  	s16 =	sadd.s32 s10, s21;
	s21 =	sshrl.u32 s19, $0x3;
	[dreg:$0x10] =	wrdreg s0  }
0x1b: {  	s9 =	sadd.s32 s10, s20;
	s5 =	sadd.s32 s10, s5;
	[dreg:$0x11] =	wrdreg s26  }
0x1c: {  	s26 =	simm.s32 $0x5;
	s0 =	simm.s32 $0x14000;
	[dreg:$0xc] =	wrdreg s16  }
0x1d: {  	s19 =	simm.s32 $0x1;
	s20 =	simm.s32 $0x2;
	[dreg:$0xd] =	wrdreg s9  }
0x1e: {  	s15 =	simm.s32 $0x1C500;
	s25 =	sadd.s32 s10, s21;
	[dreg:$0xf] =	wrdreg s5  }
0x1f: {  	s5 =	simm.s32 $0x14100;
	s9 =	simm.s32 $0x14180;
	s10 =	simm.s32 $0x80  }
0x20: {  	s21 =	simm.s32 $0x0;
	[dreg:$0xe] =	wrdreg s25;
	s25 =	simm.s32 $0x14200  }
.LBB2_1:
0x21: {  	s14 =	rddreg [dreg:$0x5]  }
0x22: {  	[tilespmem:s25], [sflag:$0x5] =	stream.linear.gather [hbm4b:s14+s4], $0x4000, $0x38;
	[tilespmem:$0x1C780] =	vst v63  }
0x23: {  	_ =	swait.ge [sflag:s26], $0x4000  }
0x24: {  	[sflag:s26] =	ssyncset.done $0x0  }
0x25: {  	[sflag:s26] =	ssyncadd.s32 $0xFFFFC000  }
0x26: {  	[spmem:s22] =	stream.linear.scatter [tilespmem:s25], [sflag:$0x3], $0x4000, $0x38;
	[tilespmem:$0x1C780] =	vst v63  }
0x27: {  	_ = 	snop  }
0x28: {  	[spmem:s23] =	stream.linear.scatter [tilespmem:s25], [sflag:$0x4], $0x4000, $0x38;
	[tilespmem:$0x1C780] =	vst v63  }
0x29: {  	_ = 	snop  }
0x2a: {  	[spmem:s12] =	stream.linear.scatter [tilespmem:s25], [sflag:$0x3], $0x4000, $0x38;
	[tilespmem:$0x1C780] =	vst v63  }
0x2b: {  	_ = 	snop  }
0x2c: {  	[spmem:s24] =	stream.linear.scatter [tilespmem:s25], [sflag:$0x4], $0x4000, $0x38;
	[tilespmem:$0x1C780] =	vst v63  }
0x2d: {  	_ = 	snop  }
0x2e: {  	[spmem:s28] =	stream.linear.scatter [tilespmem:s25], [sflag:$0x3], $0x4000, $0x38;
	[tilespmem:$0x1C780] =	vst v63  }
0x2f: {  	s12 =	rddreg [dreg:$0x6]  }
0x30: {  	[tilespmem:s15], [sflag:$0x5] =	stream.linear.gather [hbm4b:s12+s4], $0x280, $0x38;
	[tilespmem:$0x1C780] =	vst v63  }
0x31: {  	_ =	swait.ge [sflag:s26], $0x280  }
0x32: {  	[sflag:s26] =	ssyncset.done $0x0  }
0x33: {  	s16 =	smov.u32 s11;
	[sflag:s26] =	ssyncadd.s32 $0xFFFFFD80  }
0x34: {  	[spmem:s16] =	stream.linear.scatter [tilespmem:s15], [sflag:$0x5], $0x280, $0x38;
	[tilespmem:$0x1C780] =	vst v63  }
0x35: {  	_ =	swait.ge [sflag:s26], $0x280  }
0x36: {  	[sflag:s26] =	ssyncset.done $0x0  }
0x37: {  	s13 =	smov.u32 s22;
	s22 =	rddreg [dreg:$0x7];
	[sflag:s26] =	ssyncadd.s32 $0xFFFFFD80  }
0x38: {  	[tilespmem:s29], [sflag:$0x5] =	stream.linear.gather [hbm4b:s22+s4], $0x80, $0x38;
	[tilespmem:$0x1C780] =	vst v63  }
0x39: {  	_ =	swait.ge [sflag:s26], $0x80  }
0x3a: {  	[sflag:s26] =	ssyncset.done $0x0  }
0x3b: {  	[sflag:s26] =	ssyncadd.s32 $0xFFFFFF80  }
0x3c: {  	_ =	swait.ge [sflag:s30], $0x4000  }
0x3d: {  	[sflag:s30] =	ssyncset.done $0x0  }
0x3e: {  	[sflag:s30] =	ssyncadd.s32 $0xFFFFC000  }
0x3f: {  	_ =	swait.ge [sflag:s31], $0x4000  }
0x40: {  	[sflag:s31] =	ssyncset.done $0x0  }
0x41: {  	[sflag:s31] =	ssyncadd.s32 $0xFFFFC000  }
0x42: {  	_ =	swait.ge [sflag:s30], $0x4000  }
0x43: {  	[sflag:s30] =	ssyncset.done $0x0  }
0x44: {  	[sflag:s30] =	ssyncadd.s32 $0xFFFFC000  }
0x45: {  	_ =	swait.ge [sflag:s31], $0x4000  }
0x46: {  	[sflag:s31] =	ssyncset.done $0x0  }
0x47: {  	s14 =	smov.u32 s23;
	s23 =	sand.u32 $0x3C00, s4;
	[sflag:s31] =	ssyncadd.s32 $0xFFFFC000  }
0x48: {  	s24 =	sand.u32 $0x300, s4;
	s22 =	sadd.s32 s17, s23;
	_ =	swait.ge [sflag:s30], $0x4000  }
0x49: {  	s22 =	sor.u32 s24, s22;
	[sflag:s30] =	ssyncset.done $0x0  }
0x4a: {  	s22 =	sshrl.u32 s22, $0x3;
	[sflag:s30] =	ssyncadd.s32 $0xFFFFC000  }
0x4b: {  	s28 =	sadd.s32 s6, s22;
	[bflag:$0x0] =	sbarrier.arrive $0xFFFF  }
0x4c: {  	[tilespmem:s0], [sflag:$0x5] =	stream.linear.gather [hbm4b:s28+s4], $0x80, $0x38;
	[tilespmem:$0x1C780] =	vst v63  }
0x4d: {  	_ =	swait.ge [sflag:s26], $0x80  }
0x4e: {  	[sflag:s26] =	ssyncset.done $0x0  }
0x4f: {  	s11 =	sadd.s32 s7, s22;
	[sflag:s26] =	ssyncadd.s32 $0xFFFFFF80  }
0x50: {  	[tilespmem:s5], [sflag:$0x5] =	stream.linear.gather [hbm4b:s11+s4], $0x80, $0x38;
	[tilespmem:$0x1C780] =	vst v63  }
0x51: {  	_ =	swait.ge [sflag:s26], $0x80  }
0x52: {  	s22 =	sor.u32 $0x10, s22;
	[sflag:s26] =	ssyncset.done $0x0  }
0x53: {  	s12 =	sadd.s32 s6, s22;
	[sflag:s26] =	ssyncadd.s32 $0xFFFFFF80  }
0x54: {  	[tilespmem:s8], [sflag:$0x5] =	stream.linear.gather [hbm4b:s12+s4], $0x80, $0x38;
	[tilespmem:$0x1C780] =	vst v63  }
0x55: {  	_ =	swait.ge [sflag:s26], $0x80  }
0x56: {  	[sflag:s26] =	ssyncset.done $0x0  }
0x57: {  	s22 =	sadd.s32 s7, s22;
	[sflag:s26] =	ssyncadd.s32 $0xFFFFFF80  }
0x58: {  	[tilespmem:s9], [sflag:$0x5] =	stream.linear.gather [hbm4b:s22+s4], $0x80, $0x38;
	[tilespmem:$0x1C780] =	vst v63  }
0x59: {  	_ =	swait.ge [sflag:s26], $0x80  }
0x5a: {  	[sflag:s26] =	ssyncset.done $0x0  }
0x5b: {  	[sflag:s26] =	ssyncadd.s32 $0xFFFFFF80  }
0x5c: {  	[tilespmem:s25], [sflag:$0x1] =	stream.indirect.gather [hbm4b:s1+s10], $0x80, s0, s10, $0xb8;
	[tilespmem:$0x1C780] =	vst v63  }
0x5d: {  	_ = 	snop  }
0x5e: {  	[tilespmem:s18], [sflag:$0x2] =	stream.indirect.gather [hbm4b:s1+s10], $0x80, s8, s10, $0xb8;
	[tilespmem:$0x1C780] =	vst v63  }
0x5f: {  	_ =	swait.ge [sflag:s19], $0x4000  }
0x60: {  	[sflag:s19] =	ssyncset.done $0x0  }
0x61: {  	[sflag:s19] =	ssyncadd.s32 $0xFFFFC000  }
0x62: {  	[spmem:s2] =	stream.indirect.scatter.add.f32 [tilespmem:s25], [sflag:$0x5], $0x80, s5, s10, $0xb8;
	[tilespmem:$0x1C780] =	vst v63  }
0x63: {  	_ =	swait.ge [sflag:s26], $0x4000  }
0x64: {  	[sflag:s26] =	ssyncset.done $0x0  }
0x65: {  	[sflag:s26] =	ssyncadd.s32 $0xFFFFC000  }
0x66: {  	[spmem:s3] =	stream.indirect.scatter.add.f32 [tilespmem:s29], [sflag:$0x5], $0x1, s5, s10, $0xb8;
	[tilespmem:$0x1C780] =	vst v63  }
0x67: {  	_ =	swait.ge [sflag:s26], $0x80  }
0x68: {  	[sflag:s26] =	ssyncset.done $0x0  }
0x69: {  	[sflag:s26] =	ssyncadd.s32 $0xFFFFFF80  }
0x6a: {  	_ =	swait.ge [sflag:s20], $0x4000  }
0x6b: {  	[sflag:s20] =	ssyncset.done $0x0  }
0x6c: {  	[sflag:s20] =	ssyncadd.s32 $0xFFFFC000  }
0x6d: {  	[spmem:s2] =	stream.indirect.scatter.add.f32 [tilespmem:s18], [sflag:$0x5], $0x80, s9, s10, $0xb8;
	[tilespmem:$0x1C780] =	vst v63  }
0x6e: {  	_ =	swait.ge [sflag:s26], $0x4000  }
0x6f: {  	s24 =	simm.s32 $0x100;
	[sflag:s26] =	ssyncset.done $0x0  }
0x70: {  	s16 =	simm.s32 $0x1C500;
	s28 =	sand.u32 $0x3C00, s24;
	[sflag:s26] =	ssyncadd.s32 $0xFFFFC000  }
0x71: {  	[spmem:s3] =	stream.indirect.scatter.add.f32 [tilespmem:s29], [sflag:$0x5], $0x1, s9, s10, $0xb8;
	[tilespmem:$0x1C780] =	vst v63  }
0x72: {  	s23 =	sadd.s32 s17, s28;
	s22 =	sand.u32 $0x300, s24;
	_ =	swait.ge [sflag:s26], $0x80  }
0x73: {  	s23 =	sor.u32 s22, s23;
	s22 =	simm.s32 $0x200;
	[sflag:s26] =	ssyncset.done $0x0  }
.LBB2_2:
0x74: {  	s11 =	sshrl.u32 s23, $0x3  }
0x75: {  	[sflag:s26] =	ssyncadd.s32 $0xFFFFFF80;
	s23 =	smov.u32 s22;
	s24 =	sadd.s32 $0x100, s22  }
0x76: {  	p0 =	sne.s32 s22, $0x2700;
	s22 =	sadd.s32 s6, s11;
	s12 =	sor.u32 $0x10, s11  }
0x77: {  	[tilespmem:s0], [sflag:$0x5] =	stream.linear.gather [hbm4b:s22+s4], $0x80, $0x38;
	[tilespmem:$0x1C780] =	vst v63  }
0x78: {  	_ =	swait.ge [sflag:s26], $0x80  }
0x79: {  	[sflag:s26] =	ssyncset.done $0x0  }
0x7a: {  	s11 =	sadd.s32 s7, s11;
	[sflag:s26] =	ssyncadd.s32 $0xFFFFFF80  }
0x7b: {  	[tilespmem:s5], [sflag:$0x5] =	stream.linear.gather [hbm4b:s11+s4], $0x80, $0x38;
	[tilespmem:$0x1C780] =	vst v63  }
0x7c: {  	_ =	swait.ge [sflag:s26], $0x80  }
0x7d: {  	[sflag:s26] =	ssyncset.done $0x0  }
0x7e: {  	s11 =	sadd.s32 s6, s12;
	[sflag:s26] =	ssyncadd.s32 $0xFFFFFF80  }
0x7f: {  	[tilespmem:s8], [sflag:$0x5] =	stream.linear.gather [hbm4b:s11+s4], $0x80, $0x38;
	[tilespmem:$0x1C780] =	vst v63  }
0x80: {  	_ =	swait.ge [sflag:s26], $0x80  }
0x81: {  	[sflag:s26] =	ssyncset.done $0x0  }
0x82: {  	s11 =	sadd.s32 s7, s12;
	[sflag:s26] =	ssyncadd.s32 $0xFFFFFF80  }
0x83: {  	[tilespmem:s9], [sflag:$0x5] =	stream.linear.gather [hbm4b:s11+s4], $0x80, $0x38;
	[tilespmem:$0x1C780] =	vst v63  }
0x84: {  	_ =	swait.ge [sflag:s26], $0x80  }
0x85: {  	[sflag:s26] =	ssyncset.done $0x0  }
0x86: {  	[sflag:s26] =	ssyncadd.s32 $0xFFFFFF80  }
0x87: {  	[tilespmem:s25], [sflag:$0x1] =	stream.indirect.gather [hbm4b:s1+s10], $0x80, s0, s10, $0xb8;
	[tilespmem:$0x1C780] =	vst v63  }
0x88: {  	_ = 	snop  }
0x89: {  	[tilespmem:s18], [sflag:$0x2] =	stream.indirect.gather [hbm4b:s1+s10], $0x80, s8, s10, $0xb8;
	[tilespmem:$0x1C780] =	vst v63  }
0x8a: {  	_ =	swait.ge [sflag:s19], $0x4000  }
0x8b: {  	[sflag:s19] =	ssyncset.done $0x0  }
0x8c: {  	[sflag:s19] =	ssyncadd.s32 $0xFFFFC000  }
0x8d: {  	[spmem:s2] =	stream.indirect.scatter.add.f32 [tilespmem:s25], [sflag:$0x5], $0x80, s5, s10, $0xb8;
	[tilespmem:$0x1C780] =	vst v63  }
0x8e: {  	_ =	swait.ge [sflag:s26], $0x4000  }
0x8f: {  	[sflag:s26] =	ssyncset.done $0x0  }
0x90: {  	[sflag:s26] =	ssyncadd.s32 $0xFFFFC000  }
0x91: {  	[spmem:s3] =	stream.indirect.scatter.add.f32 [tilespmem:s29], [sflag:$0x5], $0x1, s5, s10, $0xb8;
	[tilespmem:$0x1C780] =	vst v63  }
0x92: {  	_ =	swait.ge [sflag:s26], $0x80  }
0x93: {  	[sflag:s26] =	ssyncset.done $0x0  }
0x94: {  	[sflag:s26] =	ssyncadd.s32 $0xFFFFFF80  }
0x95: {  	_ =	swait.ge [sflag:s20], $0x4000  }
0x96: {  	[sflag:s20] =	ssyncset.done $0x0  }
0x97: {  	[sflag:s20] =	ssyncadd.s32 $0xFFFFC000  }
0x98: {  	[spmem:s2] =	stream.indirect.scatter.add.f32 [tilespmem:s18], [sflag:$0x5], $0x80, s9, s10, $0xb8;
	[tilespmem:$0x1C780] =	vst v63  }
0x99: {  	_ =	swait.ge [sflag:s26], $0x4000  }
.Ltmp0:
0x9a: {  	[sflag:s26] =	ssyncset.done $0x0;
	(pc) =	sbr.rel @p0 .LBB2_2-.Ltmp0, $4  }
0x9b: {  	s11 =	sand.u32 $0x3C00, s23;
	[sflag:s26] =	ssyncadd.s32 $0xFFFFC000  }
0x9c: {  	[spmem:s3] =	stream.indirect.scatter.add.f32 [tilespmem:s29], [sflag:$0x5], $0x1, s9, s10, $0xb8;
	[tilespmem:$0x1C780] =	vst v63  }
0x9d: {  	s12 =	sand.u32 $0x300, s23;
	s11 =	sadd.s32 s17, s11;
	_ =	swait.ge [sflag:s26], $0x80  }
0x9e: {  	s22 =	smov.u32 s24;
	s23 =	sor.u32 s12, s11;
	[sflag:s26] =	ssyncset.done $0x0  }
0x9f: {  	s11 =	sshrl.u32 s23, $0x3  }
0xa0: {  	[sflag:s26] =	ssyncadd.s32 $0xFFFFFF80;
	s12 =	sadd.s32 s6, s11  }
0xa1: {  	[tilespmem:s0], [sflag:$0x5] =	stream.linear.gather [hbm4b:s12+s4], $0x80, $0x38;
	[tilespmem:$0x1C780] =	vst v63  }
0xa2: {  	_ =	swait.ge [sflag:s26], $0x80  }
0xa3: {  	[sflag:s26] =	ssyncset.done $0x0  }
0xa4: {  	s23 =	sadd.s32 s7, s11;
	[sflag:s26] =	ssyncadd.s32 $0xFFFFFF80  }
0xa5: {  	[tilespmem:s5], [sflag:$0x5] =	stream.linear.gather [hbm4b:s23+s4], $0x80, $0x38;
	[tilespmem:$0x1C780] =	vst v63  }
0xa6: {  	_ =	swait.ge [sflag:s26], $0x80  }
0xa7: {  	s11 =	sor.u32 $0x10, s11;
	[sflag:s26] =	ssyncset.done $0x0  }
0xa8: {  	s24 =	sadd.s32 s6, s11;
	[sflag:s26] =	ssyncadd.s32 $0xFFFFFF80  }
0xa9: {  	[tilespmem:s8], [sflag:$0x5] =	stream.linear.gather [hbm4b:s24+s4], $0x80, $0x38;
	[tilespmem:$0x1C780] =	vst v63  }
0xaa: {  	_ =	swait.ge [sflag:s26], $0x80  }
0xab: {  	[sflag:s26] =	ssyncset.done $0x0  }
0xac: {  	s11 =	sadd.s32 s7, s11;
	[sflag:s26] =	ssyncadd.s32 $0xFFFFFF80  }
0xad: {  	[tilespmem:s9], [sflag:$0x5] =	stream.linear.gather [hbm4b:s11+s4], $0x80, $0x38;
	[tilespmem:$0x1C780] =	vst v63  }
0xae: {  	_ =	swait.ge [sflag:s26], $0x80  }
0xaf: {  	[sflag:s26] =	ssyncset.done $0x0  }
0xb0: {  	[sflag:s26] =	ssyncadd.s32 $0xFFFFFF80  }
0xb1: {  	[tilespmem:s25], [sflag:$0x1] =	stream.indirect.gather [hbm4b:s1+s10], $0x80, s0, s10, $0xb8;
	[tilespmem:$0x1C780] =	vst v63  }
0xb2: {  	_ = 	snop  }
0xb3: {  	[tilespmem:s18], [sflag:$0x2] =	stream.indirect.gather [hbm4b:s1+s10], $0x80, s8, s10, $0xb8;
	[tilespmem:$0x1C780] =	vst v63  }
0xb4: {  	_ =	swait.ge [sflag:s19], $0x4000  }
0xb5: {  	[sflag:s19] =	ssyncset.done $0x0  }
0xb6: {  	[sflag:s19] =	ssyncadd.s32 $0xFFFFC000  }
0xb7: {  	[spmem:s2] =	stream.indirect.scatter.add.f32 [tilespmem:s25], [sflag:$0x5], $0x80, s5, s10, $0xb8;
	[tilespmem:$0x1C780] =	vst v63  }
0xb8: {  	_ =	swait.ge [sflag:s26], $0x4000  }
0xb9: {  	[sflag:s26] =	ssyncset.done $0x0  }
0xba: {  	[sflag:s26] =	ssyncadd.s32 $0xFFFFC000  }
0xbb: {  	[spmem:s3] =	stream.indirect.scatter.add.f32 [tilespmem:s29], [sflag:$0x5], $0x1, s5, s10, $0xb8;
	[tilespmem:$0x1C780] =	vst v63  }
0xbc: {  	_ =	swait.ge [sflag:s26], $0x80  }
0xbd: {  	[sflag:s26] =	ssyncset.done $0x0  }
0xbe: {  	[sflag:s26] =	ssyncadd.s32 $0xFFFFFF80  }
0xbf: {  	_ =	swait.ge [sflag:s20], $0x4000  }
0xc0: {  	[sflag:s20] =	ssyncset.done $0x0  }
0xc1: {  	[sflag:s20] =	ssyncadd.s32 $0xFFFFC000  }
0xc2: {  	[spmem:s2] =	stream.indirect.scatter.add.f32 [tilespmem:s18], [sflag:$0x5], $0x80, s9, s10, $0xb8;
	[tilespmem:$0x1C780] =	vst v63  }
0xc3: {  	_ =	swait.ge [sflag:s26], $0x4000  }
0xc4: {  	[sflag:s26] =	ssyncset.done $0x0  }
0xc5: {  	[sflag:s26] =	ssyncadd.s32 $0xFFFFC000  }
0xc6: {  	[spmem:s3] =	stream.indirect.scatter.add.f32 [tilespmem:s29], [sflag:$0x5], $0x1, s9, s10, $0xb8;
	[tilespmem:$0x1C780] =	vst v63  }
0xc7: {  	_ =	swait.ge [sflag:s26], $0x80  }
0xc8: {  	[sflag:s26] =	ssyncset.done $0x0  }
0xc9: {  	[sflag:s26] =	ssyncadd.s32 $0xFFFFFF80  }
0xca: {  	[bflag:$0x0] =	sbarrier.arrive $0xFFFF  }
0xcb: {  	[tilespmem:s25], [sflag:$0x5] =	stream.linear.gather [spmem:s13], $0x4000, $0x38;
	[tilespmem:$0x1C780] =	vst v63  }
0xcc: {  	_ =	swait.ge [sflag:s26], $0x4000  }
0xcd: {  	[sflag:s26] =	ssyncset.done $0x0  }
0xce: {  	s22 =	smov.u32 s13;
	s13 =	rddreg [dreg:$0xb];
	[sflag:s26] =	ssyncadd.s32 $0xFFFFC000  }
0xcf: {  	[hbm4b:s13+s4] =	stream.linear.scatter [tilespmem:s25], [sflag:$0x1], $0x4000, $0x38;
	[tilespmem:$0x1C780] =	vst v63  }
0xd0: {  	_ = 	snop  }
0xd1: {  	[tilespmem:s18], [sflag:$0x5] =	stream.linear.gather [spmem:s14], $0x4000, $0x38;
	[tilespmem:$0x1C780] =	vst v63  }
0xd2: {  	_ =	swait.ge [sflag:s26], $0x4000  }
0xd3: {  	[sflag:s26] =	ssyncset.done $0x0  }
0xd4: {  	s23 =	smov.u32 s14;
	s14 =	rddreg [dreg:$0xc];
	[sflag:s26] =	ssyncadd.s32 $0xFFFFC000  }
0xd5: {  	[hbm4b:s14+s4] =	stream.linear.scatter [tilespmem:s18], [sflag:$0x2], $0x4000, $0x38;
	[tilespmem:$0x1C780] =	vst v63  }
0xd6: {  	_ =	swait.ge [sflag:s19], $0x4000  }
0xd7: {  	[sflag:s19] =	ssyncset.done $0x0  }
0xd8: {  	s12 =	rddreg [dreg:$0x12];
	[sflag:s19] =	ssyncadd.s32 $0xFFFFC000  }
0xd9: {  	[tilespmem:s25], [sflag:$0x5] =	stream.linear.gather [spmem:s12], $0x4000, $0x38;
	[tilespmem:$0x1C780] =	vst v63  }
0xda: {  	_ =	swait.ge [sflag:s26], $0x4000  }
0xdb: {  	[sflag:s26] =	ssyncset.done $0x0  }
0xdc: {  	s24 =	rddreg [dreg:$0xd];
	[sflag:s26] =	ssyncadd.s32 $0xFFFFC000  }
0xdd: {  	[hbm4b:s24+s4] =	stream.linear.scatter [tilespmem:s25], [sflag:$0x1], $0x4000, $0x38;
	[tilespmem:$0x1C780] =	vst v63  }
0xde: {  	_ =	swait.ge [sflag:s20], $0x4000  }
0xdf: {  	[sflag:s20] =	ssyncset.done $0x0  }
0xe0: {  	s24 =	rddreg [dreg:$0xa];
	[sflag:s20] =	ssyncadd.s32 $0xFFFFC000  }
0xe1: {  	[tilespmem:s18], [sflag:$0x5] =	stream.linear.gather [spmem:s24], $0x4000, $0x38;
	[tilespmem:$0x1C780] =	vst v63  }
0xe2: {  	_ =	swait.ge [sflag:s26], $0x4000  }
0xe3: {  	[sflag:s26] =	ssyncset.done $0x0  }
0xe4: {  	s13 =	rddreg [dreg:$0xe];
	[sflag:s26] =	ssyncadd.s32 $0xFFFFC000  }
0xe5: {  	[hbm4b:s13+s4] =	stream.linear.scatter [tilespmem:s18], [sflag:$0x2], $0x4000, $0x38;
	[tilespmem:$0x1C780] =	vst v63  }
0xe6: {  	_ =	swait.ge [sflag:s19], $0x4000  }
0xe7: {  	[sflag:s19] =	ssyncset.done $0x0  }
0xe8: {  	s28 =	rddreg [dreg:$0x8];
	[sflag:s19] =	ssyncadd.s32 $0xFFFFC000  }
0xe9: {  	[tilespmem:s25], [sflag:$0x5] =	stream.linear.gather [spmem:s28], $0x4000, $0x38;
	[tilespmem:$0x1C780] =	vst v63  }
0xea: {  	_ =	swait.ge [sflag:s26], $0x4000  }
0xeb: {  	[sflag:s26] =	ssyncset.done $0x0  }
0xec: {  	s14 =	rddreg [dreg:$0xf];
	[sflag:s26] =	ssyncadd.s32 $0xFFFFC000  }
0xed: {  	[hbm4b:s14+s4] =	stream.linear.scatter [tilespmem:s25], [sflag:$0x1], $0x4000, $0x38;
	[tilespmem:$0x1C780] =	vst v63  }
0xee: {  	_ =	swait.ge [sflag:s20], $0x4000  }
0xef: {  	[sflag:s20] =	ssyncset.done $0x0  }
0xf0: {  	[sflag:s20] =	ssyncadd.s32 $0xFFFFC000  }
0xf1: {  	_ =	swait.ge [sflag:s19], $0x4000  }
0xf2: {  	[sflag:s19] =	ssyncset.done $0x0  }
0xf3: {  	s11 =	rddreg [dreg:$0x9];
	[sflag:s19] =	ssyncadd.s32 $0xFFFFC000  }
0xf4: {  	[tilespmem:s16], [sflag:$0x5] =	stream.linear.gather [spmem:s11], $0x280, $0x38;
	[tilespmem:$0x1C780] =	vst v63  }
0xf5: {  	_ =	swait.ge [sflag:s26], $0x280  }
0xf6: {  	[sflag:s26] =	ssyncset.done $0x0  }
0xf7: {  	s14 =	simm.s32 $0x100;
	s13 =	rddreg [dreg:$0x10];
	[sflag:s26] =	ssyncadd.s32 $0xFFFFFD80  }
0xf8: {  	[hbm4b:s13+s10] =	stream.strided.scatter [tilespmem:s16], [sflag:$0x5], $0x280, s14, s10, $0x38;
	[tilespmem:$0x1C780] =	vst v63  }
0xf9: {  	_ =	swait.ge [sflag:s26], $0x280  }
0xfa: {  	s21 =	sadd.s32 $0x1, s21;
	s16 =	rddreg [dreg:$0x11]  }
0xfb: {  	p0 =	sne.s32 s21, s16  }
.Ltmp1:
0xfc: {  	_ = 	snop;
	(pc) =	sbr.rel @p0 .LBB2_1-.Ltmp1, $3  }
0xfd: {  	_ =	sdelay $0x1  }
0xfe: {  	[sflag:s26] =	ssyncset.done $0x0  }
0xff: {  	[sflag:s26] =	ssyncadd.s32 $0xFFFFFD80  }
0x100: {  	_ =	sfence.sel $0x180000  }
0x101: {  	[bflag:$0x0] =	sbarrier.arrive $0xFFFF  }
0x102: {  	_ =	strace $0x90000047  }
0x103: {  	s0 =	stileid.u32;
	[bflag:$0x2] =	sbarrier.arrive $0xFFFF  }
0x104: {  	p0 =	sne.s32 s0, $0x0;
	s0 =	rddreg [dreg:$0x4]  }
0x105: {  	s0 =	sadd.s32 @!p0 $0x100000, s0  }
0x106: {  	[sflag:s0] =	ssyncadd.tile.s32 @!p0 $0x1;
	_ =	shalt  }
.Lfunc_end2:
_tile_overlayer_lowered:
.L_overlay_start_2:
0x107: {  	(tag) =	ssettag $0x2  }
0x108: {  	s0 =	rddreg [dreg:$0x0];
	s2 =	stileid.u32  }
0x109: {  	s1 =	rddreg [dreg:$0x1];
	p0 =	sne.s32 s2, $0x0  }
0x10a: {  	s3 =	rddreg [dreg:$0x2];
	[bflag:$0x3] =	sbarrier.arrive $0xFFFF;
	s2 =	simm.s32 @!p0 $0x1C05  }
0x10b: {  	[timem:s3], [sflag:s2] =	dma.local @!p0 [hbm:s0], s1  }
0x10c: {  	s0 =	simm.s32 @!p0 $0x5  }
0x10d: {  	_ =	swait.ge @!p0 [sflag:s0], s1  }
0x10e: {  	s1 =	ssub.s32 @!p0 $0x0, s1;
	[sflag:s0] =	ssyncset.done @!p0 $0x0  }
0x10f: {  	[sflag:s0] =	ssyncadd.s32 @!p0 s1  }
0x110: {  	[bflag:$0x3] =	sbarrier.arrive $0xFFFF  }
0x111: {  	_ =	shalt  }

</sc_bundles>
